<compile_context>
chip_gen: v7x
topology: tpu7x:2x2x1
jax: 0.10.2.dev20260603
libtpu: 0.0.44.dev20260713+nightly
codegen_flags: <defaults>
</compile_context>

<pallas_src>
import jax
import jax.numpy as jnp
from jax import lax
from jax.experimental import pallas as pl
from jax.experimental.pallas import tpu as pltpu
from jax.experimental.pallas import tpu_sc as plsc

ATOM_DIM = 128
HID = 256
OUT_DIM = 20
N_ATOMS = 320000
N_RES = 10000
BLK_ATOMS = 128
N_BLOCKS = N_ATOMS // BLK_ATOMS
NC = 2
NS = 16
NW = NC * NS
R_PAD = 10112
CNT_W = 16
RES_PER_SUB = R_PAD // NS
CHUNKS = ((0, 128), (128, 128), (256, 128), (384, 128), (512, 120))


def _sc_sums_body(atoms, map1d, zrows, sums_out,
                  d0, d1, d2, i0, i1, i2, sl0, sl1, sl2, ss0, ss1, ss2, acc):
    cid = lax.axis_index("c")
    sid = lax.axis_index("s")
    wid = cid * NS + sid
    bufs = ((d0, i0, sl0, ss0), (d1, i1, sl1, ss1), (d2, i2, sl2, ss2))

    base = sid * RES_PER_SUB
    pltpu.sync_copy(zrows, d0)
    for off, sz in CHUNKS:
        pltpu.async_copy(d0.at[pl.ds(0, sz)], acc.at[pl.ds(base + off, sz)], ss0)
    for off, sz in CHUNKS:
        pltpu.make_async_copy(d0.at[pl.ds(0, sz)], acc.at[pl.ds(base + off, sz)], ss0).wait()
    plsc.subcore_barrier()

    def start_loads(b, buf):
        dv, iv, sl, _ = buf
        pltpu.async_copy(atoms.at[pl.ds(b * BLK_ATOMS, BLK_ATOMS)], dv, sl)
        pltpu.async_copy(map1d.at[pl.ds(b * BLK_ATOMS, BLK_ATOMS)], iv, sl)

    def wait_loads(b, buf):
        dv, iv, sl, _ = buf
        pltpu.make_async_copy(atoms.at[pl.ds(b * BLK_ATOMS, BLK_ATOMS)], dv, sl).wait()
        pltpu.make_async_copy(map1d.at[pl.ds(b * BLK_ATOMS, BLK_ATOMS)], iv, sl).wait()

    for k in range(3):
        start_loads(wid + k * NW, bufs[k])

    def step(g, carry):
        for k in range(3):
            b = wid + (3 * g + k) * NW
            dv, iv, _, ss = bufs[k]
            wait_loads(b, bufs[k])
            pltpu.async_copy(dv, acc.at[iv], ss, add=True)
            nxt = b + 3 * NW

            @pl.when(nxt < N_BLOCKS)
            def _():
                pltpu.make_async_copy(dv, acc.at[iv], ss).wait()
                start_loads(nxt, bufs[k])

        return carry

    lax.fori_loop(0, N_BLOCKS // NW // 3, step, 0)

    for k in range(3):
        b_last = wid + (N_BLOCKS // NW - 3 + k) * NW
        dv, iv, _, ss = bufs[k]

        @pl.when(b_last + 3 * NW >= N_BLOCKS)
        def _():
            pltpu.make_async_copy(dv, acc.at[iv], ss).wait()

    @pl.when(wid < N_BLOCKS - (N_BLOCKS // NW) * NW)
    def _():
        wait_loads(wid + (N_BLOCKS // NW) * NW, bufs[0])
        pltpu.sync_copy(d0, acc.at[i0], add=True)

    plsc.subcore_barrier()

    out_base = cid * R_PAD + base
    for off, sz in CHUNKS:
        pltpu.sync_copy(acc.at[pl.ds(base + off, sz)], d0.at[pl.ds(0, sz)])
        pltpu.sync_copy(d0.at[pl.ds(0, sz)], sums_out.at[pl.ds(out_base + off, sz)])


N_BLK_PAD = 2560
SUP = N_BLK_PAD // 8 // NW


def _sc_counts_body(map2d, zcnt, ones_in, cnts_out,
                    ones_v, i0, i1, sl0, sl1, ss0, ss1, ccnt):
    cid = lax.axis_index("c")
    sid = lax.axis_index("s")
    wid = cid * NS + sid
    bufs = ((i0, sl0, ss0), (i1, sl1, ss1))

    base = sid * RES_PER_SUB
    pltpu.sync_copy(zcnt, ones_v)
    for off, sz in CHUNKS:
        pltpu.async_copy(ones_v.at[pl.ds(0, sz)], ccnt.at[pl.ds(base + off, sz)], ss0)
    for off, sz in CHUNKS:
        pltpu.make_async_copy(ones_v.at[pl.ds(0, sz)], ccnt.at[pl.ds(base + off, sz)], ss0).wait()
    pltpu.sync_copy(ones_in, ones_v)
    plsc.subcore_barrier()

    def start_load(s, buf):
        iv, sl, _ = buf
        pltpu.async_copy(map2d.at[pl.ds(s * 8, 8)], iv, sl)

    def wait_load(s, buf):
        iv, sl, _ = buf
        pltpu.make_async_copy(map2d.at[pl.ds(s * 8, 8)], iv, sl).wait()

    start_load(wid, bufs[0])
    start_load(wid + NW, bufs[1])

    def step(g, carry):
        for k in range(2):
            s = wid + (2 * g + k) * NW
            iv, _, ss = bufs[k]
            wait_load(s, bufs[k])
            for j in range(8):
                pltpu.async_copy(ones_v, ccnt.at[iv.at[j]], ss, add=True)
            for j in range(8):
                pltpu.make_async_copy(ones_v, ccnt.at[iv.at[j]], ss).wait()
            nxt = s + 2 * NW

            @pl.when(nxt < N_BLK_PAD // 8)
            def _():
                start_load(nxt, bufs[k])

        return carry

    lax.fori_loop(0, SUP // 2, step, 0)
    plsc.subcore_barrier()

    out_base = cid * R_PAD + base
    for off, sz in CHUNKS:
        pltpu.sync_copy(ccnt.at[pl.ds(base + off, sz)], ones_v.at[pl.ds(0, sz)])
        pltpu.sync_copy(ones_v.at[pl.ds(0, sz)], cnts_out.at[pl.ds(out_base + off, sz)])


@jax.jit
def _sc_segment_sums(atoms, map1d, map2d, zrows, zcnt, ones_cnt):
    mesh = plsc.VectorSubcoreMesh(core_axis_name="c", subcore_axis_name="s",
                                  num_cores=NC, num_subcores=NS)
    sums = pl.kernel(
        _sc_sums_body,
        out_type=[
            jax.ShapeDtypeStruct((NC * R_PAD, ATOM_DIM), jnp.float32),
        ],
        mesh=mesh,
        scratch_types=[
            pltpu.VMEM((BLK_ATOMS, ATOM_DIM), jnp.float32),
            pltpu.VMEM((BLK_ATOMS, ATOM_DIM), jnp.float32),
            pltpu.VMEM((BLK_ATOMS, ATOM_DIM), jnp.float32),
            pltpu.VMEM((BLK_ATOMS,), jnp.int32),
            pltpu.VMEM((BLK_ATOMS,), jnp.int32),
            pltpu.VMEM((BLK_ATOMS,), jnp.int32),
            pltpu.SemaphoreType.DMA,
            pltpu.SemaphoreType.DMA,
            pltpu.SemaphoreType.DMA,
            pltpu.SemaphoreType.DMA,
            pltpu.SemaphoreType.DMA,
            pltpu.SemaphoreType.DMA,
            pltpu.VMEM_SHARED((R_PAD, ATOM_DIM), jnp.float32),
        ],
    )(atoms, map1d, zrows)[0]
    cnts = pl.kernel(
        _sc_counts_body,
        out_type=[
            jax.ShapeDtypeStruct((NC * R_PAD, CNT_W), jnp.float32),
        ],
        mesh=mesh,
        scratch_types=[
            pltpu.VMEM((BLK_ATOMS, CNT_W), jnp.float32),
            pltpu.VMEM((8, BLK_ATOMS), jnp.int32),
            pltpu.VMEM((8, BLK_ATOMS), jnp.int32),
            pltpu.SemaphoreType.DMA,
            pltpu.SemaphoreType.DMA,
            pltpu.SemaphoreType.DMA,
            pltpu.SemaphoreType.DMA,
            pltpu.VMEM_SHARED((R_PAD, CNT_W), jnp.float32),
        ],
    )(map2d, zcnt, ones_cnt)[0]
    return sums, cnts


def _mlp_body(sums_ref, cnts_ref, w1t_ref, b1_ref, w2t_ref, b2_ref, out_ref):
    s = sums_ref[0] + sums_ref[1]
    c = (cnts_ref[0] + cnts_ref[1])[:, :1]
    r = s / c
    h = jnp.dot(r, w1t_ref[...], preferred_element_type=jnp.float32) + b1_ref[...]
    h = jnp.where(h >= 0.0, h, 0.01 * h)
    out_ref[...] = (jnp.dot(h, w2t_ref[...], preferred_element_type=jnp.float32)
                    + b2_ref[...])


MLP_BLK = 10000


@jax.jit
def _tc_mlp(sums, cnts, w1t, b1, w2t, b2):
    grid = (N_RES // MLP_BLK,)
    return pl.pallas_call(
        _mlp_body,
        grid=grid,
        in_specs=[
            pl.BlockSpec((NC, MLP_BLK, ATOM_DIM), lambda i: (0, i, 0)),
            pl.BlockSpec((NC, MLP_BLK, CNT_W), lambda i: (0, i, 0)),
            pl.BlockSpec((ATOM_DIM, HID), lambda i: (0, 0)),
            pl.BlockSpec((1, HID), lambda i: (0, 0)),
            pl.BlockSpec((HID, OUT_DIM), lambda i: (0, 0)),
            pl.BlockSpec((1, OUT_DIM), lambda i: (0, 0)),
        ],
        out_specs=pl.BlockSpec((MLP_BLK, OUT_DIM), lambda i: (i, 0)),
        out_shape=jax.ShapeDtypeStruct((N_RES, OUT_DIM), jnp.float32),
    )(sums, cnts, w1t, b1, w2t, b2)


def kernel(atom_features, residue_mapping, W1, b1, W2, b2):
    map1d = residue_mapping.astype(jnp.int32)
    pad = N_RES + (jnp.arange(N_BLK_PAD * BLK_ATOMS - N_ATOMS, dtype=jnp.int32)
                   % (R_PAD - N_RES))
    map2d = jnp.concatenate([map1d, pad]).reshape(N_BLK_PAD, BLK_ATOMS)
    zrows = jnp.zeros((BLK_ATOMS, ATOM_DIM), jnp.float32)
    zcnt = jnp.zeros((BLK_ATOMS, CNT_W), jnp.float32)
    ones_cnt = jnp.ones((BLK_ATOMS, CNT_W), jnp.float32)
    sums, cnts = _sc_segment_sums(atom_features, map1d, map2d, zrows, zcnt, ones_cnt)
    sums = sums.reshape(NC, R_PAD, ATOM_DIM)
    cnts = cnts.reshape(NC, R_PAD, CNT_W)
    out = _tc_mlp(sums, cnts,
                  W1.T, b1.reshape(1, HID), W2.T, b2.reshape(1, OUT_DIM))
    return out

# --- scband reference (transcript-rebuilt; emitter-appended) ---
"""Pipeline reference for scband-residue-feature-aggregator-73229192397400 (READ-ONLY COPY).

The authoritative reference and input builder live on the scoring server;
editing this copy changes nothing except your own understanding.
"""

import jax, jax.numpy as jnp
import numpy as np

ATOM_DIM = 128
RESIDUE_DIM = 20
NUM_ATOMS = 320000
NUM_RESIDUES = 10000


def setup_inputs(seed: int = 0) -> dict:
    key = jax.random.key(seed)
    k1, k2, k3, k4, k5, k6 = jax.random.split(key, 6)
    atom_features = jax.random.normal(k1, (NUM_ATOMS, ATOM_DIM), dtype=jnp.float32)
    residue_mapping = jnp.sort(jax.random.randint(k2, (NUM_ATOMS,), 0, NUM_RESIDUES, dtype=jnp.int64))
    # nn.Linear default init: U(-1/sqrt(fan_in), 1/sqrt(fan_in))
    b1_bound = 1.0 / np.sqrt(ATOM_DIM)
    W1 = jax.random.uniform(k3, (256, ATOM_DIM), dtype=jnp.float32, minval=-b1_bound, maxval=b1_bound)
    b1 = jax.random.uniform(k4, (256,), dtype=jnp.float32, minval=-b1_bound, maxval=b1_bound)
    b2_bound = 1.0 / np.sqrt(256.0)
    W2 = jax.random.uniform(k5, (RESIDUE_DIM, 256), dtype=jnp.float32, minval=-b2_bound, maxval=b2_bound)
    b2 = jax.random.uniform(k6, (RESIDUE_DIM,), dtype=jnp.float32, minval=-b2_bound, maxval=b2_bound)
    return {"atom_features": atom_features, "residue_mapping": residue_mapping, "W1": W1, "b1": b1, "W2": W2, "b2": b2}


def reference(atom_features, residue_mapping, W1, b1, W2, b2):
    num_res = NUM_RESIDUES
    # scatter-add atom features into residue buckets
    residue_features = jnp.zeros((num_res, ATOM_DIM), dtype=atom_features.dtype).at[residue_mapping].add(atom_features)
    residue_counts = jnp.zeros((num_res,), dtype=jnp.float32).at[residue_mapping].add(jnp.ones((residue_mapping.shape[0],), dtype=jnp.float32))
    residue_features = residue_features / residue_counts[:, None]
    # MLP: Linear(atom_dim,256) -> LeakyReLU(0.01) -> Linear(256,residue_dim)
    h = residue_features @ W1.T + b1
    h = jnp.where(h >= 0, h, 0.01 * h)
    out = h @ W2.T + b2
    return out

if __name__ == "__main__":
    import jax
    _d = setup_inputs()
    print(jax.jit(kernel)(*tuple(_d.values())))

</pallas_src>

<mosaic_0001>
#map = affine_map<(d0, d1) -> (0, 0)>
#map1 = affine_map<(d0, d1) -> (0)>
module attributes {stable_mosaic.version = 14 : i64} {
  func.func @_sc_sums_body(%arg0: i32, %arg1: i32, %arg2: memref<320000x128xf32, #tpu.memory_space<hbm>>, %arg3: memref<320000xi32, #tpu.memory_space<hbm>>, %arg4: memref<128x128xf32, #tpu.memory_space<hbm>>, %arg5: memref<20224x128xf32, #tpu.memory_space<hbm>>, %arg6: memref<128x128xf32, #tpu.memory_space<vmem>>, %arg7: memref<128x128xf32, #tpu.memory_space<vmem>>, %arg8: memref<128x128xf32, #tpu.memory_space<vmem>>, %arg9: memref<128xi32, #tpu.memory_space<vmem>>, %arg10: memref<128xi32, #tpu.memory_space<vmem>>, %arg11: memref<128xi32, #tpu.memory_space<vmem>>, %arg12: memref<!tpu.dma_semaphore, #tpu.memory_space<semaphore_mem>>, %arg13: memref<!tpu.dma_semaphore, #tpu.memory_space<semaphore_mem>>, %arg14: memref<!tpu.dma_semaphore, #tpu.memory_space<semaphore_mem>>, %arg15: memref<!tpu.dma_semaphore, #tpu.memory_space<semaphore_mem>>, %arg16: memref<!tpu.dma_semaphore, #tpu.memory_space<semaphore_mem>>, %arg17: memref<!tpu.dma_semaphore, #tpu.memory_space<semaphore_mem>>, %arg18: memref<10112x128xf32, #tpu.memory_space<vmem_shared>>) attributes {dimension_semantics = [#tpu.dimension_semantics<core_parallel>, #tpu.dimension_semantics<subcore_parallel>], iteration_bounds = array<i64: 2, 16>, scalar_prefetch = 0 : i64, scratch_operands = 13 : i64, tpu.core_type = #tpu.core_type<sc_vector_subcore>, window_params = [{transform_indices = #map}, {transform_indices = #map1}, {transform_indices = #map}, {transform_indices = #map}]} {
    %mul3A = arith.constant 16 : i32
    %mul3A_0 = arith.muli %arg0, %mul3A : i32
    %add3A = arith.addi %mul3A_0, %arg1 : i32
    %mul3A_1 = arith.constant 632 : i32
    %mul3A_2 = arith.muli %arg1, %mul3A_1 : i32
    "tpu.region"() ({
      %run_scoped3A = tpu.sem_alloc : memref<!tpu.dma_semaphore, #tpu.memory_space<semaphore_mem>>
      tpu.enqueue_dma source(%arg4 : memref<128x128xf32, #tpu.memory_space<hbm>>) target(%arg6 : memref<128x128xf32, #tpu.memory_space<vmem>>) target_semaphore(%run_scoped3A : memref<!tpu.dma_semaphore, #tpu.memory_space<semaphore_mem>>)
      tpu.wait_dma2 semaphore(%run_scoped3A : memref<!tpu.dma_semaphore, #tpu.memory_space<semaphore_mem>>) src(%arg4 : memref<128x128xf32, #tpu.memory_space<hbm>>) dst(%arg6 : memref<128x128xf32, #tpu.memory_space<vmem>>)
      tpu.yield
    }) : () -> ()
    %add3A_3 = arith.constant 0 : i32
    %add3A_4 = arith.addi %mul3A_2, %add3A_3 : i32
    %dma_start3A = arith.constant 0 : i32
    %dma_start3A_5 = arith.constant 0 : i32
    %dma_start3A_6 = tpu.memref_slice %arg6[%dma_start3A, %dma_start3A_5] : memref<128x128xf32, #tpu.memory_space<vmem>> -> memref<128x128xf32, #tpu.memory_space<vmem>>
    %dma_start3A_7 = arith.constant 0 : i32
    %dma_start3A_8 = tpu.memref_slice %arg18[%add3A_4, %dma_start3A_7] : memref<10112x128xf32, #tpu.memory_space<vmem_shared>> -> memref<128x128xf32, #tpu.memory_space<vmem_shared>>
    %dma_start3A_9 = arith.constant 0 : i32
    %dma_start3A_10 = tpu.memref_slice %arg18[%add3A_4, %dma_start3A_9] : memref<10112x128xf32, #tpu.memory_space<vmem_shared>> -> memref<128x128xf32, #tpu.memory_space<vmem_shared>>
    %dma_start3A_11 = arith.constant 0 : i32
    %dma_start3A_12 = arith.constant 0 : i32
    %dma_start3A_13 = tpu.memref_slice %arg6[%dma_start3A_11, %dma_start3A_12] : memref<128x128xf32, #tpu.memory_space<vmem>> -> memref<128x128xf32, #tpu.memory_space<vmem>>
    tpu.enqueue_dma source(%dma_start3A_13 : memref<128x128xf32, #tpu.memory_space<vmem>>) target(%dma_start3A_10 : memref<128x128xf32, #tpu.memory_space<vmem_shared>>) target_semaphore(%arg15 : memref<!tpu.dma_semaphore, #tpu.memory_space<semaphore_mem>>)
    %add3A_14 = arith.constant 128 : i32
    %add3A_15 = arith.addi %mul3A_2, %add3A_14 : i32
    %dma_start3A_16 = arith.constant 0 : i32
    %dma_start3A_17 = arith.constant 0 : i32
    %dma_start3A_18 = tpu.memref_slice %arg6[%dma_start3A_16, %dma_start3A_17] : memref<128x128xf32, #tpu.memory_space<vmem>> -> memref<128x128xf32, #tpu.memory_space<vmem>>
    %dma_start3A_19 = arith.constant 0 : i32
    %dma_start3A_20 = tpu.memref_slice %arg18[%add3A_15, %dma_start3A_19] : memref<10112x128xf32, #tpu.memory_space<vmem_shared>> -> memref<128x128xf32, #tpu.memory_space<vmem_shared>>
    %dma_start3A_21 = arith.constant 0 : i32
    %dma_start3A_22 = tpu.memref_slice %arg18[%add3A_15, %dma_start3A_21] : memref<10112x128xf32, #tpu.memory_space<vmem_shared>> -> memref<128x128xf32, #tpu.memory_space<vmem_shared>>
    %dma_start3A_23 = arith.constant 0 : i32
    %dma_start3A_24 = arith.constant 0 : i32
    %dma_start3A_25 = tpu.memref_slice %arg6[%dma_start3A_23, %dma_start3A_24] : memref<128x128xf32, #tpu.memory_space<vmem>> -> memref<128x128xf32, #tpu.memory_space<vmem>>
    tpu.enqueue_dma source(%dma_start3A_25 : memref<128x128xf32, #tpu.memory_space<vmem>>) target(%dma_start3A_22 : memref<128x128xf32, #tpu.memory_space<vmem_shared>>) target_semaphore(%arg15 : memref<!tpu.dma_semaphore, #tpu.memory_space<semaphore_mem>>)
    %add3A_26 = arith.constant 256 : i32
    %add3A_27 = arith.addi %mul3A_2, %add3A_26 : i32
    %dma_start3A_28 = arith.constant 0 : i32
    %dma_start3A_29 = arith.constant 0 : i32
    %dma_start3A_30 = tpu.memref_slice %arg6[%dma_start3A_28, %dma_start3A_29] : memref<128x128xf32, #tpu.memory_space<vmem>> -> memref<128x128xf32, #tpu.memory_space<vmem>>
    %dma_start3A_31 = arith.constant 0 : i32
    %dma_start3A_32 = tpu.memref_slice %arg18[%add3A_27, %dma_start3A_31] : memref<10112x128xf32, #tpu.memory_space<vmem_shared>> -> memref<128x128xf32, #tpu.memory_space<vmem_shared>>
    %dma_start3A_33 = arith.constant 0 : i32
    %dma_start3A_34 = tpu.memref_slice %arg18[%add3A_27, %dma_start3A_33] : memref<10112x128xf32, #tpu.memory_space<vmem_shared>> -> memref<128x128xf32, #tpu.memory_space<vmem_shared>>
    %dma_start3A_35 = arith.constant 0 : i32
    %dma_start3A_36 = arith.constant 0 : i32
    %dma_start3A_37 = tpu.memref_slice %arg6[%dma_start3A_35, %dma_start3A_36] : memref<128x128xf32, #tpu.memory_space<vmem>> -> memref<128x128xf32, #tpu.memory_space<vmem>>
    tpu.enqueue_dma source(%dma_start3A_37 : memref<128x128xf32, #tpu.memory_space<vmem>>) target(%dma_start3A_34 : memref<128x128xf32, #tpu.memory_space<vmem_shared>>) target_semaphore(%arg15 : memref<!tpu.dma_semaphore, #tpu.memory_space<semaphore_mem>>)
    %add3A_38 = arith.constant 384 : i32
    %add3A_39 = arith.addi %mul3A_2, %add3A_38 : i32
    %dma_start3A_40 = arith.constant 0 : i32
    %dma_start3A_41 = arith.constant 0 : i32
    %dma_start3A_42 = tpu.memref_slice %arg6[%dma_start3A_40, %dma_start3A_41] : memref<128x128xf32, #tpu.memory_space<vmem>> -> memref<128x128xf32, #tpu.memory_space<vmem>>
    %dma_start3A_43 = arith.constant 0 : i32
    %dma_start3A_44 = tpu.memref_slice %arg18[%add3A_39, %dma_start3A_43] : memref<10112x128xf32, #tpu.memory_space<vmem_shared>> -> memref<128x128xf32, #tpu.memory_space<vmem_shared>>
    %dma_start3A_45 = arith.constant 0 : i32
    %dma_start3A_46 = tpu.memref_slice %arg18[%add3A_39, %dma_start3A_45] : memref<10112x128xf32, #tpu.memory_space<vmem_shared>> -> memref<128x128xf32, #tpu.memory_space<vmem_shared>>
    %dma_start3A_47 = arith.constant 0 : i32
    %dma_start3A_48 = arith.constant 0 : i32
    %dma_start3A_49 = tpu.memref_slice %arg6[%dma_start3A_47, %dma_start3A_48] : memref<128x128xf32, #tpu.memory_space<vmem>> -> memref<128x128xf32, #tpu.memory_space<vmem>>
    tpu.enqueue_dma source(%dma_start3A_49 : memref<128x128xf32, #tpu.memory_space<vmem>>) target(%dma_start3A_46 : memref<128x128xf32, #tpu.memory_space<vmem_shared>>) target_semaphore(%arg15 : memref<!tpu.dma_semaphore, #tpu.memory_space<semaphore_mem>>)
    %add3A_50 = arith.constant 512 : i32
    %add3A_51 = arith.addi %mul3A_2, %add3A_50 : i32
    %dma_start3A_52 = arith.constant 0 : i32
    %dma_start3A_53 = arith.constant 0 : i32
    %dma_start3A_54 = tpu.memref_slice %arg6[%dma_start3A_52, %dma_start3A_53] : memref<128x128xf32, #tpu.memory_space<vmem>> -> memref<120x128xf32, #tpu.memory_space<vmem>>
    %dma_start3A_55 = arith.constant 0 : i32
    %dma_start3A_56 = tpu.memref_slice %arg18[%add3A_51, %dma_start3A_55] : memref<10112x128xf32, #tpu.memory_space<vmem_shared>> -> memref<120x128xf32, #tpu.memory_space<vmem_shared>>
    %dma_start3A_57 = arith.constant 0 : i32
    %dma_start3A_58 = tpu.memref_slice %arg18[%add3A_51, %dma_start3A_57] : memref<10112x128xf32, #tpu.memory_space<vmem_shared>> -> memref<120x128xf32, #tpu.memory_space<vmem_shared>>
    %dma_start3A_59 = arith.constant 0 : i32
    %dma_start3A_60 = arith.constant 0 : i32
    %dma_start3A_61 = tpu.memref_slice %arg6[%dma_start3A_59, %dma_start3A_60] : memref<128x128xf32, #tpu.memory_space<vmem>> -> memref<120x128xf32, #tpu.memory_space<vmem>>
    tpu.enqueue_dma source(%dma_start3A_61 : memref<120x128xf32, #tpu.memory_space<vmem>>) target(%dma_start3A_58 : memref<120x128xf32, #tpu.memory_space<vmem_shared>>) target_semaphore(%arg15 : memref<!tpu.dma_semaphore, #tpu.memory_space<semaphore_mem>>)
    %add3A_62 = arith.constant 0 : i32
    %add3A_63 = arith.addi %mul3A_2, %add3A_62 : i32
    %dma_wait3A = arith.constant 0 : i32
    %dma_wait3A_64 = arith.constant 0 : i32
    %dma_wait3A_65 = tpu.memref_slice %arg6[%dma_wait3A, %dma_wait3A_64] : memref<128x128xf32, #tpu.memory_space<vmem>> -> memref<128x128xf32, #tpu.memory_space<vmem>>
    %dma_wait3A_66 = arith.constant 0 : i32
    %dma_wait3A_67 = tpu.memref_slice %arg18[%add3A_63, %dma_wait3A_66] : memref<10112x128xf32, #tpu.memory_space<vmem_shared>> -> memref<128x128xf32, #tpu.memory_space<vmem_shared>>
    %dma_wait3A_68 = arith.constant 0 : i32
    %dma_wait3A_69 = tpu.memref_slice %arg18[%add3A_63, %dma_wait3A_68] : memref<10112x128xf32, #tpu.memory_space<vmem_shared>> -> memref<128x128xf32, #tpu.memory_space<vmem_shared>>
    %dma_wait3A_70 = arith.constant 0 : i32
    %dma_wait3A_71 = arith.constant 0 : i32
    %dma_wait3A_72 = tpu.memref_slice %arg6[%dma_wait3A_70, %dma_wait3A_71] : memref<128x128xf32, #tpu.memory_space<vmem>> -> memref<128x128xf32, #tpu.memory_space<vmem>>
    tpu.wait_dma2 semaphore(%arg15 : memref<!tpu.dma_semaphore, #tpu.memory_space<semaphore_mem>>) src(%dma_wait3A_72 : memref<128x128xf32, #tpu.memory_space<vmem>>) dst(%dma_wait3A_69 : memref<128x128xf32, #tpu.memory_space<vmem_shared>>)
    %add3A_73 = arith.constant 128 : i32
    %add3A_74 = arith.addi %mul3A_2, %add3A_73 : i32
    %dma_wait3A_75 = arith.constant 0 : i32
    %dma_wait3A_76 = arith.constant 0 : i32
    %dma_wait3A_77 = tpu.memref_slice %arg6[%dma_wait3A_75, %dma_wait3A_76] : memref<128x128xf32, #tpu.memory_space<vmem>> -> memref<128x128xf32, #tpu.memory_space<vmem>>
    %dma_wait3A_78 = arith.constant 0 : i32
    %dma_wait3A_79 = tpu.memref_slice %arg18[%add3A_74, %dma_wait3A_78] : memref<10112x128xf32, #tpu.memory_space<vmem_shared>> -> memref<128x128xf32, #tpu.memory_space<vmem_shared>>
    %dma_wait3A_80 = arith.constant 0 : i32
    %dma_wait3A_81 = tpu.memref_slice %arg18[%add3A_74, %dma_wait3A_80] : memref<10112x128xf32, #tpu.memory_space<vmem_shared>> -> memref<128x128xf32, #tpu.memory_space<vmem_shared>>
    %dma_wait3A_82 = arith.constant 0 : i32
    %dma_wait3A_83 = arith.constant 0 : i32
    %dma_wait3A_84 = tpu.memref_slice %arg6[%dma_wait3A_82, %dma_wait3A_83] : memref<128x128xf32, #tpu.memory_space<vmem>> -> memref<128x128xf32, #tpu.memory_space<vmem>>
    tpu.wait_dma2 semaphore(%arg15 : memref<!tpu.dma_semaphore, #tpu.memory_space<semaphore_mem>>) src(%dma_wait3A_84 : memref<128x128xf32, #tpu.memory_space<vmem>>) dst(%dma_wait3A_81 : memref<128x128xf32, #tpu.memory_space<vmem_shared>>)
    %add3A_85 = arith.constant 256 : i32
    %add3A_86 = arith.addi %mul3A_2, %add3A_85 : i32
    %dma_wait3A_87 = arith.constant 0 : i32
    %dma_wait3A_88 = arith.constant 0 : i32
    %dma_wait3A_89 = tpu.memref_slice %arg6[%dma_wait3A_87, %dma_wait3A_88] : memref<128x128xf32, #tpu.memory_space<vmem>> -> memref<128x128xf32, #tpu.memory_space<vmem>>
    %dma_wait3A_90 = arith.constant 0 : i32
    %dma_wait3A_91 = tpu.memref_slice %arg18[%add3A_86, %dma_wait3A_90] : memref<10112x128xf32, #tpu.memory_space<vmem_shared>> -> memref<128x128xf32, #tpu.memory_space<vmem_shared>>
    %dma_wait3A_92 = arith.constant 0 : i32
    %dma_wait3A_93 = tpu.memref_slice %arg18[%add3A_86, %dma_wait3A_92] : memref<10112x128xf32, #tpu.memory_space<vmem_shared>> -> memref<128x128xf32, #tpu.memory_space<vmem_shared>>
    %dma_wait3A_94 = arith.constant 0 : i32
    %dma_wait3A_95 = arith.constant 0 : i32
    %dma_wait3A_96 = tpu.memref_slice %arg6[%dma_wait3A_94, %dma_wait3A_95] : memref<128x128xf32, #tpu.memory_space<vmem>> -> memref<128x128xf32, #tpu.memory_space<vmem>>
    tpu.wait_dma2 semaphore(%arg15 : memref<!tpu.dma_semaphore, #tpu.memory_space<semaphore_mem>>) src(%dma_wait3A_96 : memref<128x128xf32, #tpu.memory_space<vmem>>) dst(%dma_wait3A_93 : memref<128x128xf32, #tpu.memory_space<vmem_shared>>)
    %add3A_97 = arith.constant 384 : i32
    %add3A_98 = arith.addi %mul3A_2, %add3A_97 : i32
    %dma_wait3A_99 = arith.constant 0 : i32
    %dma_wait3A_100 = arith.constant 0 : i32
    %dma_wait3A_101 = tpu.memref_slice %arg6[%dma_wait3A_99, %dma_wait3A_100] : memref<128x128xf32, #tpu.memory_space<vmem>> -> memref<128x128xf32, #tpu.memory_space<vmem>>
    %dma_wait3A_102 = arith.constant 0 : i32
    %dma_wait3A_103 = tpu.memref_slice %arg18[%add3A_98, %dma_wait3A_102] : memref<10112x128xf32, #tpu.memory_space<vmem_shared>> -> memref<128x128xf32, #tpu.memory_space<vmem_shared>>
    %dma_wait3A_104 = arith.constant 0 : i32
    %dma_wait3A_105 = tpu.memref_slice %arg18[%add3A_98, %dma_wait3A_104] : memref<10112x128xf32, #tpu.memory_space<vmem_shared>> -> memref<128x128xf32, #tpu.memory_space<vmem_shared>>
    %dma_wait3A_106 = arith.constant 0 : i32
    %dma_wait3A_107 = arith.constant 0 : i32
    %dma_wait3A_108 = tpu.memref_slice %arg6[%dma_wait3A_106, %dma_wait3A_107] : memref<128x128xf32, #tpu.memory_space<vmem>> -> memref<128x128xf32, #tpu.memory_space<vmem>>
    tpu.wait_dma2 semaphore(%arg15 : memref<!tpu.dma_semaphore, #tpu.memory_space<semaphore_mem>>) src(%dma_wait3A_108 : memref<128x128xf32, #tpu.memory_space<vmem>>) dst(%dma_wait3A_105 : memref<128x128xf32, #tpu.memory_space<vmem_shared>>)
    %add3A_109 = arith.constant 512 : i32
    %add3A_110 = arith.addi %mul3A_2, %add3A_109 : i32
    %dma_wait3A_111 = arith.constant 0 : i32
    %dma_wait3A_112 = arith.constant 0 : i32
    %dma_wait3A_113 = tpu.memref_slice %arg6[%dma_wait3A_111, %dma_wait3A_112] : memref<128x128xf32, #tpu.memory_space<vmem>> -> memref<120x128xf32, #tpu.memory_space<vmem>>
    %dma_wait3A_114 = arith.constant 0 : i32
    %dma_wait3A_115 = tpu.memref_slice %arg18[%add3A_110, %dma_wait3A_114] : memref<10112x128xf32, #tpu.memory_space<vmem_shared>> -> memref<120x128xf32, #tpu.memory_space<vmem_shared>>
    %dma_wait3A_116 = arith.constant 0 : i32
    %dma_wait3A_117 = tpu.memref_slice %arg18[%add3A_110, %dma_wait3A_116] : memref<10112x128xf32, #tpu.memory_space<vmem_shared>> -> memref<120x128xf32, #tpu.memory_space<vmem_shared>>
    %dma_wait3A_118 = arith.constant 0 : i32
    %dma_wait3A_119 = arith.constant 0 : i32
    %dma_wait3A_120 = tpu.memref_slice %arg6[%dma_wait3A_118, %dma_wait3A_119] : memref<128x128xf32, #tpu.memory_space<vmem>> -> memref<120x128xf32, #tpu.memory_space<vmem>>
    tpu.wait_dma2 semaphore(%arg15 : memref<!tpu.dma_semaphore, #tpu.memory_space<semaphore_mem>>) src(%dma_wait3A_120 : memref<120x128xf32, #tpu.memory_space<vmem>>) dst(%dma_wait3A_117 : memref<120x128xf32, #tpu.memory_space<vmem_shared>>)
    %barrier3A = arith.constant 0 : index
    tpu.barrier barrier_id(%barrier3A)
    %add3A_121 = arith.constant 0 : i32
    %add3A_122 = arith.addi %add3A, %add3A_121 : i32
    %mul3A_123 = arith.constant 128 : i32
    %mul3A_124 = arith.muli %add3A_122, %mul3A_123 : i32
    %dma_start3A_125 = arith.constant 0 : i32
    %dma_start3A_126 = tpu.memref_slice %arg2[%mul3A_124, %dma_start3A_125] : memref<320000x128xf32, #tpu.memory_space<hbm>> -> memref<128x128xf32, #tpu.memory_space<hbm>>
    %dma_start3A_127 = arith.constant 0 : i32
    %dma_start3A_128 = tpu.memref_slice %arg2[%mul3A_124, %dma_start3A_127] : memref<320000x128xf32, #tpu.memory_space<hbm>> -> memref<128x128xf32, #tpu.memory_space<hbm>>
    tpu.enqueue_dma source(%dma_start3A_128 : memref<128x128xf32, #tpu.memory_space<hbm>>) target(%arg6 : memref<128x128xf32, #tpu.memory_space<vmem>>) target_semaphore(%arg12 : memref<!tpu.dma_semaphore, #tpu.memory_space<semaphore_mem>>)
    %mul3A_129 = arith.constant 128 : i32
    %mul3A_130 = arith.muli %add3A_122, %mul3A_129 : i32
    %dma_start3A_131 = tpu.memref_slice %arg3[%mul3A_130] : memref<320000xi32, #tpu.memory_space<hbm>> -> memref<128xi32, #tpu.memory_space<hbm>>
    %dma_start3A_132 = tpu.memref_slice %arg3[%mul3A_130] : memref<320000xi32, #tpu.memory_space<hbm>> -> memref<128xi32, #tpu.memory_space<hbm>>
    tpu.enqueue_dma source(%dma_start3A_132 : memref<128xi32, #tpu.memory_space<hbm>>) target(%arg9 : memref<128xi32, #tpu.memory_space<vmem>>) target_semaphore(%arg12 : memref<!tpu.dma_semaphore, #tpu.memory_space<semaphore_mem>>)
    %add3A_133 = arith.constant 32 : i32
    %add3A_134 = arith.addi %add3A, %add3A_133 : i32
    %mul3A_135 = arith.constant 128 : i32
    %mul3A_136 = arith.muli %add3A_134, %mul3A_135 : i32
    %dma_start3A_137 = arith.constant 0 : i32
    %dma_start3A_138 = tpu.memref_slice %arg2[%mul3A_136, %dma_start3A_137] : memref<320000x128xf32, #tpu.memory_space<hbm>> -> memref<128x128xf32, #tpu.memory_space<hbm>>
    %dma_start3A_139 = arith.constant 0 : i32
    %dma_start3A_140 = tpu.memref_slice %arg2[%mul3A_136, %dma_start3A_139] : memref<320000x128xf32, #tpu.memory_space<hbm>> -> memref<128x128xf32, #tpu.memory_space<hbm>>
    tpu.enqueue_dma source(%dma_start3A_140 : memref<128x128xf32, #tpu.memory_space<hbm>>) target(%arg7 : memref<128x128xf32, #tpu.memory_space<vmem>>) target_semaphore(%arg13 : memref<!tpu.dma_semaphore, #tpu.memory_space<semaphore_mem>>)
    %mul3A_141 = arith.constant 128 : i32
    %mul3A_142 = arith.muli %add3A_134, %mul3A_141 : i32
    %dma_start3A_143 = tpu.memref_slice %arg3[%mul3A_142] : memref<320000xi32, #tpu.memory_space<hbm>> -> memref<128xi32, #tpu.memory_space<hbm>>
    %dma_start3A_144 = tpu.memref_slice %arg3[%mul3A_142] : memref<320000xi32, #tpu.memory_space<hbm>> -> memref<128xi32, #tpu.memory_space<hbm>>
    tpu.enqueue_dma source(%dma_start3A_144 : memref<128xi32, #tpu.memory_space<hbm>>) target(%arg10 : memref<128xi32, #tpu.memory_space<vmem>>) target_semaphore(%arg13 : memref<!tpu.dma_semaphore, #tpu.memory_space<semaphore_mem>>)
    %add3A_145 = arith.constant 64 : i32
    %add3A_146 = arith.addi %add3A, %add3A_145 : i32
    %mul3A_147 = arith.constant 128 : i32
    %mul3A_148 = arith.muli %add3A_146, %mul3A_147 : i32
    %dma_start3A_149 = arith.constant 0 : i32
    %dma_start3A_150 = tpu.memref_slice %arg2[%mul3A_148, %dma_start3A_149] : memref<320000x128xf32, #tpu.memory_space<hbm>> -> memref<128x128xf32, #tpu.memory_space<hbm>>
    %dma_start3A_151 = arith.constant 0 : i32
    %dma_start3A_152 = tpu.memref_slice %arg2[%mul3A_148, %dma_start3A_151] : memref<320000x128xf32, #tpu.memory_space<hbm>> -> memref<128x128xf32, #tpu.memory_space<hbm>>
    tpu.enqueue_dma source(%dma_start3A_152 : memref<128x128xf32, #tpu.memory_space<hbm>>) target(%arg8 : memref<128x128xf32, #tpu.memory_space<vmem>>) target_semaphore(%arg14 : memref<!tpu.dma_semaphore, #tpu.memory_space<semaphore_mem>>)
    %mul3A_153 = arith.constant 128 : i32
    %mul3A_154 = arith.muli %add3A_146, %mul3A_153 : i32
    %dma_start3A_155 = tpu.memref_slice %arg3[%mul3A_154] : memref<320000xi32, #tpu.memory_space<hbm>> -> memref<128xi32, #tpu.memory_space<hbm>>
    %dma_start3A_156 = tpu.memref_slice %arg3[%mul3A_154] : memref<320000xi32, #tpu.memory_space<hbm>> -> memref<128xi32, #tpu.memory_space<hbm>>
    tpu.enqueue_dma source(%dma_start3A_156 : memref<128xi32, #tpu.memory_space<hbm>>) target(%arg11 : memref<128xi32, #tpu.memory_space<vmem>>) target_semaphore(%arg14 : memref<!tpu.dma_semaphore, #tpu.memory_space<semaphore_mem>>)
    %scan3A = arith.constant 0 : i32
    %scan3A_157 = arith.constant 0 : i32
    %scan3A_158 = arith.constant 26 : i32
    %scan3A_159 = arith.addi %scan3A_157, %scan3A_158 : i32
    %scan3A_160 = arith.constant 1 : i32
    scf.for %scan3A_214 = %scan3A_157 to %scan3A_159 step %scan3A_160  : i32 {
      %mul3A_215 = arith.constant 3 : i32
      %mul3A_216 = arith.muli %mul3A_215, %scan3A_214 : i32
      %add3A_217 = arith.constant 0 : i32
      %add3A_218 = arith.addi %mul3A_216, %add3A_217 : i32
      %mul3A_219 = arith.constant 32 : i32
      %mul3A_220 = arith.muli %add3A_218, %mul3A_219 : i32
      %add3A_221 = arith.addi %add3A, %mul3A_220 : i32
      %mul3A_222 = arith.constant 128 : i32
      %mul3A_223 = arith.muli %add3A_221, %mul3A_222 : i32
      %dma_wait3A_224 = arith.constant 0 : i32
      %dma_wait3A_225 = tpu.memref_slice %arg2[%mul3A_223, %dma_wait3A_224] : memref<320000x128xf32, #tpu.memory_space<hbm>> -> memref<128x128xf32, #tpu.memory_space<hbm>>
      %dma_wait3A_226 = arith.constant 0 : i32
      %dma_wait3A_227 = tpu.memref_slice %arg2[%mul3A_223, %dma_wait3A_226] : memref<320000x128xf32, #tpu.memory_space<hbm>> -> memref<128x128xf32, #tpu.memory_space<hbm>>
      tpu.wait_dma2 semaphore(%arg12 : memref<!tpu.dma_semaphore, #tpu.memory_space<semaphore_mem>>) src(%dma_wait3A_227 : memref<128x128xf32, #tpu.memory_space<hbm>>) dst(%arg6 : memref<128x128xf32, #tpu.memory_space<vmem>>)
      %mul3A_228 = arith.constant 128 : i32
      %mul3A_229 = arith.muli %add3A_221, %mul3A_228 : i32
      %dma_wait3A_230 = tpu.memref_slice %arg3[%mul3A_229] : memref<320000xi32, #tpu.memory_space<hbm>> -> memref<128xi32, #tpu.memory_space<hbm>>
      %dma_wait3A_231 = tpu.memref_slice %arg3[%mul3A_229] : memref<320000xi32, #tpu.memory_space<hbm>> -> memref<128xi32, #tpu.memory_space<hbm>>
      tpu.wait_dma2 semaphore(%arg12 : memref<!tpu.dma_semaphore, #tpu.memory_space<semaphore_mem>>) src(%dma_wait3A_231 : memref<128xi32, #tpu.memory_space<hbm>>) dst(%arg9 : memref<128xi32, #tpu.memory_space<vmem>>)
      %dma_start3A_232 = arith.constant 0 : i32
      %dma_start3A_233 = arith.constant 0 : i32
      %dma_start3A_234 = tpu.memref_slice %arg18[%dma_start3A_232, %dma_start3A_233] : memref<10112x128xf32, #tpu.memory_space<vmem_shared>> -> memref<10112x128xf32, #tpu.memory_space<vmem_shared>>
      tpu.enqueue_indirect_dma source(%arg6 : memref<128x128xf32, #tpu.memory_space<vmem>>) target(%dma_start3A_234 : memref<10112x128xf32, #tpu.memory_space<vmem_shared>>) offsets(%arg9 : memref<128xi32, #tpu.memory_space<vmem>>) semaphore(%arg15 : memref<!tpu.dma_semaphore, #tpu.memory_space<semaphore_mem>>) {add = true}
      %add3A_235 = arith.constant 96 : i32
      %add3A_236 = arith.addi %add3A_221, %add3A_235 : i32
      %lt3A_237 = arith.constant 2500 : i32
      %lt3A_238 = arith.cmpi slt, %add3A_236, %lt3A_237 : i32
      %convert_element_type3A_239 = arith.extui %lt3A_238 : i1 to i32
      %cond3A_240 = arith.constant 0 : i32
      %cond3A_241 = arith.cmpi ne, %convert_element_type3A_239, %cond3A_240 : i32
      scf.if %cond3A_241 {
        %dma_wait3A_296 = arith.constant 0 : i32
        %dma_wait3A_297 = arith.constant 0 : i32
        %dma_wait3A_298 = tpu.memref_slice %arg18[%dma_wait3A_296, %dma_wait3A_297] : memref<10112x128xf32, #tpu.memory_space<vmem_shared>> -> memref<10112x128xf32, #tpu.memory_space<vmem_shared>>
        tpu.wait_indirect_dma semaphore(%arg15 : memref<!tpu.dma_semaphore, #tpu.memory_space<semaphore_mem>>) src(%arg6 : memref<128x128xf32, #tpu.memory_space<vmem>>) dst(%dma_wait3A_298 : memref<10112x128xf32, #tpu.memory_space<vmem_shared>>)
        %mul3A_299 = arith.constant 128 : i32
        %mul3A_300 = arith.muli %add3A_236, %mul3A_299 : i32
        %dma_start3A_301 = arith.constant 0 : i32
        %dma_start3A_302 = tpu.memref_slice %arg2[%mul3A_300, %dma_start3A_301] : memref<320000x128xf32, #tpu.memory_space<hbm>> -> memref<128x128xf32, #tpu.memory_space<hbm>>
        %dma_start3A_303 = arith.constant 0 : i32
        %dma_start3A_304 = tpu.memref_slice %arg2[%mul3A_300, %dma_start3A_303] : memref<320000x128xf32, #tpu.memory_space<hbm>> -> memref<128x128xf32, #tpu.memory_space<hbm>>
        tpu.enqueue_dma source(%dma_start3A_304 : memref<128x128xf32, #tpu.memory_space<hbm>>) target(%arg6 : memref<128x128xf32, #tpu.memory_space<vmem>>) target_semaphore(%arg12 : memref<!tpu.dma_semaphore, #tpu.memory_space<semaphore_mem>>)
        %mul3A_305 = arith.constant 128 : i32
        %mul3A_306 = arith.muli %add3A_236, %mul3A_305 : i32
        %dma_start3A_307 = tpu.memref_slice %arg3[%mul3A_306] : memref<320000xi32, #tpu.memory_space<hbm>> -> memref<128xi32, #tpu.memory_space<hbm>>
        %dma_start3A_308 = tpu.memref_slice %arg3[%mul3A_306] : memref<320000xi32, #tpu.memory_space<hbm>> -> memref<128xi32, #tpu.memory_space<hbm>>
        tpu.enqueue_dma source(%dma_start3A_308 : memref<128xi32, #tpu.memory_space<hbm>>) target(%arg9 : memref<128xi32, #tpu.memory_space<vmem>>) target_semaphore(%arg12 : memref<!tpu.dma_semaphore, #tpu.memory_space<semaphore_mem>>)
      } else {
      }
      %mul3A_242 = arith.constant 3 : i32
      %mul3A_243 = arith.muli %mul3A_242, %scan3A_214 : i32
      %add3A_244 = arith.constant 1 : i32
      %add3A_245 = arith.addi %mul3A_243, %add3A_244 : i32
      %mul3A_246 = arith.constant 32 : i32
      %mul3A_247 = arith.muli %add3A_245, %mul3A_246 : i32
      %add3A_248 = arith.addi %add3A, %mul3A_247 : i32
      %mul3A_249 = arith.constant 128 : i32
      %mul3A_250 = arith.muli %add3A_248, %mul3A_249 : i32
      %dma_wait3A_251 = arith.constant 0 : i32
      %dma_wait3A_252 = tpu.memref_slice %arg2[%mul3A_250, %dma_wait3A_251] : memref<320000x128xf32, #tpu.memory_space<hbm>> -> memref<128x128xf32, #tpu.memory_space<hbm>>
      %dma_wait3A_253 = arith.constant 0 : i32
      %dma_wait3A_254 = tpu.memref_slice %arg2[%mul3A_250, %dma_wait3A_253] : memref<320000x128xf32, #tpu.memory_space<hbm>> -> memref<128x128xf32, #tpu.memory_space<hbm>>
      tpu.wait_dma2 semaphore(%arg13 : memref<!tpu.dma_semaphore, #tpu.memory_space<semaphore_mem>>) src(%dma_wait3A_254 : memref<128x128xf32, #tpu.memory_space<hbm>>) dst(%arg7 : memref<128x128xf32, #tpu.memory_space<vmem>>)
      %mul3A_255 = arith.constant 128 : i32
      %mul3A_256 = arith.muli %add3A_248, %mul3A_255 : i32
      %dma_wait3A_257 = tpu.memref_slice %arg3[%mul3A_256] : memref<320000xi32, #tpu.memory_space<hbm>> -> memref<128xi32, #tpu.memory_space<hbm>>
      %dma_wait3A_258 = tpu.memref_slice %arg3[%mul3A_256] : memref<320000xi32, #tpu.memory_space<hbm>> -> memref<128xi32, #tpu.memory_space<hbm>>
      tpu.wait_dma2 semaphore(%arg13 : memref<!tpu.dma_semaphore, #tpu.memory_space<semaphore_mem>>) src(%dma_wait3A_258 : memref<128xi32, #tpu.memory_space<hbm>>) dst(%arg10 : memref<128xi32, #tpu.memory_space<vmem>>)
      %dma_start3A_259 = arith.constant 0 : i32
      %dma_start3A_260 = arith.constant 0 : i32
      %dma_start3A_261 = tpu.memref_slice %arg18[%dma_start3A_259, %dma_start3A_260] : memref<10112x128xf32, #tpu.memory_space<vmem_shared>> -> memref<10112x128xf32, #tpu.memory_space<vmem_shared>>
      tpu.enqueue_indirect_dma source(%arg7 : memref<128x128xf32, #tpu.memory_space<vmem>>) target(%dma_start3A_261 : memref<10112x128xf32, #tpu.memory_space<vmem_shared>>) offsets(%arg10 : memref<128xi32, #tpu.memory_space<vmem>>) semaphore(%arg16 : memref<!tpu.dma_semaphore, #tpu.memory_space<semaphore_mem>>) {add = true}
      %add3A_262 = arith.constant 96 : i32
      %add3A_263 = arith.addi %add3A_248, %add3A_262 : i32
      %lt3A_264 = arith.constant 2500 : i32
      %lt3A_265 = arith.cmpi slt, %add3A_263, %lt3A_264 : i32
      %convert_element_type3A_266 = arith.extui %lt3A_265 : i1 to i32
      %cond3A_267 = arith.constant 0 : i32
      %cond3A_268 = arith.cmpi ne, %convert_element_type3A_266, %cond3A_267 : i32
      scf.if %cond3A_268 {
        %dma_wait3A_296 = arith.constant 0 : i32
        %dma_wait3A_297 = arith.constant 0 : i32
        %dma_wait3A_298 = tpu.memref_slice %arg18[%dma_wait3A_296, %dma_wait3A_297] : memref<10112x128xf32, #tpu.memory_space<vmem_shared>> -> memref<10112x128xf32, #tpu.memory_space<vmem_shared>>
        tpu.wait_indirect_dma semaphore(%arg16 : memref<!tpu.dma_semaphore, #tpu.memory_space<semaphore_mem>>) src(%arg7 : memref<128x128xf32, #tpu.memory_space<vmem>>) dst(%dma_wait3A_298 : memref<10112x128xf32, #tpu.memory_space<vmem_shared>>)
        %mul3A_299 = arith.constant 128 : i32
        %mul3A_300 = arith.muli %add3A_263, %mul3A_299 : i32
        %dma_start3A_301 = arith.constant 0 : i32
        %dma_start3A_302 = tpu.memref_slice %arg2[%mul3A_300, %dma_start3A_301] : memref<320000x128xf32, #tpu.memory_space<hbm>> -> memref<128x128xf32, #tpu.memory_space<hbm>>
        %dma_start3A_303 = arith.constant 0 : i32
        %dma_start3A_304 = tpu.memref_slice %arg2[%mul3A_300, %dma_start3A_303] : memref<320000x128xf32, #tpu.memory_space<hbm>> -> memref<128x128xf32, #tpu.memory_space<hbm>>
        tpu.enqueue_dma source(%dma_start3A_304 : memref<128x128xf32, #tpu.memory_space<hbm>>) target(%arg7 : memref<128x128xf32, #tpu.memory_space<vmem>>) target_semaphore(%arg13 : memref<!tpu.dma_semaphore, #tpu.memory_space<semaphore_mem>>)
        %mul3A_305 = arith.constant 128 : i32
        %mul3A_306 = arith.muli %add3A_263, %mul3A_305 : i32
        %dma_start3A_307 = tpu.memref_slice %arg3[%mul3A_306] : memref<320000xi32, #tpu.memory_space<hbm>> -> memref<128xi32, #tpu.memory_space<hbm>>
        %dma_start3A_308 = tpu.memref_slice %arg3[%mul3A_306] : memref<320000xi32, #tpu.memory_space<hbm>> -> memref<128xi32, #tpu.memory_space<hbm>>
        tpu.enqueue_dma source(%dma_start3A_308 : memref<128xi32, #tpu.memory_space<hbm>>) target(%arg10 : memref<128xi32, #tpu.memory_space<vmem>>) target_semaphore(%arg13 : memref<!tpu.dma_semaphore, #tpu.memory_space<semaphore_mem>>)
      } else {
      }
      %mul3A_269 = arith.constant 3 : i32
      %mul3A_270 = arith.muli %mul3A_269, %scan3A_214 : i32
      %add3A_271 = arith.constant 2 : i32
      %add3A_272 = arith.addi %mul3A_270, %add3A_271 : i32
      %mul3A_273 = arith.constant 32 : i32
      %mul3A_274 = arith.muli %add3A_272, %mul3A_273 : i32
      %add3A_275 = arith.addi %add3A, %mul3A_274 : i32
      %mul3A_276 = arith.constant 128 : i32
      %mul3A_277 = arith.muli %add3A_275, %mul3A_276 : i32
      %dma_wait3A_278 = arith.constant 0 : i32
      %dma_wait3A_279 = tpu.memref_slice %arg2[%mul3A_277, %dma_wait3A_278] : memref<320000x128xf32, #tpu.memory_space<hbm>> -> memref<128x128xf32, #tpu.memory_space<hbm>>
      %dma_wait3A_280 = arith.constant 0 : i32
      %dma_wait3A_281 = tpu.memref_slice %arg2[%mul3A_277, %dma_wait3A_280] : memref<320000x128xf32, #tpu.memory_space<hbm>> -> memref<128x128xf32, #tpu.memory_space<hbm>>
      tpu.wait_dma2 semaphore(%arg14 : memref<!tpu.dma_semaphore, #tpu.memory_space<semaphore_mem>>) src(%dma_wait3A_281 : memref<128x128xf32, #tpu.memory_space<hbm>>) dst(%arg8 : memref<128x128xf32, #tpu.memory_space<vmem>>)
      %mul3A_282 = arith.constant 128 : i32
      %mul3A_283 = arith.muli %add3A_275, %mul3A_282 : i32
      %dma_wait3A_284 = tpu.memref_slice %arg3[%mul3A_283] : memref<320000xi32, #tpu.memory_space<hbm>> -> memref<128xi32, #tpu.memory_space<hbm>>
      %dma_wait3A_285 = tpu.memref_slice %arg3[%mul3A_283] : memref<320000xi32, #tpu.memory_space<hbm>> -> memref<128xi32, #tpu.memory_space<hbm>>
      tpu.wait_dma2 semaphore(%arg14 : memref<!tpu.dma_semaphore, #tpu.memory_space<semaphore_mem>>) src(%dma_wait3A_285 : memref<128xi32, #tpu.memory_space<hbm>>) dst(%arg11 : memref<128xi32, #tpu.memory_space<vmem>>)
      %dma_start3A_286 = arith.constant 0 : i32
      %dma_start3A_287 = arith.constant 0 : i32
      %dma_start3A_288 = tpu.memref_slice %arg18[%dma_start3A_286, %dma_start3A_287] : memref<10112x128xf32, #tpu.memory_space<vmem_shared>> -> memref<10112x128xf32, #tpu.memory_space<vmem_shared>>
      tpu.enqueue_indirect_dma source(%arg8 : memref<128x128xf32, #tpu.memory_space<vmem>>) target(%dma_start3A_288 : memref<10112x128xf32, #tpu.memory_space<vmem_shared>>) offsets(%arg11 : memref<128xi32, #tpu.memory_space<vmem>>) semaphore(%arg17 : memref<!tpu.dma_semaphore, #tpu.memory_space<semaphore_mem>>) {add = true}
      %add3A_289 = arith.constant 96 : i32
      %add3A_290 = arith.addi %add3A_275, %add3A_289 : i32
      %lt3A_291 = arith.constant 2500 : i32
      %lt3A_292 = arith.cmpi slt, %add3A_290, %lt3A_291 : i32
      %convert_element_type3A_293 = arith.extui %lt3A_292 : i1 to i32
      %cond3A_294 = arith.constant 0 : i32
      %cond3A_295 = arith.cmpi ne, %convert_element_type3A_293, %cond3A_294 : i32
      scf.if %cond3A_295 {
        %dma_wait3A_296 = arith.constant 0 : i32
        %dma_wait3A_297 = arith.constant 0 : i32
        %dma_wait3A_298 = tpu.memref_slice %arg18[%dma_wait3A_296, %dma_wait3A_297] : memref<10112x128xf32, #tpu.memory_space<vmem_shared>> -> memref<10112x128xf32, #tpu.memory_space<vmem_shared>>
        tpu.wait_indirect_dma semaphore(%arg17 : memref<!tpu.dma_semaphore, #tpu.memory_space<semaphore_mem>>) src(%arg8 : memref<128x128xf32, #tpu.memory_space<vmem>>) dst(%dma_wait3A_298 : memref<10112x128xf32, #tpu.memory_space<vmem_shared>>)
        %mul3A_299 = arith.constant 128 : i32
        %mul3A_300 = arith.muli %add3A_290, %mul3A_299 : i32
        %dma_start3A_301 = arith.constant 0 : i32
        %dma_start3A_302 = tpu.memref_slice %arg2[%mul3A_300, %dma_start3A_301] : memref<320000x128xf32, #tpu.memory_space<hbm>> -> memref<128x128xf32, #tpu.memory_space<hbm>>
        %dma_start3A_303 = arith.constant 0 : i32
        %dma_start3A_304 = tpu.memref_slice %arg2[%mul3A_300, %dma_start3A_303] : memref<320000x128xf32, #tpu.memory_space<hbm>> -> memref<128x128xf32, #tpu.memory_space<hbm>>
        tpu.enqueue_dma source(%dma_start3A_304 : memref<128x128xf32, #tpu.memory_space<hbm>>) target(%arg8 : memref<128x128xf32, #tpu.memory_space<vmem>>) target_semaphore(%arg14 : memref<!tpu.dma_semaphore, #tpu.memory_space<semaphore_mem>>)
        %mul3A_305 = arith.constant 128 : i32
        %mul3A_306 = arith.muli %add3A_290, %mul3A_305 : i32
        %dma_start3A_307 = tpu.memref_slice %arg3[%mul3A_306] : memref<320000xi32, #tpu.memory_space<hbm>> -> memref<128xi32, #tpu.memory_space<hbm>>
        %dma_start3A_308 = tpu.memref_slice %arg3[%mul3A_306] : memref<320000xi32, #tpu.memory_space<hbm>> -> memref<128xi32, #tpu.memory_space<hbm>>
        tpu.enqueue_dma source(%dma_start3A_308 : memref<128xi32, #tpu.memory_space<hbm>>) target(%arg11 : memref<128xi32, #tpu.memory_space<vmem>>) target_semaphore(%arg14 : memref<!tpu.dma_semaphore, #tpu.memory_space<semaphore_mem>>)
      } else {
      }
    }
    %scan3A_161 = arith.constant 26 : i32
    %add3A_162 = arith.constant 2400 : i32
    %add3A_163 = arith.addi %add3A, %add3A_162 : i32
    %add3A_164 = arith.constant 96 : i32
    %add3A_165 = arith.addi %add3A_163, %add3A_164 : i32
    %ge3A = arith.constant 2500 : i32
    %ge3A_166 = arith.cmpi sge, %add3A_165, %ge3A : i32
    %convert_element_type3A = arith.extui %ge3A_166 : i1 to i32
    %cond3A = arith.constant 0 : i32
    %cond3A_167 = arith.cmpi ne, %convert_element_type3A, %cond3A : i32
    scf.if %cond3A_167 {
      %dma_wait3A_214 = arith.constant 0 : i32
      %dma_wait3A_215 = arith.constant 0 : i32
      %dma_wait3A_216 = tpu.memref_slice %arg18[%dma_wait3A_214, %dma_wait3A_215] : memref<10112x128xf32, #tpu.memory_space<vmem_shared>> -> memref<10112x128xf32, #tpu.memory_space<vmem_shared>>
      tpu.wait_indirect_dma semaphore(%arg15 : memref<!tpu.dma_semaphore, #tpu.memory_space<semaphore_mem>>) src(%arg6 : memref<128x128xf32, #tpu.memory_space<vmem>>) dst(%dma_wait3A_216 : memref<10112x128xf32, #tpu.memory_space<vmem_shared>>)
    } else {
    }
    %add3A_168 = arith.constant 2432 : i32
    %add3A_169 = arith.addi %add3A, %add3A_168 : i32
    %add3A_170 = arith.constant 96 : i32
    %add3A_171 = arith.addi %add3A_169, %add3A_170 : i32
    %ge3A_172 = arith.constant 2500 : i32
    %ge3A_173 = arith.cmpi sge, %add3A_171, %ge3A_172 : i32
    %convert_element_type3A_174 = arith.extui %ge3A_173 : i1 to i32
    %cond3A_175 = arith.constant 0 : i32
    %cond3A_176 = arith.cmpi ne, %convert_element_type3A_174, %cond3A_175 : i32
    scf.if %cond3A_176 {
      %dma_wait3A_214 = arith.constant 0 : i32
      %dma_wait3A_215 = arith.constant 0 : i32
      %dma_wait3A_216 = tpu.memref_slice %arg18[%dma_wait3A_214, %dma_wait3A_215] : memref<10112x128xf32, #tpu.memory_space<vmem_shared>> -> memref<10112x128xf32, #tpu.memory_space<vmem_shared>>
      tpu.wait_indirect_dma semaphore(%arg16 : memref<!tpu.dma_semaphore, #tpu.memory_space<semaphore_mem>>) src(%arg7 : memref<128x128xf32, #tpu.memory_space<vmem>>) dst(%dma_wait3A_216 : memref<10112x128xf32, #tpu.memory_space<vmem_shared>>)
    } else {
    }
    %add3A_177 = arith.constant 2464 : i32
    %add3A_178 = arith.addi %add3A, %add3A_177 : i32
    %add3A_179 = arith.constant 96 : i32
    %add3A_180 = arith.addi %add3A_178, %add3A_179 : i32
    %ge3A_181 = arith.constant 2500 : i32
    %ge3A_182 = arith.cmpi sge, %add3A_180, %ge3A_181 : i32
    %convert_element_type3A_183 = arith.extui %ge3A_182 : i1 to i32
    %cond3A_184 = arith.constant 0 : i32
    %cond3A_185 = arith.cmpi ne, %convert_element_type3A_183, %cond3A_184 : i32
    scf.if %cond3A_185 {
      %dma_wait3A_214 = arith.constant 0 : i32
      %dma_wait3A_215 = arith.constant 0 : i32
      %dma_wait3A_216 = tpu.memref_slice %arg18[%dma_wait3A_214, %dma_wait3A_215] : memref<10112x128xf32, #tpu.memory_space<vmem_shared>> -> memref<10112x128xf32, #tpu.memory_space<vmem_shared>>
      tpu.wait_indirect_dma semaphore(%arg17 : memref<!tpu.dma_semaphore, #tpu.memory_space<semaphore_mem>>) src(%arg8 : memref<128x128xf32, #tpu.memory_space<vmem>>) dst(%dma_wait3A_216 : memref<10112x128xf32, #tpu.memory_space<vmem_shared>>)
    } else {
    }
    %lt3A = arith.constant 4 : i32
    %lt3A_186 = arith.cmpi slt, %add3A, %lt3A : i32
    %convert_element_type3A_187 = arith.extui %lt3A_186 : i1 to i32
    %cond3A_188 = arith.constant 0 : i32
    %cond3A_189 = arith.cmpi ne, %convert_element_type3A_187, %cond3A_188 : i32
    scf.if %cond3A_189 {
      %add3A_214 = arith.constant 2496 : i32
      %add3A_215 = arith.addi %add3A, %add3A_214 : i32
      %mul3A_216 = arith.constant 128 : i32
      %mul3A_217 = arith.muli %add3A_215, %mul3A_216 : i32
      %dma_wait3A_218 = arith.constant 0 : i32
      %dma_wait3A_219 = tpu.memref_slice %arg2[%mul3A_217, %dma_wait3A_218] : memref<320000x128xf32, #tpu.memory_space<hbm>> -> memref<128x128xf32, #tpu.memory_space<hbm>>
      %dma_wait3A_220 = arith.constant 0 : i32
      %dma_wait3A_221 = tpu.memref_slice %arg2[%mul3A_217, %dma_wait3A_220] : memref<320000x128xf32, #tpu.memory_space<hbm>> -> memref<128x128xf32, #tpu.memory_space<hbm>>
      tpu.wait_dma2 semaphore(%arg12 : memref<!tpu.dma_semaphore, #tpu.memory_space<semaphore_mem>>) src(%dma_wait3A_221 : memref<128x128xf32, #tpu.memory_space<hbm>>) dst(%arg6 : memref<128x128xf32, #tpu.memory_space<vmem>>)
      %mul3A_222 = arith.constant 128 : i32
      %mul3A_223 = arith.muli %add3A_215, %mul3A_222 : i32
      %dma_wait3A_224 = tpu.memref_slice %arg3[%mul3A_223] : memref<320000xi32, #tpu.memory_space<hbm>> -> memref<128xi32, #tpu.memory_space<hbm>>
      %dma_wait3A_225 = tpu.memref_slice %arg3[%mul3A_223] : memref<320000xi32, #tpu.memory_space<hbm>> -> memref<128xi32, #tpu.memory_space<hbm>>
      tpu.wait_dma2 semaphore(%arg12 : memref<!tpu.dma_semaphore, #tpu.memory_space<semaphore_mem>>) src(%dma_wait3A_225 : memref<128xi32, #tpu.memory_space<hbm>>) dst(%arg9 : memref<128xi32, #tpu.memory_space<vmem>>)
      "tpu.region"() ({
        %run_scoped3A = tpu.sem_alloc : memref<!tpu.dma_semaphore, #tpu.memory_space<semaphore_mem>>
        %dma_start3A_226 = arith.constant 0 : i32
        %dma_start3A_227 = arith.constant 0 : i32
        %dma_start3A_228 = tpu.memref_slice %arg18[%dma_start3A_226, %dma_start3A_227] : memref<10112x128xf32, #tpu.memory_space<vmem_shared>> -> memref<10112x128xf32, #tpu.memory_space<vmem_shared>>
        tpu.enqueue_indirect_dma source(%arg6 : memref<128x128xf32, #tpu.memory_space<vmem>>) target(%dma_start3A_228 : memref<10112x128xf32, #tpu.memory_space<vmem_shared>>) offsets(%arg9 : memref<128xi32, #tpu.memory_space<vmem>>) semaphore(%run_scoped3A : memref<!tpu.dma_semaphore, #tpu.memory_space<semaphore_mem>>) {add = true}
        %dma_wait3A_229 = arith.constant 0 : i32
        %dma_wait3A_230 = arith.constant 0 : i32
        %dma_wait3A_231 = tpu.memref_slice %arg18[%dma_wait3A_229, %dma_wait3A_230] : memref<10112x128xf32, #tpu.memory_space<vmem_shared>> -> memref<10112x128xf32, #tpu.memory_space<vmem_shared>>
        tpu.wait_indirect_dma semaphore(%run_scoped3A : memref<!tpu.dma_semaphore, #tpu.memory_space<semaphore_mem>>) src(%arg6 : memref<128x128xf32, #tpu.memory_space<vmem>>) dst(%dma_wait3A_231 : memref<10112x128xf32, #tpu.memory_space<vmem_shared>>)
        tpu.yield
      }) : () -> ()
    } else {
    }
    %barrier3A_190 = arith.constant 0 : index
    tpu.barrier barrier_id(%barrier3A_190)
    %mul3A_191 = arith.constant 10112 : i32
    %mul3A_192 = arith.muli %arg0, %mul3A_191 : i32
    %add3A_193 = arith.addi %mul3A_192, %mul3A_2 : i32
    %add3A_194 = arith.constant 0 : i32
    %add3A_195 = arith.addi %mul3A_2, %add3A_194 : i32
    "tpu.region"() ({
      %run_scoped3A = tpu.sem_alloc : memref<!tpu.dma_semaphore, #tpu.memory_space<semaphore_mem>>
      %dma_start3A_214 = arith.constant 0 : i32
      %dma_start3A_215 = arith.constant 0 : i32
      %dma_start3A_216 = tpu.memref_slice %arg6[%dma_start3A_214, %dma_start3A_215] : memref<128x128xf32, #tpu.memory_space<vmem>> -> memref<128x128xf32, #tpu.memory_space<vmem>>
      %dma_start3A_217 = arith.constant 0 : i32
      %dma_start3A_218 = tpu.memref_slice %arg18[%add3A_195, %dma_start3A_217] : memref<10112x128xf32, #tpu.memory_space<vmem_shared>> -> memref<128x128xf32, #tpu.memory_space<vmem_shared>>
      %dma_start3A_219 = arith.constant 0 : i32
      %dma_start3A_220 = arith.constant 0 : i32
      %dma_start3A_221 = tpu.memref_slice %arg6[%dma_start3A_219, %dma_start3A_220] : memref<128x128xf32, #tpu.memory_space<vmem>> -> memref<128x128xf32, #tpu.memory_space<vmem>>
      %dma_start3A_222 = arith.constant 0 : i32
      %dma_start3A_223 = tpu.memref_slice %arg18[%add3A_195, %dma_start3A_222] : memref<10112x128xf32, #tpu.memory_space<vmem_shared>> -> memref<128x128xf32, #tpu.memory_space<vmem_shared>>
      tpu.enqueue_dma source(%dma_start3A_223 : memref<128x128xf32, #tpu.memory_space<vmem_shared>>) target(%dma_start3A_221 : memref<128x128xf32, #tpu.memory_space<vmem>>) target_semaphore(%run_scoped3A : memref<!tpu.dma_semaphore, #tpu.memory_space<semaphore_mem>>)
      %dma_wait3A_224 = arith.constant 0 : i32
      %dma_wait3A_225 = arith.constant 0 : i32
      %dma_wait3A_226 = tpu.memref_slice %arg6[%dma_wait3A_224, %dma_wait3A_225] : memref<128x128xf32, #tpu.memory_space<vmem>> -> memref<128x128xf32, #tpu.memory_space<vmem>>
      %dma_wait3A_227 = arith.constant 0 : i32
      %dma_wait3A_228 = tpu.memref_slice %arg18[%add3A_195, %dma_wait3A_227] : memref<10112x128xf32, #tpu.memory_space<vmem_shared>> -> memref<128x128xf32, #tpu.memory_space<vmem_shared>>
      %dma_wait3A_229 = arith.constant 0 : i32
      %dma_wait3A_230 = arith.constant 0 : i32
      %dma_wait3A_231 = tpu.memref_slice %arg6[%dma_wait3A_229, %dma_wait3A_230] : memref<128x128xf32, #tpu.memory_space<vmem>> -> memref<128x128xf32, #tpu.memory_space<vmem>>
      %dma_wait3A_232 = arith.constant 0 : i32
      %dma_wait3A_233 = tpu.memref_slice %arg18[%add3A_195, %dma_wait3A_232] : memref<10112x128xf32, #tpu.memory_space<vmem_shared>> -> memref<128x128xf32, #tpu.memory_space<vmem_shared>>
      tpu.wait_dma2 semaphore(%run_scoped3A : memref<!tpu.dma_semaphore, #tpu.memory_space<semaphore_mem>>) src(%dma_wait3A_233 : memref<128x128xf32, #tpu.memory_space<vmem_shared>>) dst(%dma_wait3A_231 : memref<128x128xf32, #tpu.memory_space<vmem>>)
      tpu.yield
    }) : () -> ()
    %add3A_196 = arith.constant 0 : i32
    %add3A_197 = arith.addi %add3A_193, %add3A_196 : i32
    "tpu.region"() ({
      %run_scoped3A = tpu.sem_alloc : memref<!tpu.dma_semaphore, #tpu.memory_space<semaphore_mem>>
      %dma_start3A_214 = arith.constant 0 : i32
      %dma_start3A_215 = arith.constant 0 : i32
      %dma_start3A_216 = tpu.memref_slice %arg6[%dma_start3A_214, %dma_start3A_215] : memref<128x128xf32, #tpu.memory_space<vmem>> -> memref<128x128xf32, #tpu.memory_space<vmem>>
      %dma_start3A_217 = arith.constant 0 : i32
      %dma_start3A_218 = tpu.memref_slice %arg5[%add3A_197, %dma_start3A_217] : memref<20224x128xf32, #tpu.memory_space<hbm>> -> memref<128x128xf32, #tpu.memory_space<hbm>>
      %dma_start3A_219 = arith.constant 0 : i32
      %dma_start3A_220 = tpu.memref_slice %arg5[%add3A_197, %dma_start3A_219] : memref<20224x128xf32, #tpu.memory_space<hbm>> -> memref<128x128xf32, #tpu.memory_space<hbm>>
      %dma_start3A_221 = arith.constant 0 : i32
      %dma_start3A_222 = arith.constant 0 : i32
      %dma_start3A_223 = tpu.memref_slice %arg6[%dma_start3A_221, %dma_start3A_222] : memref<128x128xf32, #tpu.memory_space<vmem>> -> memref<128x128xf32, #tpu.memory_space<vmem>>
      tpu.enqueue_dma source(%dma_start3A_223 : memref<128x128xf32, #tpu.memory_space<vmem>>) target(%dma_start3A_220 : memref<128x128xf32, #tpu.memory_space<hbm>>) target_semaphore(%run_scoped3A : memref<!tpu.dma_semaphore, #tpu.memory_space<semaphore_mem>>)
      %dma_wait3A_224 = arith.constant 0 : i32
      %dma_wait3A_225 = arith.constant 0 : i32
      %dma_wait3A_226 = tpu.memref_slice %arg6[%dma_wait3A_224, %dma_wait3A_225] : memref<128x128xf32, #tpu.memory_space<vmem>> -> memref<128x128xf32, #tpu.memory_space<vmem>>
      %dma_wait3A_227 = arith.constant 0 : i32
      %dma_wait3A_228 = tpu.memref_slice %arg5[%add3A_197, %dma_wait3A_227] : memref<20224x128xf32, #tpu.memory_space<hbm>> -> memref<128x128xf32, #tpu.memory_space<hbm>>
      %dma_wait3A_229 = arith.constant 0 : i32
      %dma_wait3A_230 = tpu.memref_slice %arg5[%add3A_197, %dma_wait3A_229] : memref<20224x128xf32, #tpu.memory_space<hbm>> -> memref<128x128xf32, #tpu.memory_space<hbm>>
      %dma_wait3A_231 = arith.constant 0 : i32
      %dma_wait3A_232 = arith.constant 0 : i32
      %dma_wait3A_233 = tpu.memref_slice %arg6[%dma_wait3A_231, %dma_wait3A_232] : memref<128x128xf32, #tpu.memory_space<vmem>> -> memref<128x128xf32, #tpu.memory_space<vmem>>
      tpu.wait_dma2 semaphore(%run_scoped3A : memref<!tpu.dma_semaphore, #tpu.memory_space<semaphore_mem>>) src(%dma_wait3A_233 : memref<128x128xf32, #tpu.memory_space<vmem>>) dst(%dma_wait3A_230 : memref<128x128xf32, #tpu.memory_space<hbm>>)
      tpu.yield
    }) : () -> ()
    %add3A_198 = arith.constant 128 : i32
    %add3A_199 = arith.addi %mul3A_2, %add3A_198 : i32
    "tpu.region"() ({
      %run_scoped3A = tpu.sem_alloc : memref<!tpu.dma_semaphore, #tpu.memory_space<semaphore_mem>>
      %dma_start3A_214 = arith.constant 0 : i32
      %dma_start3A_215 = arith.constant 0 : i32
      %dma_start3A_216 = tpu.memref_slice %arg6[%dma_start3A_214, %dma_start3A_215] : memref<128x128xf32, #tpu.memory_space<vmem>> -> memref<128x128xf32, #tpu.memory_space<vmem>>
      %dma_start3A_217 = arith.constant 0 : i32
      %dma_start3A_218 = tpu.memref_slice %arg18[%add3A_199, %dma_start3A_217] : memref<10112x128xf32, #tpu.memory_space<vmem_shared>> -> memref<128x128xf32, #tpu.memory_space<vmem_shared>>
      %dma_start3A_219 = arith.constant 0 : i32
      %dma_start3A_220 = arith.constant 0 : i32
      %dma_start3A_221 = tpu.memref_slice %arg6[%dma_start3A_219, %dma_start3A_220] : memref<128x128xf32, #tpu.memory_space<vmem>> -> memref<128x128xf32, #tpu.memory_space<vmem>>
      %dma_start3A_222 = arith.constant 0 : i32
      %dma_start3A_223 = tpu.memref_slice %arg18[%add3A_199, %dma_start3A_222] : memref<10112x128xf32, #tpu.memory_space<vmem_shared>> -> memref<128x128xf32, #tpu.memory_space<vmem_shared>>
      tpu.enqueue_dma source(%dma_start3A_223 : memref<128x128xf32, #tpu.memory_space<vmem_shared>>) target(%dma_start3A_221 : memref<128x128xf32, #tpu.memory_space<vmem>>) target_semaphore(%run_scoped3A : memref<!tpu.dma_semaphore, #tpu.memory_space<semaphore_mem>>)
      %dma_wait3A_224 = arith.constant 0 : i32
      %dma_wait3A_225 = arith.constant 0 : i32
      %dma_wait3A_226 = tpu.memref_slice %arg6[%dma_wait3A_224, %dma_wait3A_225] : memref<128x128xf32, #tpu.memory_space<vmem>> -> memref<128x128xf32, #tpu.memory_space<vmem>>
      %dma_wait3A_227 = arith.constant 0 : i32
      %dma_wait3A_228 = tpu.memref_slice %arg18[%add3A_199, %dma_wait3A_227] : memref<10112x128xf32, #tpu.memory_space<vmem_shared>> -> memref<128x128xf32, #tpu.memory_space<vmem_shared>>
      %dma_wait3A_229 = arith.constant 0 : i32
      %dma_wait3A_230 = arith.constant 0 : i32
      %dma_wait3A_231 = tpu.memref_slice %arg6[%dma_wait3A_229, %dma_wait3A_230] : memref<128x128xf32, #tpu.memory_space<vmem>> -> memref<128x128xf32, #tpu.memory_space<vmem>>
      %dma_wait3A_232 = arith.constant 0 : i32
      %dma_wait3A_233 = tpu.memref_slice %arg18[%add3A_199, %dma_wait3A_232] : memref<10112x128xf32, #tpu.memory_space<vmem_shared>> -> memref<128x128xf32, #tpu.memory_space<vmem_shared>>
      tpu.wait_dma2 semaphore(%run_scoped3A : memref<!tpu.dma_semaphore, #tpu.memory_space<semaphore_mem>>) src(%dma_wait3A_233 : memref<128x128xf32, #tpu.memory_space<vmem_shared>>) dst(%dma_wait3A_231 : memref<128x128xf32, #tpu.memory_space<vmem>>)
      tpu.yield
    }) : () -> ()
    %add3A_200 = arith.constant 128 : i32
    %add3A_201 = arith.addi %add3A_193, %add3A_200 : i32
    "tpu.region"() ({
      %run_scoped3A = tpu.sem_alloc : memref<!tpu.dma_semaphore, #tpu.memory_space<semaphore_mem>>
      %dma_start3A_214 = arith.constant 0 : i32
      %dma_start3A_215 = arith.constant 0 : i32
      %dma_start3A_216 = tpu.memref_slice %arg6[%dma_start3A_214, %dma_start3A_215] : memref<128x128xf32, #tpu.memory_space<vmem>> -> memref<128x128xf32, #tpu.memory_space<vmem>>
      %dma_start3A_217 = arith.constant 0 : i32
      %dma_start3A_218 = tpu.memref_slice %arg5[%add3A_201, %dma_start3A_217] : memref<20224x128xf32, #tpu.memory_space<hbm>> -> memref<128x128xf32, #tpu.memory_space<hbm>>
      %dma_start3A_219 = arith.constant 0 : i32
      %dma_start3A_220 = tpu.memref_slice %arg5[%add3A_201, %dma_start3A_219] : memref<20224x128xf32, #tpu.memory_space<hbm>> -> memref<128x128xf32, #tpu.memory_space<hbm>>
      %dma_start3A_221 = arith.constant 0 : i32
      %dma_start3A_222 = arith.constant 0 : i32
      %dma_start3A_223 = tpu.memref_slice %arg6[%dma_start3A_221, %dma_start3A_222] : memref<128x128xf32, #tpu.memory_space<vmem>> -> memref<128x128xf32, #tpu.memory_space<vmem>>
      tpu.enqueue_dma source(%dma_start3A_223 : memref<128x128xf32, #tpu.memory_space<vmem>>) target(%dma_start3A_220 : memref<128x128xf32, #tpu.memory_space<hbm>>) target_semaphore(%run_scoped3A : memref<!tpu.dma_semaphore, #tpu.memory_space<semaphore_mem>>)
      %dma_wait3A_224 = arith.constant 0 : i32
      %dma_wait3A_225 = arith.constant 0 : i32
      %dma_wait3A_226 = tpu.memref_slice %arg6[%dma_wait3A_224, %dma_wait3A_225] : memref<128x128xf32, #tpu.memory_space<vmem>> -> memref<128x128xf32, #tpu.memory_space<vmem>>
      %dma_wait3A_227 = arith.constant 0 : i32
      %dma_wait3A_228 = tpu.memref_slice %arg5[%add3A_201, %dma_wait3A_227] : memref<20224x128xf32, #tpu.memory_space<hbm>> -> memref<128x128xf32, #tpu.memory_space<hbm>>
      %dma_wait3A_229 = arith.constant 0 : i32
      %dma_wait3A_230 = tpu.memref_slice %arg5[%add3A_201, %dma_wait3A_229] : memref<20224x128xf32, #tpu.memory_space<hbm>> -> memref<128x128xf32, #tpu.memory_space<hbm>>
      %dma_wait3A_231 = arith.constant 0 : i32
      %dma_wait3A_232 = arith.constant 0 : i32
      %dma_wait3A_233 = tpu.memref_slice %arg6[%dma_wait3A_231, %dma_wait3A_232] : memref<128x128xf32, #tpu.memory_space<vmem>> -> memref<128x128xf32, #tpu.memory_space<vmem>>
      tpu.wait_dma2 semaphore(%run_scoped3A : memref<!tpu.dma_semaphore, #tpu.memory_space<semaphore_mem>>) src(%dma_wait3A_233 : memref<128x128xf32, #tpu.memory_space<vmem>>) dst(%dma_wait3A_230 : memref<128x128xf32, #tpu.memory_space<hbm>>)
      tpu.yield
    }) : () -> ()
    %add3A_202 = arith.constant 256 : i32
    %add3A_203 = arith.addi %mul3A_2, %add3A_202 : i32
    "tpu.region"() ({
      %run_scoped3A = tpu.sem_alloc : memref<!tpu.dma_semaphore, #tpu.memory_space<semaphore_mem>>
      %dma_start3A_214 = arith.constant 0 : i32
      %dma_start3A_215 = arith.constant 0 : i32
      %dma_start3A_216 = tpu.memref_slice %arg6[%dma_start3A_214, %dma_start3A_215] : memref<128x128xf32, #tpu.memory_space<vmem>> -> memref<128x128xf32, #tpu.memory_space<vmem>>
      %dma_start3A_217 = arith.constant 0 : i32
      %dma_start3A_218 = tpu.memref_slice %arg18[%add3A_203, %dma_start3A_217] : memref<10112x128xf32, #tpu.memory_space<vmem_shared>> -> memref<128x128xf32, #tpu.memory_space<vmem_shared>>
      %dma_start3A_219 = arith.constant 0 : i32
      %dma_start3A_220 = arith.constant 0 : i32
      %dma_start3A_221 = tpu.memref_slice %arg6[%dma_start3A_219, %dma_start3A_220] : memref<128x128xf32, #tpu.memory_space<vmem>> -> memref<128x128xf32, #tpu.memory_space<vmem>>
      %dma_start3A_222 = arith.constant 0 : i32
      %dma_start3A_223 = tpu.memref_slice %arg18[%add3A_203, %dma_start3A_222] : memref<10112x128xf32, #tpu.memory_space<vmem_shared>> -> memref<128x128xf32, #tpu.memory_space<vmem_shared>>
      tpu.enqueue_dma source(%dma_start3A_223 : memref<128x128xf32, #tpu.memory_space<vmem_shared>>) target(%dma_start3A_221 : memref<128x128xf32, #tpu.memory_space<vmem>>) target_semaphore(%run_scoped3A : memref<!tpu.dma_semaphore, #tpu.memory_space<semaphore_mem>>)
      %dma_wait3A_224 = arith.constant 0 : i32
      %dma_wait3A_225 = arith.constant 0 : i32
      %dma_wait3A_226 = tpu.memref_slice %arg6[%dma_wait3A_224, %dma_wait3A_225] : memref<128x128xf32, #tpu.memory_space<vmem>> -> memref<128x128xf32, #tpu.memory_space<vmem>>
      %dma_wait3A_227 = arith.constant 0 : i32
      %dma_wait3A_228 = tpu.memref_slice %arg18[%add3A_203, %dma_wait3A_227] : memref<10112x128xf32, #tpu.memory_space<vmem_shared>> -> memref<128x128xf32, #tpu.memory_space<vmem_shared>>
      %dma_wait3A_229 = arith.constant 0 : i32
      %dma_wait3A_230 = arith.constant 0 : i32
      %dma_wait3A_231 = tpu.memref_slice %arg6[%dma_wait3A_229, %dma_wait3A_230] : memref<128x128xf32, #tpu.memory_space<vmem>> -> memref<128x128xf32, #tpu.memory_space<vmem>>
      %dma_wait3A_232 = arith.constant 0 : i32
      %dma_wait3A_233 = tpu.memref_slice %arg18[%add3A_203, %dma_wait3A_232] : memref<10112x128xf32, #tpu.memory_space<vmem_shared>> -> memref<128x128xf32, #tpu.memory_space<vmem_shared>>
      tpu.wait_dma2 semaphore(%run_scoped3A : memref<!tpu.dma_semaphore, #tpu.memory_space<semaphore_mem>>) src(%dma_wait3A_233 : memref<128x128xf32, #tpu.memory_space<vmem_shared>>) dst(%dma_wait3A_231 : memref<128x128xf32, #tpu.memory_space<vmem>>)
      tpu.yield
    }) : () -> ()
    %add3A_204 = arith.constant 256 : i32
    %add3A_205 = arith.addi %add3A_193, %add3A_204 : i32
    "tpu.region"() ({
      %run_scoped3A = tpu.sem_alloc : memref<!tpu.dma_semaphore, #tpu.memory_space<semaphore_mem>>
      %dma_start3A_214 = arith.constant 0 : i32
      %dma_start3A_215 = arith.constant 0 : i32
      %dma_start3A_216 = tpu.memref_slice %arg6[%dma_start3A_214, %dma_start3A_215] : memref<128x128xf32, #tpu.memory_space<vmem>> -> memref<128x128xf32, #tpu.memory_space<vmem>>
      %dma_start3A_217 = arith.constant 0 : i32
      %dma_start3A_218 = tpu.memref_slice %arg5[%add3A_205, %dma_start3A_217] : memref<20224x128xf32, #tpu.memory_space<hbm>> -> memref<128x128xf32, #tpu.memory_space<hbm>>
      %dma_start3A_219 = arith.constant 0 : i32
      %dma_start3A_220 = tpu.memref_slice %arg5[%add3A_205, %dma_start3A_219] : memref<20224x128xf32, #tpu.memory_space<hbm>> -> memref<128x128xf32, #tpu.memory_space<hbm>>
      %dma_start3A_221 = arith.constant 0 : i32
      %dma_start3A_222 = arith.constant 0 : i32
      %dma_start3A_223 = tpu.memref_slice %arg6[%dma_start3A_221, %dma_start3A_222] : memref<128x128xf32, #tpu.memory_space<vmem>> -> memref<128x128xf32, #tpu.memory_space<vmem>>
      tpu.enqueue_dma source(%dma_start3A_223 : memref<128x128xf32, #tpu.memory_space<vmem>>) target(%dma_start3A_220 : memref<128x128xf32, #tpu.memory_space<hbm>>) target_semaphore(%run_scoped3A : memref<!tpu.dma_semaphore, #tpu.memory_space<semaphore_mem>>)
      %dma_wait3A_224 = arith.constant 0 : i32
      %dma_wait3A_225 = arith.constant 0 : i32
      %dma_wait3A_226 = tpu.memref_slice %arg6[%dma_wait3A_224, %dma_wait3A_225] : memref<128x128xf32, #tpu.memory_space<vmem>> -> memref<128x128xf32, #tpu.memory_space<vmem>>
      %dma_wait3A_227 = arith.constant 0 : i32
      %dma_wait3A_228 = tpu.memref_slice %arg5[%add3A_205, %dma_wait3A_227] : memref<20224x128xf32, #tpu.memory_space<hbm>> -> memref<128x128xf32, #tpu.memory_space<hbm>>
      %dma_wait3A_229 = arith.constant 0 : i32
      %dma_wait3A_230 = tpu.memref_slice %arg5[%add3A_205, %dma_wait3A_229] : memref<20224x128xf32, #tpu.memory_space<hbm>> -> memref<128x128xf32, #tpu.memory_space<hbm>>
      %dma_wait3A_231 = arith.constant 0 : i32
      %dma_wait3A_232 = arith.constant 0 : i32
      %dma_wait3A_233 = tpu.memref_slice %arg6[%dma_wait3A_231, %dma_wait3A_232] : memref<128x128xf32, #tpu.memory_space<vmem>> -> memref<128x128xf32, #tpu.memory_space<vmem>>
      tpu.wait_dma2 semaphore(%run_scoped3A : memref<!tpu.dma_semaphore, #tpu.memory_space<semaphore_mem>>) src(%dma_wait3A_233 : memref<128x128xf32, #tpu.memory_space<vmem>>) dst(%dma_wait3A_230 : memref<128x128xf32, #tpu.memory_space<hbm>>)
      tpu.yield
    }) : () -> ()
    %add3A_206 = arith.constant 384 : i32
    %add3A_207 = arith.addi %mul3A_2, %add3A_206 : i32
    "tpu.region"() ({
      %run_scoped3A = tpu.sem_alloc : memref<!tpu.dma_semaphore, #tpu.memory_space<semaphore_mem>>
      %dma_start3A_214 = arith.constant 0 : i32
      %dma_start3A_215 = arith.constant 0 : i32
      %dma_start3A_216 = tpu.memref_slice %arg6[%dma_start3A_214, %dma_start3A_215] : memref<128x128xf32, #tpu.memory_space<vmem>> -> memref<128x128xf32, #tpu.memory_space<vmem>>
      %dma_start3A_217 = arith.constant 0 : i32
      %dma_start3A_218 = tpu.memref_slice %arg18[%add3A_207, %dma_start3A_217] : memref<10112x128xf32, #tpu.memory_space<vmem_shared>> -> memref<128x128xf32, #tpu.memory_space<vmem_shared>>
      %dma_start3A_219 = arith.constant 0 : i32
      %dma_start3A_220 = arith.constant 0 : i32
      %dma_start3A_221 = tpu.memref_slice %arg6[%dma_start3A_219, %dma_start3A_220] : memref<128x128xf32, #tpu.memory_space<vmem>> -> memref<128x128xf32, #tpu.memory_space<vmem>>
      %dma_start3A_222 = arith.constant 0 : i32
      %dma_start3A_223 = tpu.memref_slice %arg18[%add3A_207, %dma_start3A_222] : memref<10112x128xf32, #tpu.memory_space<vmem_shared>> -> memref<128x128xf32, #tpu.memory_space<vmem_shared>>
      tpu.enqueue_dma source(%dma_start3A_223 : memref<128x128xf32, #tpu.memory_space<vmem_shared>>) target(%dma_start3A_221 : memref<128x128xf32, #tpu.memory_space<vmem>>) target_semaphore(%run_scoped3A : memref<!tpu.dma_semaphore, #tpu.memory_space<semaphore_mem>>)
      %dma_wait3A_224 = arith.constant 0 : i32
      %dma_wait3A_225 = arith.constant 0 : i32
      %dma_wait3A_226 = tpu.memref_slice %arg6[%dma_wait3A_224, %dma_wait3A_225] : memref<128x128xf32, #tpu.memory_space<vmem>> -> memref<128x128xf32, #tpu.memory_space<vmem>>
      %dma_wait3A_227 = arith.constant 0 : i32
      %dma_wait3A_228 = tpu.memref_slice %arg18[%add3A_207, %dma_wait3A_227] : memref<10112x128xf32, #tpu.memory_space<vmem_shared>> -> memref<128x128xf32, #tpu.memory_space<vmem_shared>>
      %dma_wait3A_229 = arith.constant 0 : i32
      %dma_wait3A_230 = arith.constant 0 : i32
      %dma_wait3A_231 = tpu.memref_slice %arg6[%dma_wait3A_229, %dma_wait3A_230] : memref<128x128xf32, #tpu.memory_space<vmem>> -> memref<128x128xf32, #tpu.memory_space<vmem>>
      %dma_wait3A_232 = arith.constant 0 : i32
      %dma_wait3A_233 = tpu.memref_slice %arg18[%add3A_207, %dma_wait3A_232] : memref<10112x128xf32, #tpu.memory_space<vmem_shared>> -> memref<128x128xf32, #tpu.memory_space<vmem_shared>>
      tpu.wait_dma2 semaphore(%run_scoped3A : memref<!tpu.dma_semaphore, #tpu.memory_space<semaphore_mem>>) src(%dma_wait3A_233 : memref<128x128xf32, #tpu.memory_space<vmem_shared>>) dst(%dma_wait3A_231 : memref<128x128xf32, #tpu.memory_space<vmem>>)
      tpu.yield
    }) : () -> ()
    %add3A_208 = arith.constant 384 : i32
    %add3A_209 = arith.addi %add3A_193, %add3A_208 : i32
    "tpu.region"() ({
      %run_scoped3A = tpu.sem_alloc : memref<!tpu.dma_semaphore, #tpu.memory_space<semaphore_mem>>
      %dma_start3A_214 = arith.constant 0 : i32
      %dma_start3A_215 = arith.constant 0 : i32
      %dma_start3A_216 = tpu.memref_slice %arg6[%dma_start3A_214, %dma_start3A_215] : memref<128x128xf32, #tpu.memory_space<vmem>> -> memref<128x128xf32, #tpu.memory_space<vmem>>
      %dma_start3A_217 = arith.constant 0 : i32
      %dma_start3A_218 = tpu.memref_slice %arg5[%add3A_209, %dma_start3A_217] : memref<20224x128xf32, #tpu.memory_space<hbm>> -> memref<128x128xf32, #tpu.memory_space<hbm>>
      %dma_start3A_219 = arith.constant 0 : i32
      %dma_start3A_220 = tpu.memref_slice %arg5[%add3A_209, %dma_start3A_219] : memref<20224x128xf32, #tpu.memory_space<hbm>> -> memref<128x128xf32, #tpu.memory_space<hbm>>
      %dma_start3A_221 = arith.constant 0 : i32
      %dma_start3A_222 = arith.constant 0 : i32
      %dma_start3A_223 = tpu.memref_slice %arg6[%dma_start3A_221, %dma_start3A_222] : memref<128x128xf32, #tpu.memory_space<vmem>> -> memref<128x128xf32, #tpu.memory_space<vmem>>
      tpu.enqueue_dma source(%dma_start3A_223 : memref<128x128xf32, #tpu.memory_space<vmem>>) target(%dma_start3A_220 : memref<128x128xf32, #tpu.memory_space<hbm>>) target_semaphore(%run_scoped3A : memref<!tpu.dma_semaphore, #tpu.memory_space<semaphore_mem>>)
      %dma_wait3A_224 = arith.constant 0 : i32
      %dma_wait3A_225 = arith.constant 0 : i32
      %dma_wait3A_226 = tpu.memref_slice %arg6[%dma_wait3A_224, %dma_wait3A_225] : memref<128x128xf32, #tpu.memory_space<vmem>> -> memref<128x128xf32, #tpu.memory_space<vmem>>
      %dma_wait3A_227 = arith.constant 0 : i32
      %dma_wait3A_228 = tpu.memref_slice %arg5[%add3A_209, %dma_wait3A_227] : memref<20224x128xf32, #tpu.memory_space<hbm>> -> memref<128x128xf32, #tpu.memory_space<hbm>>
      %dma_wait3A_229 = arith.constant 0 : i32
      %dma_wait3A_230 = tpu.memref_slice %arg5[%add3A_209, %dma_wait3A_229] : memref<20224x128xf32, #tpu.memory_space<hbm>> -> memref<128x128xf32, #tpu.memory_space<hbm>>
      %dma_wait3A_231 = arith.constant 0 : i32
      %dma_wait3A_232 = arith.constant 0 : i32
      %dma_wait3A_233 = tpu.memref_slice %arg6[%dma_wait3A_231, %dma_wait3A_232] : memref<128x128xf32, #tpu.memory_space<vmem>> -> memref<128x128xf32, #tpu.memory_space<vmem>>
      tpu.wait_dma2 semaphore(%run_scoped3A : memref<!tpu.dma_semaphore, #tpu.memory_space<semaphore_mem>>) src(%dma_wait3A_233 : memref<128x128xf32, #tpu.memory_space<vmem>>) dst(%dma_wait3A_230 : memref<128x128xf32, #tpu.memory_space<hbm>>)
      tpu.yield
    }) : () -> ()
    %add3A_210 = arith.constant 512 : i32
    %add3A_211 = arith.addi %mul3A_2, %add3A_210 : i32
    "tpu.region"() ({
      %run_scoped3A = tpu.sem_alloc : memref<!tpu.dma_semaphore, #tpu.memory_space<semaphore_mem>>
      %dma_start3A_214 = arith.constant 0 : i32
      %dma_start3A_215 = arith.constant 0 : i32
      %dma_start3A_216 = tpu.memref_slice %arg6[%dma_start3A_214, %dma_start3A_215] : memref<128x128xf32, #tpu.memory_space<vmem>> -> memref<120x128xf32, #tpu.memory_space<vmem>>
      %dma_start3A_217 = arith.constant 0 : i32
      %dma_start3A_218 = tpu.memref_slice %arg18[%add3A_211, %dma_start3A_217] : memref<10112x128xf32, #tpu.memory_space<vmem_shared>> -> memref<120x128xf32, #tpu.memory_space<vmem_shared>>
      %dma_start3A_219 = arith.constant 0 : i32
      %dma_start3A_220 = arith.constant 0 : i32
      %dma_start3A_221 = tpu.memref_slice %arg6[%dma_start3A_219, %dma_start3A_220] : memref<128x128xf32, #tpu.memory_space<vmem>> -> memref<120x128xf32, #tpu.memory_space<vmem>>
      %dma_start3A_222 = arith.constant 0 : i32
      %dma_start3A_223 = tpu.memref_slice %arg18[%add3A_211, %dma_start3A_222] : memref<10112x128xf32, #tpu.memory_space<vmem_shared>> -> memref<120x128xf32, #tpu.memory_space<vmem_shared>>
      tpu.enqueue_dma source(%dma_start3A_223 : memref<120x128xf32, #tpu.memory_space<vmem_shared>>) target(%dma_start3A_221 : memref<120x128xf32, #tpu.memory_space<vmem>>) target_semaphore(%run_scoped3A : memref<!tpu.dma_semaphore, #tpu.memory_space<semaphore_mem>>)
      %dma_wait3A_224 = arith.constant 0 : i32
      %dma_wait3A_225 = arith.constant 0 : i32
      %dma_wait3A_226 = tpu.memref_slice %arg6[%dma_wait3A_224, %dma_wait3A_225] : memref<128x128xf32, #tpu.memory_space<vmem>> -> memref<120x128xf32, #tpu.memory_space<vmem>>
      %dma_wait3A_227 = arith.constant 0 : i32
      %dma_wait3A_228 = tpu.memref_slice %arg18[%add3A_211, %dma_wait3A_227] : memref<10112x128xf32, #tpu.memory_space<vmem_shared>> -> memref<120x128xf32, #tpu.memory_space<vmem_shared>>
      %dma_wait3A_229 = arith.constant 0 : i32
      %dma_wait3A_230 = arith.constant 0 : i32
      %dma_wait3A_231 = tpu.memref_slice %arg6[%dma_wait3A_229, %dma_wait3A_230] : memref<128x128xf32, #tpu.memory_space<vmem>> -> memref<120x128xf32, #tpu.memory_space<vmem>>
      %dma_wait3A_232 = arith.constant 0 : i32
      %dma_wait3A_233 = tpu.memref_slice %arg18[%add3A_211, %dma_wait3A_232] : memref<10112x128xf32, #tpu.memory_space<vmem_shared>> -> memref<120x128xf32, #tpu.memory_space<vmem_shared>>
      tpu.wait_dma2 semaphore(%run_scoped3A : memref<!tpu.dma_semaphore, #tpu.memory_space<semaphore_mem>>) src(%dma_wait3A_233 : memref<120x128xf32, #tpu.memory_space<vmem_shared>>) dst(%dma_wait3A_231 : memref<120x128xf32, #tpu.memory_space<vmem>>)
      tpu.yield
    }) : () -> ()
    %add3A_212 = arith.constant 512 : i32
    %add3A_213 = arith.addi %add3A_193, %add3A_212 : i32
    "tpu.region"() ({
      %run_scoped3A = tpu.sem_alloc : memref<!tpu.dma_semaphore, #tpu.memory_space<semaphore_mem>>
      %dma_start3A_214 = arith.constant 0 : i32
      %dma_start3A_215 = arith.constant 0 : i32
      %dma_start3A_216 = tpu.memref_slice %arg6[%dma_start3A_214, %dma_start3A_215] : memref<128x128xf32, #tpu.memory_space<vmem>> -> memref<120x128xf32, #tpu.memory_space<vmem>>
      %dma_start3A_217 = arith.constant 0 : i32
      %dma_start3A_218 = tpu.memref_slice %arg5[%add3A_213, %dma_start3A_217] : memref<20224x128xf32, #tpu.memory_space<hbm>> -> memref<120x128xf32, #tpu.memory_space<hbm>>
      %dma_start3A_219 = arith.constant 0 : i32
      %dma_start3A_220 = tpu.memref_slice %arg5[%add3A_213, %dma_start3A_219] : memref<20224x128xf32, #tpu.memory_space<hbm>> -> memref<120x128xf32, #tpu.memory_space<hbm>>
      %dma_start3A_221 = arith.constant 0 : i32
      %dma_start3A_222 = arith.constant 0 : i32
      %dma_start3A_223 = tpu.memref_slice %arg6[%dma_start3A_221, %dma_start3A_222] : memref<128x128xf32, #tpu.memory_space<vmem>> -> memref<120x128xf32, #tpu.memory_space<vmem>>
      tpu.enqueue_dma source(%dma_start3A_223 : memref<120x128xf32, #tpu.memory_space<vmem>>) target(%dma_start3A_220 : memref<120x128xf32, #tpu.memory_space<hbm>>) target_semaphore(%run_scoped3A : memref<!tpu.dma_semaphore, #tpu.memory_space<semaphore_mem>>)
      %dma_wait3A_224 = arith.constant 0 : i32
      %dma_wait3A_225 = arith.constant 0 : i32
      %dma_wait3A_226 = tpu.memref_slice %arg6[%dma_wait3A_224, %dma_wait3A_225] : memref<128x128xf32, #tpu.memory_space<vmem>> -> memref<120x128xf32, #tpu.memory_space<vmem>>
      %dma_wait3A_227 = arith.constant 0 : i32
      %dma_wait3A_228 = tpu.memref_slice %arg5[%add3A_213, %dma_wait3A_227] : memref<20224x128xf32, #tpu.memory_space<hbm>> -> memref<120x128xf32, #tpu.memory_space<hbm>>
      %dma_wait3A_229 = arith.constant 0 : i32
      %dma_wait3A_230 = tpu.memref_slice %arg5[%add3A_213, %dma_wait3A_229] : memref<20224x128xf32, #tpu.memory_space<hbm>> -> memref<120x128xf32, #tpu.memory_space<hbm>>
      %dma_wait3A_231 = arith.constant 0 : i32
      %dma_wait3A_232 = arith.constant 0 : i32
      %dma_wait3A_233 = tpu.memref_slice %arg6[%dma_wait3A_231, %dma_wait3A_232] : memref<128x128xf32, #tpu.memory_space<vmem>> -> memref<120x128xf32, #tpu.memory_space<vmem>>
      tpu.wait_dma2 semaphore(%run_scoped3A : memref<!tpu.dma_semaphore, #tpu.memory_space<semaphore_mem>>) src(%dma_wait3A_233 : memref<120x128xf32, #tpu.memory_space<vmem>>) dst(%dma_wait3A_230 : memref<120x128xf32, #tpu.memory_space<hbm>>)
      tpu.yield
    }) : () -> ()
    return
  }
}

#map = affine_map<(d0, d1) -> (0, 0)>
module attributes {stable_mosaic.version = 14 : i64} {
  func.func @_sc_counts_body(%arg0: i32, %arg1: i32, %arg2: memref<2560x128xi32, #tpu.memory_space<hbm>>, %arg3: memref<128x16xf32, #tpu.memory_space<hbm>>, %arg4: memref<128x16xf32, #tpu.memory_space<hbm>>, %arg5: memref<20224x16xf32, #tpu.memory_space<hbm>>, %arg6: memref<128x16xf32, #tpu.memory_space<vmem>>, %arg7: memref<8x128xi32, #tpu.memory_space<vmem>>, %arg8: memref<8x128xi32, #tpu.memory_space<vmem>>, %arg9: memref<!tpu.dma_semaphore, #tpu.memory_space<semaphore_mem>>, %arg10: memref<!tpu.dma_semaphore, #tpu.memory_space<semaphore_mem>>, %arg11: memref<!tpu.dma_semaphore, #tpu.memory_space<semaphore_mem>>, %arg12: memref<!tpu.dma_semaphore, #tpu.memory_space<semaphore_mem>>, %arg13: memref<10112x16xf32, #tpu.memory_space<vmem_shared>>) attributes {dimension_semantics = [#tpu.dimension_semantics<core_parallel>, #tpu.dimension_semantics<subcore_parallel>], iteration_bounds = array<i64: 2, 16>, scalar_prefetch = 0 : i64, scratch_operands = 8 : i64, tpu.core_type = #tpu.core_type<sc_vector_subcore>, window_params = [{transform_indices = #map}, {transform_indices = #map}, {transform_indices = #map}, {transform_indices = #map}]} {
    %mul3A = arith.constant 16 : i32
    %mul3A_0 = arith.muli %arg0, %mul3A : i32
    %add3A = arith.addi %mul3A_0, %arg1 : i32
    %mul3A_1 = arith.constant 632 : i32
    %mul3A_2 = arith.muli %arg1, %mul3A_1 : i32
    "tpu.region"() ({
      %run_scoped3A = tpu.sem_alloc : memref<!tpu.dma_semaphore, #tpu.memory_space<semaphore_mem>>
      tpu.enqueue_dma source(%arg3 : memref<128x16xf32, #tpu.memory_space<hbm>>) target(%arg6 : memref<128x16xf32, #tpu.memory_space<vmem>>) target_semaphore(%run_scoped3A : memref<!tpu.dma_semaphore, #tpu.memory_space<semaphore_mem>>)
      tpu.wait_dma2 semaphore(%run_scoped3A : memref<!tpu.dma_semaphore, #tpu.memory_space<semaphore_mem>>) src(%arg3 : memref<128x16xf32, #tpu.memory_space<hbm>>) dst(%arg6 : memref<128x16xf32, #tpu.memory_space<vmem>>)
      tpu.yield
    }) : () -> ()
    %add3A_3 = arith.constant 0 : i32
    %add3A_4 = arith.addi %mul3A_2, %add3A_3 : i32
    %dma_start3A = arith.constant 0 : i32
    %dma_start3A_5 = arith.constant 0 : i32
    %dma_start3A_6 = tpu.memref_slice %arg6[%dma_start3A, %dma_start3A_5] : memref<128x16xf32, #tpu.memory_space<vmem>> -> memref<128x16xf32, #tpu.memory_space<vmem>>
    %dma_start3A_7 = arith.constant 0 : i32
    %dma_start3A_8 = tpu.memref_slice %arg13[%add3A_4, %dma_start3A_7] : memref<10112x16xf32, #tpu.memory_space<vmem_shared>> -> memref<128x16xf32, #tpu.memory_space<vmem_shared>>
    %dma_start3A_9 = arith.constant 0 : i32
    %dma_start3A_10 = tpu.memref_slice %arg13[%add3A_4, %dma_start3A_9] : memref<10112x16xf32, #tpu.memory_space<vmem_shared>> -> memref<128x16xf32, #tpu.memory_space<vmem_shared>>
    %dma_start3A_11 = arith.constant 0 : i32
    %dma_start3A_12 = arith.constant 0 : i32
    %dma_start3A_13 = tpu.memref_slice %arg6[%dma_start3A_11, %dma_start3A_12] : memref<128x16xf32, #tpu.memory_space<vmem>> -> memref<128x16xf32, #tpu.memory_space<vmem>>
    tpu.enqueue_dma source(%dma_start3A_13 : memref<128x16xf32, #tpu.memory_space<vmem>>) target(%dma_start3A_10 : memref<128x16xf32, #tpu.memory_space<vmem_shared>>) target_semaphore(%arg11 : memref<!tpu.dma_semaphore, #tpu.memory_space<semaphore_mem>>)
    %add3A_14 = arith.constant 128 : i32
    %add3A_15 = arith.addi %mul3A_2, %add3A_14 : i32
    %dma_start3A_16 = arith.constant 0 : i32
    %dma_start3A_17 = arith.constant 0 : i32
    %dma_start3A_18 = tpu.memref_slice %arg6[%dma_start3A_16, %dma_start3A_17] : memref<128x16xf32, #tpu.memory_space<vmem>> -> memref<128x16xf32, #tpu.memory_space<vmem>>
    %dma_start3A_19 = arith.constant 0 : i32
    %dma_start3A_20 = tpu.memref_slice %arg13[%add3A_15, %dma_start3A_19] : memref<10112x16xf32, #tpu.memory_space<vmem_shared>> -> memref<128x16xf32, #tpu.memory_space<vmem_shared>>
    %dma_start3A_21 = arith.constant 0 : i32
    %dma_start3A_22 = tpu.memref_slice %arg13[%add3A_15, %dma_start3A_21] : memref<10112x16xf32, #tpu.memory_space<vmem_shared>> -> memref<128x16xf32, #tpu.memory_space<vmem_shared>>
    %dma_start3A_23 = arith.constant 0 : i32
    %dma_start3A_24 = arith.constant 0 : i32
    %dma_start3A_25 = tpu.memref_slice %arg6[%dma_start3A_23, %dma_start3A_24] : memref<128x16xf32, #tpu.memory_space<vmem>> -> memref<128x16xf32, #tpu.memory_space<vmem>>
    tpu.enqueue_dma source(%dma_start3A_25 : memref<128x16xf32, #tpu.memory_space<vmem>>) target(%dma_start3A_22 : memref<128x16xf32, #tpu.memory_space<vmem_shared>>) target_semaphore(%arg11 : memref<!tpu.dma_semaphore, #tpu.memory_space<semaphore_mem>>)
    %add3A_26 = arith.constant 256 : i32
    %add3A_27 = arith.addi %mul3A_2, %add3A_26 : i32
    %dma_start3A_28 = arith.constant 0 : i32
    %dma_start3A_29 = arith.constant 0 : i32
    %dma_start3A_30 = tpu.memref_slice %arg6[%dma_start3A_28, %dma_start3A_29] : memref<128x16xf32, #tpu.memory_space<vmem>> -> memref<128x16xf32, #tpu.memory_space<vmem>>
    %dma_start3A_31 = arith.constant 0 : i32
    %dma_start3A_32 = tpu.memref_slice %arg13[%add3A_27, %dma_start3A_31] : memref<10112x16xf32, #tpu.memory_space<vmem_shared>> -> memref<128x16xf32, #tpu.memory_space<vmem_shared>>
    %dma_start3A_33 = arith.constant 0 : i32
    %dma_start3A_34 = tpu.memref_slice %arg13[%add3A_27, %dma_start3A_33] : memref<10112x16xf32, #tpu.memory_space<vmem_shared>> -> memref<128x16xf32, #tpu.memory_space<vmem_shared>>
    %dma_start3A_35 = arith.constant 0 : i32
    %dma_start3A_36 = arith.constant 0 : i32
    %dma_start3A_37 = tpu.memref_slice %arg6[%dma_start3A_35, %dma_start3A_36] : memref<128x16xf32, #tpu.memory_space<vmem>> -> memref<128x16xf32, #tpu.memory_space<vmem>>
    tpu.enqueue_dma source(%dma_start3A_37 : memref<128x16xf32, #tpu.memory_space<vmem>>) target(%dma_start3A_34 : memref<128x16xf32, #tpu.memory_space<vmem_shared>>) target_semaphore(%arg11 : memref<!tpu.dma_semaphore, #tpu.memory_space<semaphore_mem>>)
    %add3A_38 = arith.constant 384 : i32
    %add3A_39 = arith.addi %mul3A_2, %add3A_38 : i32
    %dma_start3A_40 = arith.constant 0 : i32
    %dma_start3A_41 = arith.constant 0 : i32
    %dma_start3A_42 = tpu.memref_slice %arg6[%dma_start3A_40, %dma_start3A_41] : memref<128x16xf32, #tpu.memory_space<vmem>> -> memref<128x16xf32, #tpu.memory_space<vmem>>
    %dma_start3A_43 = arith.constant 0 : i32
    %dma_start3A_44 = tpu.memref_slice %arg13[%add3A_39, %dma_start3A_43] : memref<10112x16xf32, #tpu.memory_space<vmem_shared>> -> memref<128x16xf32, #tpu.memory_space<vmem_shared>>
    %dma_start3A_45 = arith.constant 0 : i32
    %dma_start3A_46 = tpu.memref_slice %arg13[%add3A_39, %dma_start3A_45] : memref<10112x16xf32, #tpu.memory_space<vmem_shared>> -> memref<128x16xf32, #tpu.memory_space<vmem_shared>>
    %dma_start3A_47 = arith.constant 0 : i32
    %dma_start3A_48 = arith.constant 0 : i32
    %dma_start3A_49 = tpu.memref_slice %arg6[%dma_start3A_47, %dma_start3A_48] : memref<128x16xf32, #tpu.memory_space<vmem>> -> memref<128x16xf32, #tpu.memory_space<vmem>>
    tpu.enqueue_dma source(%dma_start3A_49 : memref<128x16xf32, #tpu.memory_space<vmem>>) target(%dma_start3A_46 : memref<128x16xf32, #tpu.memory_space<vmem_shared>>) target_semaphore(%arg11 : memref<!tpu.dma_semaphore, #tpu.memory_space<semaphore_mem>>)
    %add3A_50 = arith.constant 512 : i32
    %add3A_51 = arith.addi %mul3A_2, %add3A_50 : i32
    %dma_start3A_52 = arith.constant 0 : i32
    %dma_start3A_53 = arith.constant 0 : i32
    %dma_start3A_54 = tpu.memref_slice %arg6[%dma_start3A_52, %dma_start3A_53] : memref<128x16xf32, #tpu.memory_space<vmem>> -> memref<120x16xf32, #tpu.memory_space<vmem>>
    %dma_start3A_55 = arith.constant 0 : i32
    %dma_start3A_56 = tpu.memref_slice %arg13[%add3A_51, %dma_start3A_55] : memref<10112x16xf32, #tpu.memory_space<vmem_shared>> -> memref<120x16xf32, #tpu.memory_space<vmem_shared>>
    %dma_start3A_57 = arith.constant 0 : i32
    %dma_start3A_58 = tpu.memref_slice %arg13[%add3A_51, %dma_start3A_57] : memref<10112x16xf32, #tpu.memory_space<vmem_shared>> -> memref<120x16xf32, #tpu.memory_space<vmem_shared>>
    %dma_start3A_59 = arith.constant 0 : i32
    %dma_start3A_60 = arith.constant 0 : i32
    %dma_start3A_61 = tpu.memref_slice %arg6[%dma_start3A_59, %dma_start3A_60] : memref<128x16xf32, #tpu.memory_space<vmem>> -> memref<120x16xf32, #tpu.memory_space<vmem>>
    tpu.enqueue_dma source(%dma_start3A_61 : memref<120x16xf32, #tpu.memory_space<vmem>>) target(%dma_start3A_58 : memref<120x16xf32, #tpu.memory_space<vmem_shared>>) target_semaphore(%arg11 : memref<!tpu.dma_semaphore, #tpu.memory_space<semaphore_mem>>)
    %add3A_62 = arith.constant 0 : i32
    %add3A_63 = arith.addi %mul3A_2, %add3A_62 : i32
    %dma_wait3A = arith.constant 0 : i32
    %dma_wait3A_64 = arith.constant 0 : i32
    %dma_wait3A_65 = tpu.memref_slice %arg6[%dma_wait3A, %dma_wait3A_64] : memref<128x16xf32, #tpu.memory_space<vmem>> -> memref<128x16xf32, #tpu.memory_space<vmem>>
    %dma_wait3A_66 = arith.constant 0 : i32
    %dma_wait3A_67 = tpu.memref_slice %arg13[%add3A_63, %dma_wait3A_66] : memref<10112x16xf32, #tpu.memory_space<vmem_shared>> -> memref<128x16xf32, #tpu.memory_space<vmem_shared>>
    %dma_wait3A_68 = arith.constant 0 : i32
    %dma_wait3A_69 = tpu.memref_slice %arg13[%add3A_63, %dma_wait3A_68] : memref<10112x16xf32, #tpu.memory_space<vmem_shared>> -> memref<128x16xf32, #tpu.memory_space<vmem_shared>>
    %dma_wait3A_70 = arith.constant 0 : i32
    %dma_wait3A_71 = arith.constant 0 : i32
    %dma_wait3A_72 = tpu.memref_slice %arg6[%dma_wait3A_70, %dma_wait3A_71] : memref<128x16xf32, #tpu.memory_space<vmem>> -> memref<128x16xf32, #tpu.memory_space<vmem>>
    tpu.wait_dma2 semaphore(%arg11 : memref<!tpu.dma_semaphore, #tpu.memory_space<semaphore_mem>>) src(%dma_wait3A_72 : memref<128x16xf32, #tpu.memory_space<vmem>>) dst(%dma_wait3A_69 : memref<128x16xf32, #tpu.memory_space<vmem_shared>>)
    %add3A_73 = arith.constant 128 : i32
    %add3A_74 = arith.addi %mul3A_2, %add3A_73 : i32
    %dma_wait3A_75 = arith.constant 0 : i32
    %dma_wait3A_76 = arith.constant 0 : i32
    %dma_wait3A_77 = tpu.memref_slice %arg6[%dma_wait3A_75, %dma_wait3A_76] : memref<128x16xf32, #tpu.memory_space<vmem>> -> memref<128x16xf32, #tpu.memory_space<vmem>>
    %dma_wait3A_78 = arith.constant 0 : i32
    %dma_wait3A_79 = tpu.memref_slice %arg13[%add3A_74, %dma_wait3A_78] : memref<10112x16xf32, #tpu.memory_space<vmem_shared>> -> memref<128x16xf32, #tpu.memory_space<vmem_shared>>
    %dma_wait3A_80 = arith.constant 0 : i32
    %dma_wait3A_81 = tpu.memref_slice %arg13[%add3A_74, %dma_wait3A_80] : memref<10112x16xf32, #tpu.memory_space<vmem_shared>> -> memref<128x16xf32, #tpu.memory_space<vmem_shared>>
    %dma_wait3A_82 = arith.constant 0 : i32
    %dma_wait3A_83 = arith.constant 0 : i32
    %dma_wait3A_84 = tpu.memref_slice %arg6[%dma_wait3A_82, %dma_wait3A_83] : memref<128x16xf32, #tpu.memory_space<vmem>> -> memref<128x16xf32, #tpu.memory_space<vmem>>
    tpu.wait_dma2 semaphore(%arg11 : memref<!tpu.dma_semaphore, #tpu.memory_space<semaphore_mem>>) src(%dma_wait3A_84 : memref<128x16xf32, #tpu.memory_space<vmem>>) dst(%dma_wait3A_81 : memref<128x16xf32, #tpu.memory_space<vmem_shared>>)
    %add3A_85 = arith.constant 256 : i32
    %add3A_86 = arith.addi %mul3A_2, %add3A_85 : i32
    %dma_wait3A_87 = arith.constant 0 : i32
    %dma_wait3A_88 = arith.constant 0 : i32
    %dma_wait3A_89 = tpu.memref_slice %arg6[%dma_wait3A_87, %dma_wait3A_88] : memref<128x16xf32, #tpu.memory_space<vmem>> -> memref<128x16xf32, #tpu.memory_space<vmem>>
    %dma_wait3A_90 = arith.constant 0 : i32
    %dma_wait3A_91 = tpu.memref_slice %arg13[%add3A_86, %dma_wait3A_90] : memref<10112x16xf32, #tpu.memory_space<vmem_shared>> -> memref<128x16xf32, #tpu.memory_space<vmem_shared>>
    %dma_wait3A_92 = arith.constant 0 : i32
    %dma_wait3A_93 = tpu.memref_slice %arg13[%add3A_86, %dma_wait3A_92] : memref<10112x16xf32, #tpu.memory_space<vmem_shared>> -> memref<128x16xf32, #tpu.memory_space<vmem_shared>>
    %dma_wait3A_94 = arith.constant 0 : i32
    %dma_wait3A_95 = arith.constant 0 : i32
    %dma_wait3A_96 = tpu.memref_slice %arg6[%dma_wait3A_94, %dma_wait3A_95] : memref<128x16xf32, #tpu.memory_space<vmem>> -> memref<128x16xf32, #tpu.memory_space<vmem>>
    tpu.wait_dma2 semaphore(%arg11 : memref<!tpu.dma_semaphore, #tpu.memory_space<semaphore_mem>>) src(%dma_wait3A_96 : memref<128x16xf32, #tpu.memory_space<vmem>>) dst(%dma_wait3A_93 : memref<128x16xf32, #tpu.memory_space<vmem_shared>>)
    %add3A_97 = arith.constant 384 : i32
    %add3A_98 = arith.addi %mul3A_2, %add3A_97 : i32
    %dma_wait3A_99 = arith.constant 0 : i32
    %dma_wait3A_100 = arith.constant 0 : i32
    %dma_wait3A_101 = tpu.memref_slice %arg6[%dma_wait3A_99, %dma_wait3A_100] : memref<128x16xf32, #tpu.memory_space<vmem>> -> memref<128x16xf32, #tpu.memory_space<vmem>>
    %dma_wait3A_102 = arith.constant 0 : i32
    %dma_wait3A_103 = tpu.memref_slice %arg13[%add3A_98, %dma_wait3A_102] : memref<10112x16xf32, #tpu.memory_space<vmem_shared>> -> memref<128x16xf32, #tpu.memory_space<vmem_shared>>
    %dma_wait3A_104 = arith.constant 0 : i32
    %dma_wait3A_105 = tpu.memref_slice %arg13[%add3A_98, %dma_wait3A_104] : memref<10112x16xf32, #tpu.memory_space<vmem_shared>> -> memref<128x16xf32, #tpu.memory_space<vmem_shared>>
    %dma_wait3A_106 = arith.constant 0 : i32
    %dma_wait3A_107 = arith.constant 0 : i32
    %dma_wait3A_108 = tpu.memref_slice %arg6[%dma_wait3A_106, %dma_wait3A_107] : memref<128x16xf32, #tpu.memory_space<vmem>> -> memref<128x16xf32, #tpu.memory_space<vmem>>
    tpu.wait_dma2 semaphore(%arg11 : memref<!tpu.dma_semaphore, #tpu.memory_space<semaphore_mem>>) src(%dma_wait3A_108 : memref<128x16xf32, #tpu.memory_space<vmem>>) dst(%dma_wait3A_105 : memref<128x16xf32, #tpu.memory_space<vmem_shared>>)
    %add3A_109 = arith.constant 512 : i32
    %add3A_110 = arith.addi %mul3A_2, %add3A_109 : i32
    %dma_wait3A_111 = arith.constant 0 : i32
    %dma_wait3A_112 = arith.constant 0 : i32
    %dma_wait3A_113 = tpu.memref_slice %arg6[%dma_wait3A_111, %dma_wait3A_112] : memref<128x16xf32, #tpu.memory_space<vmem>> -> memref<120x16xf32, #tpu.memory_space<vmem>>
    %dma_wait3A_114 = arith.constant 0 : i32
    %dma_wait3A_115 = tpu.memref_slice %arg13[%add3A_110, %dma_wait3A_114] : memref<10112x16xf32, #tpu.memory_space<vmem_shared>> -> memref<120x16xf32, #tpu.memory_space<vmem_shared>>
    %dma_wait3A_116 = arith.constant 0 : i32
    %dma_wait3A_117 = tpu.memref_slice %arg13[%add3A_110, %dma_wait3A_116] : memref<10112x16xf32, #tpu.memory_space<vmem_shared>> -> memref<120x16xf32, #tpu.memory_space<vmem_shared>>
    %dma_wait3A_118 = arith.constant 0 : i32
    %dma_wait3A_119 = arith.constant 0 : i32
    %dma_wait3A_120 = tpu.memref_slice %arg6[%dma_wait3A_118, %dma_wait3A_119] : memref<128x16xf32, #tpu.memory_space<vmem>> -> memref<120x16xf32, #tpu.memory_space<vmem>>
    tpu.wait_dma2 semaphore(%arg11 : memref<!tpu.dma_semaphore, #tpu.memory_space<semaphore_mem>>) src(%dma_wait3A_120 : memref<120x16xf32, #tpu.memory_space<vmem>>) dst(%dma_wait3A_117 : memref<120x16xf32, #tpu.memory_space<vmem_shared>>)
    "tpu.region"() ({
      %run_scoped3A = tpu.sem_alloc : memref<!tpu.dma_semaphore, #tpu.memory_space<semaphore_mem>>
      tpu.enqueue_dma source(%arg4 : memref<128x16xf32, #tpu.memory_space<hbm>>) target(%arg6 : memref<128x16xf32, #tpu.memory_space<vmem>>) target_semaphore(%run_scoped3A : memref<!tpu.dma_semaphore, #tpu.memory_space<semaphore_mem>>)
      tpu.wait_dma2 semaphore(%run_scoped3A : memref<!tpu.dma_semaphore, #tpu.memory_space<semaphore_mem>>) src(%arg4 : memref<128x16xf32, #tpu.memory_space<hbm>>) dst(%arg6 : memref<128x16xf32, #tpu.memory_space<vmem>>)
      tpu.yield
    }) : () -> ()
    %barrier3A = arith.constant 0 : index
    tpu.barrier barrier_id(%barrier3A)
    %mul3A_121 = arith.constant 8 : i32
    %mul3A_122 = arith.muli %add3A, %mul3A_121 : i32
    %dma_start3A_123 = arith.constant 0 : i32
    %dma_start3A_124 = tpu.memref_slice %arg2[%mul3A_122, %dma_start3A_123] : memref<2560x128xi32, #tpu.memory_space<hbm>> -> memref<8x128xi32, #tpu.memory_space<hbm>>
    %dma_start3A_125 = arith.constant 0 : i32
    %dma_start3A_126 = tpu.memref_slice %arg2[%mul3A_122, %dma_start3A_125] : memref<2560x128xi32, #tpu.memory_space<hbm>> -> memref<8x128xi32, #tpu.memory_space<hbm>>
    tpu.enqueue_dma source(%dma_start3A_126 : memref<8x128xi32, #tpu.memory_space<hbm>>) target(%arg7 : memref<8x128xi32, #tpu.memory_space<vmem>>) target_semaphore(%arg9 : memref<!tpu.dma_semaphore, #tpu.memory_space<semaphore_mem>>)
    %add3A_127 = arith.constant 32 : i32
    %add3A_128 = arith.addi %add3A, %add3A_127 : i32
    %mul3A_129 = arith.constant 8 : i32
    %mul3A_130 = arith.muli %add3A_128, %mul3A_129 : i32
    %dma_start3A_131 = arith.constant 0 : i32
    %dma_start3A_132 = tpu.memref_slice %arg2[%mul3A_130, %dma_start3A_131] : memref<2560x128xi32, #tpu.memory_space<hbm>> -> memref<8x128xi32, #tpu.memory_space<hbm>>
    %dma_start3A_133 = arith.constant 0 : i32
    %dma_start3A_134 = tpu.memref_slice %arg2[%mul3A_130, %dma_start3A_133] : memref<2560x128xi32, #tpu.memory_space<hbm>> -> memref<8x128xi32, #tpu.memory_space<hbm>>
    tpu.enqueue_dma source(%dma_start3A_134 : memref<8x128xi32, #tpu.memory_space<hbm>>) target(%arg8 : memref<8x128xi32, #tpu.memory_space<vmem>>) target_semaphore(%arg10 : memref<!tpu.dma_semaphore, #tpu.memory_space<semaphore_mem>>)
    %scan3A = arith.constant 0 : i32
    %scan3A_135 = arith.constant 0 : i32
    %scan3A_136 = arith.constant 5 : i32
    %scan3A_137 = arith.addi %scan3A_135, %scan3A_136 : i32
    %scan3A_138 = arith.constant 1 : i32
    scf.for %scan3A_164 = %scan3A_135 to %scan3A_137 step %scan3A_138  : i32 {
      %mul3A_165 = arith.constant 2 : i32
      %mul3A_166 = arith.muli %mul3A_165, %scan3A_164 : i32
      %add3A_167 = arith.constant 0 : i32
      %add3A_168 = arith.addi %mul3A_166, %add3A_167 : i32
      %mul3A_169 = arith.constant 32 : i32
      %mul3A_170 = arith.muli %add3A_168, %mul3A_169 : i32
      %add3A_171 = arith.addi %add3A, %mul3A_170 : i32
      %mul3A_172 = arith.constant 8 : i32
      %mul3A_173 = arith.muli %add3A_171, %mul3A_172 : i32
      %dma_wait3A_174 = arith.constant 0 : i32
      %dma_wait3A_175 = tpu.memref_slice %arg2[%mul3A_173, %dma_wait3A_174] : memref<2560x128xi32, #tpu.memory_space<hbm>> -> memref<8x128xi32, #tpu.memory_space<hbm>>
      %dma_wait3A_176 = arith.constant 0 : i32
      %dma_wait3A_177 = tpu.memref_slice %arg2[%mul3A_173, %dma_wait3A_176] : memref<2560x128xi32, #tpu.memory_space<hbm>> -> memref<8x128xi32, #tpu.memory_space<hbm>>
      tpu.wait_dma2 semaphore(%arg9 : memref<!tpu.dma_semaphore, #tpu.memory_space<semaphore_mem>>) src(%dma_wait3A_177 : memref<8x128xi32, #tpu.memory_space<hbm>>) dst(%arg7 : memref<8x128xi32, #tpu.memory_space<vmem>>)
      %dma_start3A_178 = arith.constant 0 : i32
      %dma_start3A_179 = arith.constant 0 : i32
      %dma_start3A_180 = tpu.memref_slice %arg7[%dma_start3A_178, %dma_start3A_179] : memref<8x128xi32, #tpu.memory_space<vmem>> -> memref<1x128xi32, #tpu.memory_space<vmem>>
      %dma_start3A_181 = tpu.memref_squeeze %dma_start3A_180 : memref<1x128xi32, #tpu.memory_space<vmem>> -> memref<128xi32, #tpu.memory_space<vmem>>
      %dma_start3A_182 = arith.constant 0 : i32
      %dma_start3A_183 = arith.constant 0 : i32
      %dma_start3A_184 = tpu.memref_slice %arg13[%dma_start3A_182, %dma_start3A_183] : memref<10112x16xf32, #tpu.memory_space<vmem_shared>> -> memref<10112x16xf32, #tpu.memory_space<vmem_shared>>
      tpu.enqueue_indirect_dma source(%arg6 : memref<128x16xf32, #tpu.memory_space<vmem>>) target(%dma_start3A_184 : memref<10112x16xf32, #tpu.memory_space<vmem_shared>>) offsets(%dma_start3A_181 : memref<128xi32, #tpu.memory_space<vmem>>) semaphore(%arg11 : memref<!tpu.dma_semaphore, #tpu.memory_space<semaphore_mem>>) {add = true}
      %dma_start3A_185 = arith.constant 1 : i32
      %dma_start3A_186 = arith.constant 0 : i32
      %dma_start3A_187 = tpu.memref_slice %arg7[%dma_start3A_185, %dma_start3A_186] : memref<8x128xi32, #tpu.memory_space<vmem>> -> memref<1x128xi32, #tpu.memory_space<vmem>>
      %dma_start3A_188 = tpu.memref_squeeze %dma_start3A_187 : memref<1x128xi32, #tpu.memory_space<vmem>> -> memref<128xi32, #tpu.memory_space<vmem>>
      %dma_start3A_189 = arith.constant 0 : i32
      %dma_start3A_190 = arith.constant 0 : i32
      %dma_start3A_191 = tpu.memref_slice %arg13[%dma_start3A_189, %dma_start3A_190] : memref<10112x16xf32, #tpu.memory_space<vmem_shared>> -> memref<10112x16xf32, #tpu.memory_space<vmem_shared>>
      tpu.enqueue_indirect_dma source(%arg6 : memref<128x16xf32, #tpu.memory_space<vmem>>) target(%dma_start3A_191 : memref<10112x16xf32, #tpu.memory_space<vmem_shared>>) offsets(%dma_start3A_188 : memref<128xi32, #tpu.memory_space<vmem>>) semaphore(%arg11 : memref<!tpu.dma_semaphore, #tpu.memory_space<semaphore_mem>>) {add = true}
      %dma_start3A_192 = arith.constant 2 : i32
      %dma_start3A_193 = arith.constant 0 : i32
      %dma_start3A_194 = tpu.memref_slice %arg7[%dma_start3A_192, %dma_start3A_193] : memref<8x128xi32, #tpu.memory_space<vmem>> -> memref<1x128xi32, #tpu.memory_space<vmem>>
      %dma_start3A_195 = tpu.memref_squeeze %dma_start3A_194 : memref<1x128xi32, #tpu.memory_space<vmem>> -> memref<128xi32, #tpu.memory_space<vmem>>
      %dma_start3A_196 = arith.constant 0 : i32
      %dma_start3A_197 = arith.constant 0 : i32
      %dma_start3A_198 = tpu.memref_slice %arg13[%dma_start3A_196, %dma_start3A_197] : memref<10112x16xf32, #tpu.memory_space<vmem_shared>> -> memref<10112x16xf32, #tpu.memory_space<vmem_shared>>
      tpu.enqueue_indirect_dma source(%arg6 : memref<128x16xf32, #tpu.memory_space<vmem>>) target(%dma_start3A_198 : memref<10112x16xf32, #tpu.memory_space<vmem_shared>>) offsets(%dma_start3A_195 : memref<128xi32, #tpu.memory_space<vmem>>) semaphore(%arg11 : memref<!tpu.dma_semaphore, #tpu.memory_space<semaphore_mem>>) {add = true}
      %dma_start3A_199 = arith.constant 3 : i32
      %dma_start3A_200 = arith.constant 0 : i32
      %dma_start3A_201 = tpu.memref_slice %arg7[%dma_start3A_199, %dma_start3A_200] : memref<8x128xi32, #tpu.memory_space<vmem>> -> memref<1x128xi32, #tpu.memory_space<vmem>>
      %dma_start3A_202 = tpu.memref_squeeze %dma_start3A_201 : memref<1x128xi32, #tpu.memory_space<vmem>> -> memref<128xi32, #tpu.memory_space<vmem>>
      %dma_start3A_203 = arith.constant 0 : i32
      %dma_start3A_204 = arith.constant 0 : i32
      %dma_start3A_205 = tpu.memref_slice %arg13[%dma_start3A_203, %dma_start3A_204] : memref<10112x16xf32, #tpu.memory_space<vmem_shared>> -> memref<10112x16xf32, #tpu.memory_space<vmem_shared>>
      tpu.enqueue_indirect_dma source(%arg6 : memref<128x16xf32, #tpu.memory_space<vmem>>) target(%dma_start3A_205 : memref<10112x16xf32, #tpu.memory_space<vmem_shared>>) offsets(%dma_start3A_202 : memref<128xi32, #tpu.memory_space<vmem>>) semaphore(%arg11 : memref<!tpu.dma_semaphore, #tpu.memory_space<semaphore_mem>>) {add = true}
      %dma_start3A_206 = arith.constant 4 : i32
      %dma_start3A_207 = arith.constant 0 : i32
      %dma_start3A_208 = tpu.memref_slice %arg7[%dma_start3A_206, %dma_start3A_207] : memref<8x128xi32, #tpu.memory_space<vmem>> -> memref<1x128xi32, #tpu.memory_space<vmem>>
      %dma_start3A_209 = tpu.memref_squeeze %dma_start3A_208 : memref<1x128xi32, #tpu.memory_space<vmem>> -> memref<128xi32, #tpu.memory_space<vmem>>
      %dma_start3A_210 = arith.constant 0 : i32
      %dma_start3A_211 = arith.constant 0 : i32
      %dma_start3A_212 = tpu.memref_slice %arg13[%dma_start3A_210, %dma_start3A_211] : memref<10112x16xf32, #tpu.memory_space<vmem_shared>> -> memref<10112x16xf32, #tpu.memory_space<vmem_shared>>
      tpu.enqueue_indirect_dma source(%arg6 : memref<128x16xf32, #tpu.memory_space<vmem>>) target(%dma_start3A_212 : memref<10112x16xf32, #tpu.memory_space<vmem_shared>>) offsets(%dma_start3A_209 : memref<128xi32, #tpu.memory_space<vmem>>) semaphore(%arg11 : memref<!tpu.dma_semaphore, #tpu.memory_space<semaphore_mem>>) {add = true}
      %dma_start3A_213 = arith.constant 5 : i32
      %dma_start3A_214 = arith.constant 0 : i32
      %dma_start3A_215 = tpu.memref_slice %arg7[%dma_start3A_213, %dma_start3A_214] : memref<8x128xi32, #tpu.memory_space<vmem>> -> memref<1x128xi32, #tpu.memory_space<vmem>>
      %dma_start3A_216 = tpu.memref_squeeze %dma_start3A_215 : memref<1x128xi32, #tpu.memory_space<vmem>> -> memref<128xi32, #tpu.memory_space<vmem>>
      %dma_start3A_217 = arith.constant 0 : i32
      %dma_start3A_218 = arith.constant 0 : i32
      %dma_start3A_219 = tpu.memref_slice %arg13[%dma_start3A_217, %dma_start3A_218] : memref<10112x16xf32, #tpu.memory_space<vmem_shared>> -> memref<10112x16xf32, #tpu.memory_space<vmem_shared>>
      tpu.enqueue_indirect_dma source(%arg6 : memref<128x16xf32, #tpu.memory_space<vmem>>) target(%dma_start3A_219 : memref<10112x16xf32, #tpu.memory_space<vmem_shared>>) offsets(%dma_start3A_216 : memref<128xi32, #tpu.memory_space<vmem>>) semaphore(%arg11 : memref<!tpu.dma_semaphore, #tpu.memory_space<semaphore_mem>>) {add = true}
      %dma_start3A_220 = arith.constant 6 : i32
      %dma_start3A_221 = arith.constant 0 : i32
      %dma_start3A_222 = tpu.memref_slice %arg7[%dma_start3A_220, %dma_start3A_221] : memref<8x128xi32, #tpu.memory_space<vmem>> -> memref<1x128xi32, #tpu.memory_space<vmem>>
      %dma_start3A_223 = tpu.memref_squeeze %dma_start3A_222 : memref<1x128xi32, #tpu.memory_space<vmem>> -> memref<128xi32, #tpu.memory_space<vmem>>
      %dma_start3A_224 = arith.constant 0 : i32
      %dma_start3A_225 = arith.constant 0 : i32
      %dma_start3A_226 = tpu.memref_slice %arg13[%dma_start3A_224, %dma_start3A_225] : memref<10112x16xf32, #tpu.memory_space<vmem_shared>> -> memref<10112x16xf32, #tpu.memory_space<vmem_shared>>
      tpu.enqueue_indirect_dma source(%arg6 : memref<128x16xf32, #tpu.memory_space<vmem>>) target(%dma_start3A_226 : memref<10112x16xf32, #tpu.memory_space<vmem_shared>>) offsets(%dma_start3A_223 : memref<128xi32, #tpu.memory_space<vmem>>) semaphore(%arg11 : memref<!tpu.dma_semaphore, #tpu.memory_space<semaphore_mem>>) {add = true}
      %dma_start3A_227 = arith.constant 7 : i32
      %dma_start3A_228 = arith.constant 0 : i32
      %dma_start3A_229 = tpu.memref_slice %arg7[%dma_start3A_227, %dma_start3A_228] : memref<8x128xi32, #tpu.memory_space<vmem>> -> memref<1x128xi32, #tpu.memory_space<vmem>>
      %dma_start3A_230 = tpu.memref_squeeze %dma_start3A_229 : memref<1x128xi32, #tpu.memory_space<vmem>> -> memref<128xi32, #tpu.memory_space<vmem>>
      %dma_start3A_231 = arith.constant 0 : i32
      %dma_start3A_232 = arith.constant 0 : i32
      %dma_start3A_233 = tpu.memref_slice %arg13[%dma_start3A_231, %dma_start3A_232] : memref<10112x16xf32, #tpu.memory_space<vmem_shared>> -> memref<10112x16xf32, #tpu.memory_space<vmem_shared>>
      tpu.enqueue_indirect_dma source(%arg6 : memref<128x16xf32, #tpu.memory_space<vmem>>) target(%dma_start3A_233 : memref<10112x16xf32, #tpu.memory_space<vmem_shared>>) offsets(%dma_start3A_230 : memref<128xi32, #tpu.memory_space<vmem>>) semaphore(%arg11 : memref<!tpu.dma_semaphore, #tpu.memory_space<semaphore_mem>>) {add = true}
      %dma_wait3A_234 = arith.constant 0 : i32
      %dma_wait3A_235 = arith.constant 0 : i32
      %dma_wait3A_236 = tpu.memref_slice %arg7[%dma_wait3A_234, %dma_wait3A_235] : memref<8x128xi32, #tpu.memory_space<vmem>> -> memref<1x128xi32, #tpu.memory_space<vmem>>
      %dma_wait3A_237 = tpu.memref_squeeze %dma_wait3A_236 : memref<1x128xi32, #tpu.memory_space<vmem>> -> memref<128xi32, #tpu.memory_space<vmem>>
      %dma_wait3A_238 = arith.constant 0 : i32
      %dma_wait3A_239 = arith.constant 0 : i32
      %dma_wait3A_240 = tpu.memref_slice %arg13[%dma_wait3A_238, %dma_wait3A_239] : memref<10112x16xf32, #tpu.memory_space<vmem_shared>> -> memref<10112x16xf32, #tpu.memory_space<vmem_shared>>
      tpu.wait_indirect_dma semaphore(%arg11 : memref<!tpu.dma_semaphore, #tpu.memory_space<semaphore_mem>>) src(%arg6 : memref<128x16xf32, #tpu.memory_space<vmem>>) dst(%dma_wait3A_240 : memref<10112x16xf32, #tpu.memory_space<vmem_shared>>)
      %dma_wait3A_241 = arith.constant 1 : i32
      %dma_wait3A_242 = arith.constant 0 : i32
      %dma_wait3A_243 = tpu.memref_slice %arg7[%dma_wait3A_241, %dma_wait3A_242] : memref<8x128xi32, #tpu.memory_space<vmem>> -> memref<1x128xi32, #tpu.memory_space<vmem>>
      %dma_wait3A_244 = tpu.memref_squeeze %dma_wait3A_243 : memref<1x128xi32, #tpu.memory_space<vmem>> -> memref<128xi32, #tpu.memory_space<vmem>>
      %dma_wait3A_245 = arith.constant 0 : i32
      %dma_wait3A_246 = arith.constant 0 : i32
      %dma_wait3A_247 = tpu.memref_slice %arg13[%dma_wait3A_245, %dma_wait3A_246] : memref<10112x16xf32, #tpu.memory_space<vmem_shared>> -> memref<10112x16xf32, #tpu.memory_space<vmem_shared>>
      tpu.wait_indirect_dma semaphore(%arg11 : memref<!tpu.dma_semaphore, #tpu.memory_space<semaphore_mem>>) src(%arg6 : memref<128x16xf32, #tpu.memory_space<vmem>>) dst(%dma_wait3A_247 : memref<10112x16xf32, #tpu.memory_space<vmem_shared>>)
      %dma_wait3A_248 = arith.constant 2 : i32
      %dma_wait3A_249 = arith.constant 0 : i32
      %dma_wait3A_250 = tpu.memref_slice %arg7[%dma_wait3A_248, %dma_wait3A_249] : memref<8x128xi32, #tpu.memory_space<vmem>> -> memref<1x128xi32, #tpu.memory_space<vmem>>
      %dma_wait3A_251 = tpu.memref_squeeze %dma_wait3A_250 : memref<1x128xi32, #tpu.memory_space<vmem>> -> memref<128xi32, #tpu.memory_space<vmem>>
      %dma_wait3A_252 = arith.constant 0 : i32
      %dma_wait3A_253 = arith.constant 0 : i32
      %dma_wait3A_254 = tpu.memref_slice %arg13[%dma_wait3A_252, %dma_wait3A_253] : memref<10112x16xf32, #tpu.memory_space<vmem_shared>> -> memref<10112x16xf32, #tpu.memory_space<vmem_shared>>
      tpu.wait_indirect_dma semaphore(%arg11 : memref<!tpu.dma_semaphore, #tpu.memory_space<semaphore_mem>>) src(%arg6 : memref<128x16xf32, #tpu.memory_space<vmem>>) dst(%dma_wait3A_254 : memref<10112x16xf32, #tpu.memory_space<vmem_shared>>)
      %dma_wait3A_255 = arith.constant 3 : i32
      %dma_wait3A_256 = arith.constant 0 : i32
      %dma_wait3A_257 = tpu.memref_slice %arg7[%dma_wait3A_255, %dma_wait3A_256] : memref<8x128xi32, #tpu.memory_space<vmem>> -> memref<1x128xi32, #tpu.memory_space<vmem>>
      %dma_wait3A_258 = tpu.memref_squeeze %dma_wait3A_257 : memref<1x128xi32, #tpu.memory_space<vmem>> -> memref<128xi32, #tpu.memory_space<vmem>>
      %dma_wait3A_259 = arith.constant 0 : i32
      %dma_wait3A_260 = arith.constant 0 : i32
      %dma_wait3A_261 = tpu.memref_slice %arg13[%dma_wait3A_259, %dma_wait3A_260] : memref<10112x16xf32, #tpu.memory_space<vmem_shared>> -> memref<10112x16xf32, #tpu.memory_space<vmem_shared>>
      tpu.wait_indirect_dma semaphore(%arg11 : memref<!tpu.dma_semaphore, #tpu.memory_space<semaphore_mem>>) src(%arg6 : memref<128x16xf32, #tpu.memory_space<vmem>>) dst(%dma_wait3A_261 : memref<10112x16xf32, #tpu.memory_space<vmem_shared>>)
      %dma_wait3A_262 = arith.constant 4 : i32
      %dma_wait3A_263 = arith.constant 0 : i32
      %dma_wait3A_264 = tpu.memref_slice %arg7[%dma_wait3A_262, %dma_wait3A_263] : memref<8x128xi32, #tpu.memory_space<vmem>> -> memref<1x128xi32, #tpu.memory_space<vmem>>
      %dma_wait3A_265 = tpu.memref_squeeze %dma_wait3A_264 : memref<1x128xi32, #tpu.memory_space<vmem>> -> memref<128xi32, #tpu.memory_space<vmem>>
      %dma_wait3A_266 = arith.constant 0 : i32
      %dma_wait3A_267 = arith.constant 0 : i32
      %dma_wait3A_268 = tpu.memref_slice %arg13[%dma_wait3A_266, %dma_wait3A_267] : memref<10112x16xf32, #tpu.memory_space<vmem_shared>> -> memref<10112x16xf32, #tpu.memory_space<vmem_shared>>
      tpu.wait_indirect_dma semaphore(%arg11 : memref<!tpu.dma_semaphore, #tpu.memory_space<semaphore_mem>>) src(%arg6 : memref<128x16xf32, #tpu.memory_space<vmem>>) dst(%dma_wait3A_268 : memref<10112x16xf32, #tpu.memory_space<vmem_shared>>)
      %dma_wait3A_269 = arith.constant 5 : i32
      %dma_wait3A_270 = arith.constant 0 : i32
      %dma_wait3A_271 = tpu.memref_slice %arg7[%dma_wait3A_269, %dma_wait3A_270] : memref<8x128xi32, #tpu.memory_space<vmem>> -> memref<1x128xi32, #tpu.memory_space<vmem>>
      %dma_wait3A_272 = tpu.memref_squeeze %dma_wait3A_271 : memref<1x128xi32, #tpu.memory_space<vmem>> -> memref<128xi32, #tpu.memory_space<vmem>>
      %dma_wait3A_273 = arith.constant 0 : i32
      %dma_wait3A_274 = arith.constant 0 : i32
      %dma_wait3A_275 = tpu.memref_slice %arg13[%dma_wait3A_273, %dma_wait3A_274] : memref<10112x16xf32, #tpu.memory_space<vmem_shared>> -> memref<10112x16xf32, #tpu.memory_space<vmem_shared>>
      tpu.wait_indirect_dma semaphore(%arg11 : memref<!tpu.dma_semaphore, #tpu.memory_space<semaphore_mem>>) src(%arg6 : memref<128x16xf32, #tpu.memory_space<vmem>>) dst(%dma_wait3A_275 : memref<10112x16xf32, #tpu.memory_space<vmem_shared>>)
      %dma_wait3A_276 = arith.constant 6 : i32
      %dma_wait3A_277 = arith.constant 0 : i32
      %dma_wait3A_278 = tpu.memref_slice %arg7[%dma_wait3A_276, %dma_wait3A_277] : memref<8x128xi32, #tpu.memory_space<vmem>> -> memref<1x128xi32, #tpu.memory_space<vmem>>
      %dma_wait3A_279 = tpu.memref_squeeze %dma_wait3A_278 : memref<1x128xi32, #tpu.memory_space<vmem>> -> memref<128xi32, #tpu.memory_space<vmem>>
      %dma_wait3A_280 = arith.constant 0 : i32
      %dma_wait3A_281 = arith.constant 0 : i32
      %dma_wait3A_282 = tpu.memref_slice %arg13[%dma_wait3A_280, %dma_wait3A_281] : memref<10112x16xf32, #tpu.memory_space<vmem_shared>> -> memref<10112x16xf32, #tpu.memory_space<vmem_shared>>
      tpu.wait_indirect_dma semaphore(%arg11 : memref<!tpu.dma_semaphore, #tpu.memory_space<semaphore_mem>>) src(%arg6 : memref<128x16xf32, #tpu.memory_space<vmem>>) dst(%dma_wait3A_282 : memref<10112x16xf32, #tpu.memory_space<vmem_shared>>)
      %dma_wait3A_283 = arith.constant 7 : i32
      %dma_wait3A_284 = arith.constant 0 : i32
      %dma_wait3A_285 = tpu.memref_slice %arg7[%dma_wait3A_283, %dma_wait3A_284] : memref<8x128xi32, #tpu.memory_space<vmem>> -> memref<1x128xi32, #tpu.memory_space<vmem>>
      %dma_wait3A_286 = tpu.memref_squeeze %dma_wait3A_285 : memref<1x128xi32, #tpu.memory_space<vmem>> -> memref<128xi32, #tpu.memory_space<vmem>>
      %dma_wait3A_287 = arith.constant 0 : i32
      %dma_wait3A_288 = arith.constant 0 : i32
      %dma_wait3A_289 = tpu.memref_slice %arg13[%dma_wait3A_287, %dma_wait3A_288] : memref<10112x16xf32, #tpu.memory_space<vmem_shared>> -> memref<10112x16xf32, #tpu.memory_space<vmem_shared>>
      tpu.wait_indirect_dma semaphore(%arg11 : memref<!tpu.dma_semaphore, #tpu.memory_space<semaphore_mem>>) src(%arg6 : memref<128x16xf32, #tpu.memory_space<vmem>>) dst(%dma_wait3A_289 : memref<10112x16xf32, #tpu.memory_space<vmem_shared>>)
      %add3A_290 = arith.constant 64 : i32
      %add3A_291 = arith.addi %add3A_171, %add3A_290 : i32
      %lt3A = arith.constant 320 : i32
      %lt3A_292 = arith.cmpi slt, %add3A_291, %lt3A : i32
      %convert_element_type3A = arith.extui %lt3A_292 : i1 to i32
      %cond3A = arith.constant 0 : i32
      %cond3A_293 = arith.cmpi ne, %convert_element_type3A, %cond3A : i32
      scf.if %cond3A_293 {
        %mul3A_426 = arith.constant 8 : i32
        %mul3A_427 = arith.muli %add3A_291, %mul3A_426 : i32
        %dma_start3A_428 = arith.constant 0 : i32
        %dma_start3A_429 = tpu.memref_slice %arg2[%mul3A_427, %dma_start3A_428] : memref<2560x128xi32, #tpu.memory_space<hbm>> -> memref<8x128xi32, #tpu.memory_space<hbm>>
        %dma_start3A_430 = arith.constant 0 : i32
        %dma_start3A_431 = tpu.memref_slice %arg2[%mul3A_427, %dma_start3A_430] : memref<2560x128xi32, #tpu.memory_space<hbm>> -> memref<8x128xi32, #tpu.memory_space<hbm>>
        tpu.enqueue_dma source(%dma_start3A_431 : memref<8x128xi32, #tpu.memory_space<hbm>>) target(%arg7 : memref<8x128xi32, #tpu.memory_space<vmem>>) target_semaphore(%arg9 : memref<!tpu.dma_semaphore, #tpu.memory_space<semaphore_mem>>)
      } else {
      }
      %mul3A_294 = arith.constant 2 : i32
      %mul3A_295 = arith.muli %mul3A_294, %scan3A_164 : i32
      %add3A_296 = arith.constant 1 : i32
      %add3A_297 = arith.addi %mul3A_295, %add3A_296 : i32
      %mul3A_298 = arith.constant 32 : i32
      %mul3A_299 = arith.muli %add3A_297, %mul3A_298 : i32
      %add3A_300 = arith.addi %add3A, %mul3A_299 : i32
      %mul3A_301 = arith.constant 8 : i32
      %mul3A_302 = arith.muli %add3A_300, %mul3A_301 : i32
      %dma_wait3A_303 = arith.constant 0 : i32
      %dma_wait3A_304 = tpu.memref_slice %arg2[%mul3A_302, %dma_wait3A_303] : memref<2560x128xi32, #tpu.memory_space<hbm>> -> memref<8x128xi32, #tpu.memory_space<hbm>>
      %dma_wait3A_305 = arith.constant 0 : i32
      %dma_wait3A_306 = tpu.memref_slice %arg2[%mul3A_302, %dma_wait3A_305] : memref<2560x128xi32, #tpu.memory_space<hbm>> -> memref<8x128xi32, #tpu.memory_space<hbm>>
      tpu.wait_dma2 semaphore(%arg10 : memref<!tpu.dma_semaphore, #tpu.memory_space<semaphore_mem>>) src(%dma_wait3A_306 : memref<8x128xi32, #tpu.memory_space<hbm>>) dst(%arg8 : memref<8x128xi32, #tpu.memory_space<vmem>>)
      %dma_start3A_307 = arith.constant 0 : i32
      %dma_start3A_308 = arith.constant 0 : i32
      %dma_start3A_309 = tpu.memref_slice %arg8[%dma_start3A_307, %dma_start3A_308] : memref<8x128xi32, #tpu.memory_space<vmem>> -> memref<1x128xi32, #tpu.memory_space<vmem>>
      %dma_start3A_310 = tpu.memref_squeeze %dma_start3A_309 : memref<1x128xi32, #tpu.memory_space<vmem>> -> memref<128xi32, #tpu.memory_space<vmem>>
      %dma_start3A_311 = arith.constant 0 : i32
      %dma_start3A_312 = arith.constant 0 : i32
      %dma_start3A_313 = tpu.memref_slice %arg13[%dma_start3A_311, %dma_start3A_312] : memref<10112x16xf32, #tpu.memory_space<vmem_shared>> -> memref<10112x16xf32, #tpu.memory_space<vmem_shared>>
      tpu.enqueue_indirect_dma source(%arg6 : memref<128x16xf32, #tpu.memory_space<vmem>>) target(%dma_start3A_313 : memref<10112x16xf32, #tpu.memory_space<vmem_shared>>) offsets(%dma_start3A_310 : memref<128xi32, #tpu.memory_space<vmem>>) semaphore(%arg12 : memref<!tpu.dma_semaphore, #tpu.memory_space<semaphore_mem>>) {add = true}
      %dma_start3A_314 = arith.constant 1 : i32
      %dma_start3A_315 = arith.constant 0 : i32
      %dma_start3A_316 = tpu.memref_slice %arg8[%dma_start3A_314, %dma_start3A_315] : memref<8x128xi32, #tpu.memory_space<vmem>> -> memref<1x128xi32, #tpu.memory_space<vmem>>
      %dma_start3A_317 = tpu.memref_squeeze %dma_start3A_316 : memref<1x128xi32, #tpu.memory_space<vmem>> -> memref<128xi32, #tpu.memory_space<vmem>>
      %dma_start3A_318 = arith.constant 0 : i32
      %dma_start3A_319 = arith.constant 0 : i32
      %dma_start3A_320 = tpu.memref_slice %arg13[%dma_start3A_318, %dma_start3A_319] : memref<10112x16xf32, #tpu.memory_space<vmem_shared>> -> memref<10112x16xf32, #tpu.memory_space<vmem_shared>>
      tpu.enqueue_indirect_dma source(%arg6 : memref<128x16xf32, #tpu.memory_space<vmem>>) target(%dma_start3A_320 : memref<10112x16xf32, #tpu.memory_space<vmem_shared>>) offsets(%dma_start3A_317 : memref<128xi32, #tpu.memory_space<vmem>>) semaphore(%arg12 : memref<!tpu.dma_semaphore, #tpu.memory_space<semaphore_mem>>) {add = true}
      %dma_start3A_321 = arith.constant 2 : i32
      %dma_start3A_322 = arith.constant 0 : i32
      %dma_start3A_323 = tpu.memref_slice %arg8[%dma_start3A_321, %dma_start3A_322] : memref<8x128xi32, #tpu.memory_space<vmem>> -> memref<1x128xi32, #tpu.memory_space<vmem>>
      %dma_start3A_324 = tpu.memref_squeeze %dma_start3A_323 : memref<1x128xi32, #tpu.memory_space<vmem>> -> memref<128xi32, #tpu.memory_space<vmem>>
      %dma_start3A_325 = arith.constant 0 : i32
      %dma_start3A_326 = arith.constant 0 : i32
      %dma_start3A_327 = tpu.memref_slice %arg13[%dma_start3A_325, %dma_start3A_326] : memref<10112x16xf32, #tpu.memory_space<vmem_shared>> -> memref<10112x16xf32, #tpu.memory_space<vmem_shared>>
      tpu.enqueue_indirect_dma source(%arg6 : memref<128x16xf32, #tpu.memory_space<vmem>>) target(%dma_start3A_327 : memref<10112x16xf32, #tpu.memory_space<vmem_shared>>) offsets(%dma_start3A_324 : memref<128xi32, #tpu.memory_space<vmem>>) semaphore(%arg12 : memref<!tpu.dma_semaphore, #tpu.memory_space<semaphore_mem>>) {add = true}
      %dma_start3A_328 = arith.constant 3 : i32
      %dma_start3A_329 = arith.constant 0 : i32
      %dma_start3A_330 = tpu.memref_slice %arg8[%dma_start3A_328, %dma_start3A_329] : memref<8x128xi32, #tpu.memory_space<vmem>> -> memref<1x128xi32, #tpu.memory_space<vmem>>
      %dma_start3A_331 = tpu.memref_squeeze %dma_start3A_330 : memref<1x128xi32, #tpu.memory_space<vmem>> -> memref<128xi32, #tpu.memory_space<vmem>>
      %dma_start3A_332 = arith.constant 0 : i32
      %dma_start3A_333 = arith.constant 0 : i32
      %dma_start3A_334 = tpu.memref_slice %arg13[%dma_start3A_332, %dma_start3A_333] : memref<10112x16xf32, #tpu.memory_space<vmem_shared>> -> memref<10112x16xf32, #tpu.memory_space<vmem_shared>>
      tpu.enqueue_indirect_dma source(%arg6 : memref<128x16xf32, #tpu.memory_space<vmem>>) target(%dma_start3A_334 : memref<10112x16xf32, #tpu.memory_space<vmem_shared>>) offsets(%dma_start3A_331 : memref<128xi32, #tpu.memory_space<vmem>>) semaphore(%arg12 : memref<!tpu.dma_semaphore, #tpu.memory_space<semaphore_mem>>) {add = true}
      %dma_start3A_335 = arith.constant 4 : i32
      %dma_start3A_336 = arith.constant 0 : i32
      %dma_start3A_337 = tpu.memref_slice %arg8[%dma_start3A_335, %dma_start3A_336] : memref<8x128xi32, #tpu.memory_space<vmem>> -> memref<1x128xi32, #tpu.memory_space<vmem>>
      %dma_start3A_338 = tpu.memref_squeeze %dma_start3A_337 : memref<1x128xi32, #tpu.memory_space<vmem>> -> memref<128xi32, #tpu.memory_space<vmem>>
      %dma_start3A_339 = arith.constant 0 : i32
      %dma_start3A_340 = arith.constant 0 : i32
      %dma_start3A_341 = tpu.memref_slice %arg13[%dma_start3A_339, %dma_start3A_340] : memref<10112x16xf32, #tpu.memory_space<vmem_shared>> -> memref<10112x16xf32, #tpu.memory_space<vmem_shared>>
      tpu.enqueue_indirect_dma source(%arg6 : memref<128x16xf32, #tpu.memory_space<vmem>>) target(%dma_start3A_341 : memref<10112x16xf32, #tpu.memory_space<vmem_shared>>) offsets(%dma_start3A_338 : memref<128xi32, #tpu.memory_space<vmem>>) semaphore(%arg12 : memref<!tpu.dma_semaphore, #tpu.memory_space<semaphore_mem>>) {add = true}
      %dma_start3A_342 = arith.constant 5 : i32
      %dma_start3A_343 = arith.constant 0 : i32
      %dma_start3A_344 = tpu.memref_slice %arg8[%dma_start3A_342, %dma_start3A_343] : memref<8x128xi32, #tpu.memory_space<vmem>> -> memref<1x128xi32, #tpu.memory_space<vmem>>
      %dma_start3A_345 = tpu.memref_squeeze %dma_start3A_344 : memref<1x128xi32, #tpu.memory_space<vmem>> -> memref<128xi32, #tpu.memory_space<vmem>>
      %dma_start3A_346 = arith.constant 0 : i32
      %dma_start3A_347 = arith.constant 0 : i32
      %dma_start3A_348 = tpu.memref_slice %arg13[%dma_start3A_346, %dma_start3A_347] : memref<10112x16xf32, #tpu.memory_space<vmem_shared>> -> memref<10112x16xf32, #tpu.memory_space<vmem_shared>>
      tpu.enqueue_indirect_dma source(%arg6 : memref<128x16xf32, #tpu.memory_space<vmem>>) target(%dma_start3A_348 : memref<10112x16xf32, #tpu.memory_space<vmem_shared>>) offsets(%dma_start3A_345 : memref<128xi32, #tpu.memory_space<vmem>>) semaphore(%arg12 : memref<!tpu.dma_semaphore, #tpu.memory_space<semaphore_mem>>) {add = true}
      %dma_start3A_349 = arith.constant 6 : i32
      %dma_start3A_350 = arith.constant 0 : i32
      %dma_start3A_351 = tpu.memref_slice %arg8[%dma_start3A_349, %dma_start3A_350] : memref<8x128xi32, #tpu.memory_space<vmem>> -> memref<1x128xi32, #tpu.memory_space<vmem>>
      %dma_start3A_352 = tpu.memref_squeeze %dma_start3A_351 : memref<1x128xi32, #tpu.memory_space<vmem>> -> memref<128xi32, #tpu.memory_space<vmem>>
      %dma_start3A_353 = arith.constant 0 : i32
      %dma_start3A_354 = arith.constant 0 : i32
      %dma_start3A_355 = tpu.memref_slice %arg13[%dma_start3A_353, %dma_start3A_354] : memref<10112x16xf32, #tpu.memory_space<vmem_shared>> -> memref<10112x16xf32, #tpu.memory_space<vmem_shared>>
      tpu.enqueue_indirect_dma source(%arg6 : memref<128x16xf32, #tpu.memory_space<vmem>>) target(%dma_start3A_355 : memref<10112x16xf32, #tpu.memory_space<vmem_shared>>) offsets(%dma_start3A_352 : memref<128xi32, #tpu.memory_space<vmem>>) semaphore(%arg12 : memref<!tpu.dma_semaphore, #tpu.memory_space<semaphore_mem>>) {add = true}
      %dma_start3A_356 = arith.constant 7 : i32
      %dma_start3A_357 = arith.constant 0 : i32
      %dma_start3A_358 = tpu.memref_slice %arg8[%dma_start3A_356, %dma_start3A_357] : memref<8x128xi32, #tpu.memory_space<vmem>> -> memref<1x128xi32, #tpu.memory_space<vmem>>
      %dma_start3A_359 = tpu.memref_squeeze %dma_start3A_358 : memref<1x128xi32, #tpu.memory_space<vmem>> -> memref<128xi32, #tpu.memory_space<vmem>>
      %dma_start3A_360 = arith.constant 0 : i32
      %dma_start3A_361 = arith.constant 0 : i32
      %dma_start3A_362 = tpu.memref_slice %arg13[%dma_start3A_360, %dma_start3A_361] : memref<10112x16xf32, #tpu.memory_space<vmem_shared>> -> memref<10112x16xf32, #tpu.memory_space<vmem_shared>>
      tpu.enqueue_indirect_dma source(%arg6 : memref<128x16xf32, #tpu.memory_space<vmem>>) target(%dma_start3A_362 : memref<10112x16xf32, #tpu.memory_space<vmem_shared>>) offsets(%dma_start3A_359 : memref<128xi32, #tpu.memory_space<vmem>>) semaphore(%arg12 : memref<!tpu.dma_semaphore, #tpu.memory_space<semaphore_mem>>) {add = true}
      %dma_wait3A_363 = arith.constant 0 : i32
      %dma_wait3A_364 = arith.constant 0 : i32
      %dma_wait3A_365 = tpu.memref_slice %arg8[%dma_wait3A_363, %dma_wait3A_364] : memref<8x128xi32, #tpu.memory_space<vmem>> -> memref<1x128xi32, #tpu.memory_space<vmem>>
      %dma_wait3A_366 = tpu.memref_squeeze %dma_wait3A_365 : memref<1x128xi32, #tpu.memory_space<vmem>> -> memref<128xi32, #tpu.memory_space<vmem>>
      %dma_wait3A_367 = arith.constant 0 : i32
      %dma_wait3A_368 = arith.constant 0 : i32
      %dma_wait3A_369 = tpu.memref_slice %arg13[%dma_wait3A_367, %dma_wait3A_368] : memref<10112x16xf32, #tpu.memory_space<vmem_shared>> -> memref<10112x16xf32, #tpu.memory_space<vmem_shared>>
      tpu.wait_indirect_dma semaphore(%arg12 : memref<!tpu.dma_semaphore, #tpu.memory_space<semaphore_mem>>) src(%arg6 : memref<128x16xf32, #tpu.memory_space<vmem>>) dst(%dma_wait3A_369 : memref<10112x16xf32, #tpu.memory_space<vmem_shared>>)
      %dma_wait3A_370 = arith.constant 1 : i32
      %dma_wait3A_371 = arith.constant 0 : i32
      %dma_wait3A_372 = tpu.memref_slice %arg8[%dma_wait3A_370, %dma_wait3A_371] : memref<8x128xi32, #tpu.memory_space<vmem>> -> memref<1x128xi32, #tpu.memory_space<vmem>>
      %dma_wait3A_373 = tpu.memref_squeeze %dma_wait3A_372 : memref<1x128xi32, #tpu.memory_space<vmem>> -> memref<128xi32, #tpu.memory_space<vmem>>
      %dma_wait3A_374 = arith.constant 0 : i32
      %dma_wait3A_375 = arith.constant 0 : i32
      %dma_wait3A_376 = tpu.memref_slice %arg13[%dma_wait3A_374, %dma_wait3A_375] : memref<10112x16xf32, #tpu.memory_space<vmem_shared>> -> memref<10112x16xf32, #tpu.memory_space<vmem_shared>>
      tpu.wait_indirect_dma semaphore(%arg12 : memref<!tpu.dma_semaphore, #tpu.memory_space<semaphore_mem>>) src(%arg6 : memref<128x16xf32, #tpu.memory_space<vmem>>) dst(%dma_wait3A_376 : memref<10112x16xf32, #tpu.memory_space<vmem_shared>>)
      %dma_wait3A_377 = arith.constant 2 : i32
      %dma_wait3A_378 = arith.constant 0 : i32
      %dma_wait3A_379 = tpu.memref_slice %arg8[%dma_wait3A_377, %dma_wait3A_378] : memref<8x128xi32, #tpu.memory_space<vmem>> -> memref<1x128xi32, #tpu.memory_space<vmem>>
      %dma_wait3A_380 = tpu.memref_squeeze %dma_wait3A_379 : memref<1x128xi32, #tpu.memory_space<vmem>> -> memref<128xi32, #tpu.memory_space<vmem>>
      %dma_wait3A_381 = arith.constant 0 : i32
      %dma_wait3A_382 = arith.constant 0 : i32
      %dma_wait3A_383 = tpu.memref_slice %arg13[%dma_wait3A_381, %dma_wait3A_382] : memref<10112x16xf32, #tpu.memory_space<vmem_shared>> -> memref<10112x16xf32, #tpu.memory_space<vmem_shared>>
      tpu.wait_indirect_dma semaphore(%arg12 : memref<!tpu.dma_semaphore, #tpu.memory_space<semaphore_mem>>) src(%arg6 : memref<128x16xf32, #tpu.memory_space<vmem>>) dst(%dma_wait3A_383 : memref<10112x16xf32, #tpu.memory_space<vmem_shared>>)
      %dma_wait3A_384 = arith.constant 3 : i32
      %dma_wait3A_385 = arith.constant 0 : i32
      %dma_wait3A_386 = tpu.memref_slice %arg8[%dma_wait3A_384, %dma_wait3A_385] : memref<8x128xi32, #tpu.memory_space<vmem>> -> memref<1x128xi32, #tpu.memory_space<vmem>>
      %dma_wait3A_387 = tpu.memref_squeeze %dma_wait3A_386 : memref<1x128xi32, #tpu.memory_space<vmem>> -> memref<128xi32, #tpu.memory_space<vmem>>
      %dma_wait3A_388 = arith.constant 0 : i32
      %dma_wait3A_389 = arith.constant 0 : i32
      %dma_wait3A_390 = tpu.memref_slice %arg13[%dma_wait3A_388, %dma_wait3A_389] : memref<10112x16xf32, #tpu.memory_space<vmem_shared>> -> memref<10112x16xf32, #tpu.memory_space<vmem_shared>>
      tpu.wait_indirect_dma semaphore(%arg12 : memref<!tpu.dma_semaphore, #tpu.memory_space<semaphore_mem>>) src(%arg6 : memref<128x16xf32, #tpu.memory_space<vmem>>) dst(%dma_wait3A_390 : memref<10112x16xf32, #tpu.memory_space<vmem_shared>>)
      %dma_wait3A_391 = arith.constant 4 : i32
      %dma_wait3A_392 = arith.constant 0 : i32
      %dma_wait3A_393 = tpu.memref_slice %arg8[%dma_wait3A_391, %dma_wait3A_392] : memref<8x128xi32, #tpu.memory_space<vmem>> -> memref<1x128xi32, #tpu.memory_space<vmem>>
      %dma_wait3A_394 = tpu.memref_squeeze %dma_wait3A_393 : memref<1x128xi32, #tpu.memory_space<vmem>> -> memref<128xi32, #tpu.memory_space<vmem>>
      %dma_wait3A_395 = arith.constant 0 : i32
      %dma_wait3A_396 = arith.constant 0 : i32
      %dma_wait3A_397 = tpu.memref_slice %arg13[%dma_wait3A_395, %dma_wait3A_396] : memref<10112x16xf32, #tpu.memory_space<vmem_shared>> -> memref<10112x16xf32, #tpu.memory_space<vmem_shared>>
      tpu.wait_indirect_dma semaphore(%arg12 : memref<!tpu.dma_semaphore, #tpu.memory_space<semaphore_mem>>) src(%arg6 : memref<128x16xf32, #tpu.memory_space<vmem>>) dst(%dma_wait3A_397 : memref<10112x16xf32, #tpu.memory_space<vmem_shared>>)
      %dma_wait3A_398 = arith.constant 5 : i32
      %dma_wait3A_399 = arith.constant 0 : i32
      %dma_wait3A_400 = tpu.memref_slice %arg8[%dma_wait3A_398, %dma_wait3A_399] : memref<8x128xi32, #tpu.memory_space<vmem>> -> memref<1x128xi32, #tpu.memory_space<vmem>>
      %dma_wait3A_401 = tpu.memref_squeeze %dma_wait3A_400 : memref<1x128xi32, #tpu.memory_space<vmem>> -> memref<128xi32, #tpu.memory_space<vmem>>
      %dma_wait3A_402 = arith.constant 0 : i32
      %dma_wait3A_403 = arith.constant 0 : i32
      %dma_wait3A_404 = tpu.memref_slice %arg13[%dma_wait3A_402, %dma_wait3A_403] : memref<10112x16xf32, #tpu.memory_space<vmem_shared>> -> memref<10112x16xf32, #tpu.memory_space<vmem_shared>>
      tpu.wait_indirect_dma semaphore(%arg12 : memref<!tpu.dma_semaphore, #tpu.memory_space<semaphore_mem>>) src(%arg6 : memref<128x16xf32, #tpu.memory_space<vmem>>) dst(%dma_wait3A_404 : memref<10112x16xf32, #tpu.memory_space<vmem_shared>>)
      %dma_wait3A_405 = arith.constant 6 : i32
      %dma_wait3A_406 = arith.constant 0 : i32
      %dma_wait3A_407 = tpu.memref_slice %arg8[%dma_wait3A_405, %dma_wait3A_406] : memref<8x128xi32, #tpu.memory_space<vmem>> -> memref<1x128xi32, #tpu.memory_space<vmem>>
      %dma_wait3A_408 = tpu.memref_squeeze %dma_wait3A_407 : memref<1x128xi32, #tpu.memory_space<vmem>> -> memref<128xi32, #tpu.memory_space<vmem>>
      %dma_wait3A_409 = arith.constant 0 : i32
      %dma_wait3A_410 = arith.constant 0 : i32
      %dma_wait3A_411 = tpu.memref_slice %arg13[%dma_wait3A_409, %dma_wait3A_410] : memref<10112x16xf32, #tpu.memory_space<vmem_shared>> -> memref<10112x16xf32, #tpu.memory_space<vmem_shared>>
      tpu.wait_indirect_dma semaphore(%arg12 : memref<!tpu.dma_semaphore, #tpu.memory_space<semaphore_mem>>) src(%arg6 : memref<128x16xf32, #tpu.memory_space<vmem>>) dst(%dma_wait3A_411 : memref<10112x16xf32, #tpu.memory_space<vmem_shared>>)
      %dma_wait3A_412 = arith.constant 7 : i32
      %dma_wait3A_413 = arith.constant 0 : i32
      %dma_wait3A_414 = tpu.memref_slice %arg8[%dma_wait3A_412, %dma_wait3A_413] : memref<8x128xi32, #tpu.memory_space<vmem>> -> memref<1x128xi32, #tpu.memory_space<vmem>>
      %dma_wait3A_415 = tpu.memref_squeeze %dma_wait3A_414 : memref<1x128xi32, #tpu.memory_space<vmem>> -> memref<128xi32, #tpu.memory_space<vmem>>
      %dma_wait3A_416 = arith.constant 0 : i32
      %dma_wait3A_417 = arith.constant 0 : i32
      %dma_wait3A_418 = tpu.memref_slice %arg13[%dma_wait3A_416, %dma_wait3A_417] : memref<10112x16xf32, #tpu.memory_space<vmem_shared>> -> memref<10112x16xf32, #tpu.memory_space<vmem_shared>>
      tpu.wait_indirect_dma semaphore(%arg12 : memref<!tpu.dma_semaphore, #tpu.memory_space<semaphore_mem>>) src(%arg6 : memref<128x16xf32, #tpu.memory_space<vmem>>) dst(%dma_wait3A_418 : memref<10112x16xf32, #tpu.memory_space<vmem_shared>>)
      %add3A_419 = arith.constant 64 : i32
      %add3A_420 = arith.addi %add3A_300, %add3A_419 : i32
      %lt3A_421 = arith.constant 320 : i32
      %lt3A_422 = arith.cmpi slt, %add3A_420, %lt3A_421 : i32
      %convert_element_type3A_423 = arith.extui %lt3A_422 : i1 to i32
      %cond3A_424 = arith.constant 0 : i32
      %cond3A_425 = arith.cmpi ne, %convert_element_type3A_423, %cond3A_424 : i32
      scf.if %cond3A_425 {
        %mul3A_426 = arith.constant 8 : i32
        %mul3A_427 = arith.muli %add3A_420, %mul3A_426 : i32
        %dma_start3A_428 = arith.constant 0 : i32
        %dma_start3A_429 = tpu.memref_slice %arg2[%mul3A_427, %dma_start3A_428] : memref<2560x128xi32, #tpu.memory_space<hbm>> -> memref<8x128xi32, #tpu.memory_space<hbm>>
        %dma_start3A_430 = arith.constant 0 : i32
        %dma_start3A_431 = tpu.memref_slice %arg2[%mul3A_427, %dma_start3A_430] : memref<2560x128xi32, #tpu.memory_space<hbm>> -> memref<8x128xi32, #tpu.memory_space<hbm>>
        tpu.enqueue_dma source(%dma_start3A_431 : memref<8x128xi32, #tpu.memory_space<hbm>>) target(%arg8 : memref<8x128xi32, #tpu.memory_space<vmem>>) target_semaphore(%arg10 : memref<!tpu.dma_semaphore, #tpu.memory_space<semaphore_mem>>)
      } else {
      }
    }
    %scan3A_139 = arith.constant 5 : i32
    %barrier3A_140 = arith.constant 0 : index
    tpu.barrier barrier_id(%barrier3A_140)
    %mul3A_141 = arith.constant 10112 : i32
    %mul3A_142 = arith.muli %arg0, %mul3A_141 : i32
    %add3A_143 = arith.addi %mul3A_142, %mul3A_2 : i32
    %add3A_144 = arith.constant 0 : i32
    %add3A_145 = arith.addi %mul3A_2, %add3A_144 : i32
    "tpu.region"() ({
      %run_scoped3A = tpu.sem_alloc : memref<!tpu.dma_semaphore, #tpu.memory_space<semaphore_mem>>
      %dma_start3A_164 = arith.constant 0 : i32
      %dma_start3A_165 = arith.constant 0 : i32
      %dma_start3A_166 = tpu.memref_slice %arg6[%dma_start3A_164, %dma_start3A_165] : memref<128x16xf32, #tpu.memory_space<vmem>> -> memref<128x16xf32, #tpu.memory_space<vmem>>
      %dma_start3A_167 = arith.constant 0 : i32
      %dma_start3A_168 = tpu.memref_slice %arg13[%add3A_145, %dma_start3A_167] : memref<10112x16xf32, #tpu.memory_space<vmem_shared>> -> memref<128x16xf32, #tpu.memory_space<vmem_shared>>
      %dma_start3A_169 = arith.constant 0 : i32
      %dma_start3A_170 = arith.constant 0 : i32
      %dma_start3A_171 = tpu.memref_slice %arg6[%dma_start3A_169, %dma_start3A_170] : memref<128x16xf32, #tpu.memory_space<vmem>> -> memref<128x16xf32, #tpu.memory_space<vmem>>
      %dma_start3A_172 = arith.constant 0 : i32
      %dma_start3A_173 = tpu.memref_slice %arg13[%add3A_145, %dma_start3A_172] : memref<10112x16xf32, #tpu.memory_space<vmem_shared>> -> memref<128x16xf32, #tpu.memory_space<vmem_shared>>
      tpu.enqueue_dma source(%dma_start3A_173 : memref<128x16xf32, #tpu.memory_space<vmem_shared>>) target(%dma_start3A_171 : memref<128x16xf32, #tpu.memory_space<vmem>>) target_semaphore(%run_scoped3A : memref<!tpu.dma_semaphore, #tpu.memory_space<semaphore_mem>>)
      %dma_wait3A_174 = arith.constant 0 : i32
      %dma_wait3A_175 = arith.constant 0 : i32
      %dma_wait3A_176 = tpu.memref_slice %arg6[%dma_wait3A_174, %dma_wait3A_175] : memref<128x16xf32, #tpu.memory_space<vmem>> -> memref<128x16xf32, #tpu.memory_space<vmem>>
      %dma_wait3A_177 = arith.constant 0 : i32
      %dma_wait3A_178 = tpu.memref_slice %arg13[%add3A_145, %dma_wait3A_177] : memref<10112x16xf32, #tpu.memory_space<vmem_shared>> -> memref<128x16xf32, #tpu.memory_space<vmem_shared>>
      %dma_wait3A_179 = arith.constant 0 : i32
      %dma_wait3A_180 = arith.constant 0 : i32
      %dma_wait3A_181 = tpu.memref_slice %arg6[%dma_wait3A_179, %dma_wait3A_180] : memref<128x16xf32, #tpu.memory_space<vmem>> -> memref<128x16xf32, #tpu.memory_space<vmem>>
      %dma_wait3A_182 = arith.constant 0 : i32
      %dma_wait3A_183 = tpu.memref_slice %arg13[%add3A_145, %dma_wait3A_182] : memref<10112x16xf32, #tpu.memory_space<vmem_shared>> -> memref<128x16xf32, #tpu.memory_space<vmem_shared>>
      tpu.wait_dma2 semaphore(%run_scoped3A : memref<!tpu.dma_semaphore, #tpu.memory_space<semaphore_mem>>) src(%dma_wait3A_183 : memref<128x16xf32, #tpu.memory_space<vmem_shared>>) dst(%dma_wait3A_181 : memref<128x16xf32, #tpu.memory_space<vmem>>)
      tpu.yield
    }) : () -> ()
    %add3A_146 = arith.constant 0 : i32
    %add3A_147 = arith.addi %add3A_143, %add3A_146 : i32
    "tpu.region"() ({
      %run_scoped3A = tpu.sem_alloc : memref<!tpu.dma_semaphore, #tpu.memory_space<semaphore_mem>>
      %dma_start3A_164 = arith.constant 0 : i32
      %dma_start3A_165 = arith.constant 0 : i32
      %dma_start3A_166 = tpu.memref_slice %arg6[%dma_start3A_164, %dma_start3A_165] : memref<128x16xf32, #tpu.memory_space<vmem>> -> memref<128x16xf32, #tpu.memory_space<vmem>>
      %dma_start3A_167 = arith.constant 0 : i32
      %dma_start3A_168 = tpu.memref_slice %arg5[%add3A_147, %dma_start3A_167] : memref<20224x16xf32, #tpu.memory_space<hbm>> -> memref<128x16xf32, #tpu.memory_space<hbm>>
      %dma_start3A_169 = arith.constant 0 : i32
      %dma_start3A_170 = tpu.memref_slice %arg5[%add3A_147, %dma_start3A_169] : memref<20224x16xf32, #tpu.memory_space<hbm>> -> memref<128x16xf32, #tpu.memory_space<hbm>>
      %dma_start3A_171 = arith.constant 0 : i32
      %dma_start3A_172 = arith.constant 0 : i32
      %dma_start3A_173 = tpu.memref_slice %arg6[%dma_start3A_171, %dma_start3A_172] : memref<128x16xf32, #tpu.memory_space<vmem>> -> memref<128x16xf32, #tpu.memory_space<vmem>>
      tpu.enqueue_dma source(%dma_start3A_173 : memref<128x16xf32, #tpu.memory_space<vmem>>) target(%dma_start3A_170 : memref<128x16xf32, #tpu.memory_space<hbm>>) target_semaphore(%run_scoped3A : memref<!tpu.dma_semaphore, #tpu.memory_space<semaphore_mem>>)
      %dma_wait3A_174 = arith.constant 0 : i32
      %dma_wait3A_175 = arith.constant 0 : i32
      %dma_wait3A_176 = tpu.memref_slice %arg6[%dma_wait3A_174, %dma_wait3A_175] : memref<128x16xf32, #tpu.memory_space<vmem>> -> memref<128x16xf32, #tpu.memory_space<vmem>>
      %dma_wait3A_177 = arith.constant 0 : i32
      %dma_wait3A_178 = tpu.memref_slice %arg5[%add3A_147, %dma_wait3A_177] : memref<20224x16xf32, #tpu.memory_space<hbm>> -> memref<128x16xf32, #tpu.memory_space<hbm>>
      %dma_wait3A_179 = arith.constant 0 : i32
      %dma_wait3A_180 = tpu.memref_slice %arg5[%add3A_147, %dma_wait3A_179] : memref<20224x16xf32, #tpu.memory_space<hbm>> -> memref<128x16xf32, #tpu.memory_space<hbm>>
      %dma_wait3A_181 = arith.constant 0 : i32
      %dma_wait3A_182 = arith.constant 0 : i32
      %dma_wait3A_183 = tpu.memref_slice %arg6[%dma_wait3A_181, %dma_wait3A_182] : memref<128x16xf32, #tpu.memory_space<vmem>> -> memref<128x16xf32, #tpu.memory_space<vmem>>
      tpu.wait_dma2 semaphore(%run_scoped3A : memref<!tpu.dma_semaphore, #tpu.memory_space<semaphore_mem>>) src(%dma_wait3A_183 : memref<128x16xf32, #tpu.memory_space<vmem>>) dst(%dma_wait3A_180 : memref<128x16xf32, #tpu.memory_space<hbm>>)
      tpu.yield
    }) : () -> ()
    %add3A_148 = arith.constant 128 : i32
    %add3A_149 = arith.addi %mul3A_2, %add3A_148 : i32
    "tpu.region"() ({
      %run_scoped3A = tpu.sem_alloc : memref<!tpu.dma_semaphore, #tpu.memory_space<semaphore_mem>>
      %dma_start3A_164 = arith.constant 0 : i32
      %dma_start3A_165 = arith.constant 0 : i32
      %dma_start3A_166 = tpu.memref_slice %arg6[%dma_start3A_164, %dma_start3A_165] : memref<128x16xf32, #tpu.memory_space<vmem>> -> memref<128x16xf32, #tpu.memory_space<vmem>>
      %dma_start3A_167 = arith.constant 0 : i32
      %dma_start3A_168 = tpu.memref_slice %arg13[%add3A_149, %dma_start3A_167] : memref<10112x16xf32, #tpu.memory_space<vmem_shared>> -> memref<128x16xf32, #tpu.memory_space<vmem_shared>>
      %dma_start3A_169 = arith.constant 0 : i32
      %dma_start3A_170 = arith.constant 0 : i32
      %dma_start3A_171 = tpu.memref_slice %arg6[%dma_start3A_169, %dma_start3A_170] : memref<128x16xf32, #tpu.memory_space<vmem>> -> memref<128x16xf32, #tpu.memory_space<vmem>>
      %dma_start3A_172 = arith.constant 0 : i32
      %dma_start3A_173 = tpu.memref_slice %arg13[%add3A_149, %dma_start3A_172] : memref<10112x16xf32, #tpu.memory_space<vmem_shared>> -> memref<128x16xf32, #tpu.memory_space<vmem_shared>>
      tpu.enqueue_dma source(%dma_start3A_173 : memref<128x16xf32, #tpu.memory_space<vmem_shared>>) target(%dma_start3A_171 : memref<128x16xf32, #tpu.memory_space<vmem>>) target_semaphore(%run_scoped3A : memref<!tpu.dma_semaphore, #tpu.memory_space<semaphore_mem>>)
      %dma_wait3A_174 = arith.constant 0 : i32
      %dma_wait3A_175 = arith.constant 0 : i32
      %dma_wait3A_176 = tpu.memref_slice %arg6[%dma_wait3A_174, %dma_wait3A_175] : memref<128x16xf32, #tpu.memory_space<vmem>> -> memref<128x16xf32, #tpu.memory_space<vmem>>
      %dma_wait3A_177 = arith.constant 0 : i32
      %dma_wait3A_178 = tpu.memref_slice %arg13[%add3A_149, %dma_wait3A_177] : memref<10112x16xf32, #tpu.memory_space<vmem_shared>> -> memref<128x16xf32, #tpu.memory_space<vmem_shared>>
      %dma_wait3A_179 = arith.constant 0 : i32
      %dma_wait3A_180 = arith.constant 0 : i32
      %dma_wait3A_181 = tpu.memref_slice %arg6[%dma_wait3A_179, %dma_wait3A_180] : memref<128x16xf32, #tpu.memory_space<vmem>> -> memref<128x16xf32, #tpu.memory_space<vmem>>
      %dma_wait3A_182 = arith.constant 0 : i32
      %dma_wait3A_183 = tpu.memref_slice %arg13[%add3A_149, %dma_wait3A_182] : memref<10112x16xf32, #tpu.memory_space<vmem_shared>> -> memref<128x16xf32, #tpu.memory_space<vmem_shared>>
      tpu.wait_dma2 semaphore(%run_scoped3A : memref<!tpu.dma_semaphore, #tpu.memory_space<semaphore_mem>>) src(%dma_wait3A_183 : memref<128x16xf32, #tpu.memory_space<vmem_shared>>) dst(%dma_wait3A_181 : memref<128x16xf32, #tpu.memory_space<vmem>>)
      tpu.yield
    }) : () -> ()
    %add3A_150 = arith.constant 128 : i32
    %add3A_151 = arith.addi %add3A_143, %add3A_150 : i32
    "tpu.region"() ({
      %run_scoped3A = tpu.sem_alloc : memref<!tpu.dma_semaphore, #tpu.memory_space<semaphore_mem>>
      %dma_start3A_164 = arith.constant 0 : i32
      %dma_start3A_165 = arith.constant 0 : i32
      %dma_start3A_166 = tpu.memref_slice %arg6[%dma_start3A_164, %dma_start3A_165] : memref<128x16xf32, #tpu.memory_space<vmem>> -> memref<128x16xf32, #tpu.memory_space<vmem>>
      %dma_start3A_167 = arith.constant 0 : i32
      %dma_start3A_168 = tpu.memref_slice %arg5[%add3A_151, %dma_start3A_167] : memref<20224x16xf32, #tpu.memory_space<hbm>> -> memref<128x16xf32, #tpu.memory_space<hbm>>
      %dma_start3A_169 = arith.constant 0 : i32
      %dma_start3A_170 = tpu.memref_slice %arg5[%add3A_151, %dma_start3A_169] : memref<20224x16xf32, #tpu.memory_space<hbm>> -> memref<128x16xf32, #tpu.memory_space<hbm>>
      %dma_start3A_171 = arith.constant 0 : i32
      %dma_start3A_172 = arith.constant 0 : i32
      %dma_start3A_173 = tpu.memref_slice %arg6[%dma_start3A_171, %dma_start3A_172] : memref<128x16xf32, #tpu.memory_space<vmem>> -> memref<128x16xf32, #tpu.memory_space<vmem>>
      tpu.enqueue_dma source(%dma_start3A_173 : memref<128x16xf32, #tpu.memory_space<vmem>>) target(%dma_start3A_170 : memref<128x16xf32, #tpu.memory_space<hbm>>) target_semaphore(%run_scoped3A : memref<!tpu.dma_semaphore, #tpu.memory_space<semaphore_mem>>)
      %dma_wait3A_174 = arith.constant 0 : i32
      %dma_wait3A_175 = arith.constant 0 : i32
      %dma_wait3A_176 = tpu.memref_slice %arg6[%dma_wait3A_174, %dma_wait3A_175] : memref<128x16xf32, #tpu.memory_space<vmem>> -> memref<128x16xf32, #tpu.memory_space<vmem>>
      %dma_wait3A_177 = arith.constant 0 : i32
      %dma_wait3A_178 = tpu.memref_slice %arg5[%add3A_151, %dma_wait3A_177] : memref<20224x16xf32, #tpu.memory_space<hbm>> -> memref<128x16xf32, #tpu.memory_space<hbm>>
      %dma_wait3A_179 = arith.constant 0 : i32
      %dma_wait3A_180 = tpu.memref_slice %arg5[%add3A_151, %dma_wait3A_179] : memref<20224x16xf32, #tpu.memory_space<hbm>> -> memref<128x16xf32, #tpu.memory_space<hbm>>
      %dma_wait3A_181 = arith.constant 0 : i32
      %dma_wait3A_182 = arith.constant 0 : i32
      %dma_wait3A_183 = tpu.memref_slice %arg6[%dma_wait3A_181, %dma_wait3A_182] : memref<128x16xf32, #tpu.memory_space<vmem>> -> memref<128x16xf32, #tpu.memory_space<vmem>>
      tpu.wait_dma2 semaphore(%run_scoped3A : memref<!tpu.dma_semaphore, #tpu.memory_space<semaphore_mem>>) src(%dma_wait3A_183 : memref<128x16xf32, #tpu.memory_space<vmem>>) dst(%dma_wait3A_180 : memref<128x16xf32, #tpu.memory_space<hbm>>)
      tpu.yield
    }) : () -> ()
    %add3A_152 = arith.constant 256 : i32
    %add3A_153 = arith.addi %mul3A_2, %add3A_152 : i32
    "tpu.region"() ({
      %run_scoped3A = tpu.sem_alloc : memref<!tpu.dma_semaphore, #tpu.memory_space<semaphore_mem>>
      %dma_start3A_164 = arith.constant 0 : i32
      %dma_start3A_165 = arith.constant 0 : i32
      %dma_start3A_166 = tpu.memref_slice %arg6[%dma_start3A_164, %dma_start3A_165] : memref<128x16xf32, #tpu.memory_space<vmem>> -> memref<128x16xf32, #tpu.memory_space<vmem>>
      %dma_start3A_167 = arith.constant 0 : i32
      %dma_start3A_168 = tpu.memref_slice %arg13[%add3A_153, %dma_start3A_167] : memref<10112x16xf32, #tpu.memory_space<vmem_shared>> -> memref<128x16xf32, #tpu.memory_space<vmem_shared>>
      %dma_start3A_169 = arith.constant 0 : i32
      %dma_start3A_170 = arith.constant 0 : i32
      %dma_start3A_171 = tpu.memref_slice %arg6[%dma_start3A_169, %dma_start3A_170] : memref<128x16xf32, #tpu.memory_space<vmem>> -> memref<128x16xf32, #tpu.memory_space<vmem>>
      %dma_start3A_172 = arith.constant 0 : i32
      %dma_start3A_173 = tpu.memref_slice %arg13[%add3A_153, %dma_start3A_172] : memref<10112x16xf32, #tpu.memory_space<vmem_shared>> -> memref<128x16xf32, #tpu.memory_space<vmem_shared>>
      tpu.enqueue_dma source(%dma_start3A_173 : memref<128x16xf32, #tpu.memory_space<vmem_shared>>) target(%dma_start3A_171 : memref<128x16xf32, #tpu.memory_space<vmem>>) target_semaphore(%run_scoped3A : memref<!tpu.dma_semaphore, #tpu.memory_space<semaphore_mem>>)
      %dma_wait3A_174 = arith.constant 0 : i32
      %dma_wait3A_175 = arith.constant 0 : i32
      %dma_wait3A_176 = tpu.memref_slice %arg6[%dma_wait3A_174, %dma_wait3A_175] : memref<128x16xf32, #tpu.memory_space<vmem>> -> memref<128x16xf32, #tpu.memory_space<vmem>>
      %dma_wait3A_177 = arith.constant 0 : i32
      %dma_wait3A_178 = tpu.memref_slice %arg13[%add3A_153, %dma_wait3A_177] : memref<10112x16xf32, #tpu.memory_space<vmem_shared>> -> memref<128x16xf32, #tpu.memory_space<vmem_shared>>
      %dma_wait3A_179 = arith.constant 0 : i32
      %dma_wait3A_180 = arith.constant 0 : i32
      %dma_wait3A_181 = tpu.memref_slice %arg6[%dma_wait3A_179, %dma_wait3A_180] : memref<128x16xf32, #tpu.memory_space<vmem>> -> memref<128x16xf32, #tpu.memory_space<vmem>>
      %dma_wait3A_182 = arith.constant 0 : i32
      %dma_wait3A_183 = tpu.memref_slice %arg13[%add3A_153, %dma_wait3A_182] : memref<10112x16xf32, #tpu.memory_space<vmem_shared>> -> memref<128x16xf32, #tpu.memory_space<vmem_shared>>
      tpu.wait_dma2 semaphore(%run_scoped3A : memref<!tpu.dma_semaphore, #tpu.memory_space<semaphore_mem>>) src(%dma_wait3A_183 : memref<128x16xf32, #tpu.memory_space<vmem_shared>>) dst(%dma_wait3A_181 : memref<128x16xf32, #tpu.memory_space<vmem>>)
      tpu.yield
    }) : () -> ()
    %add3A_154 = arith.constant 256 : i32
    %add3A_155 = arith.addi %add3A_143, %add3A_154 : i32
    "tpu.region"() ({
      %run_scoped3A = tpu.sem_alloc : memref<!tpu.dma_semaphore, #tpu.memory_space<semaphore_mem>>
      %dma_start3A_164 = arith.constant 0 : i32
      %dma_start3A_165 = arith.constant 0 : i32
      %dma_start3A_166 = tpu.memref_slice %arg6[%dma_start3A_164, %dma_start3A_165] : memref<128x16xf32, #tpu.memory_space<vmem>> -> memref<128x16xf32, #tpu.memory_space<vmem>>
      %dma_start3A_167 = arith.constant 0 : i32
      %dma_start3A_168 = tpu.memref_slice %arg5[%add3A_155, %dma_start3A_167] : memref<20224x16xf32, #tpu.memory_space<hbm>> -> memref<128x16xf32, #tpu.memory_space<hbm>>
      %dma_start3A_169 = arith.constant 0 : i32
      %dma_start3A_170 = tpu.memref_slice %arg5[%add3A_155, %dma_start3A_169] : memref<20224x16xf32, #tpu.memory_space<hbm>> -> memref<128x16xf32, #tpu.memory_space<hbm>>
      %dma_start3A_171 = arith.constant 0 : i32
      %dma_start3A_172 = arith.constant 0 : i32
      %dma_start3A_173 = tpu.memref_slice %arg6[%dma_start3A_171, %dma_start3A_172] : memref<128x16xf32, #tpu.memory_space<vmem>> -> memref<128x16xf32, #tpu.memory_space<vmem>>
      tpu.enqueue_dma source(%dma_start3A_173 : memref<128x16xf32, #tpu.memory_space<vmem>>) target(%dma_start3A_170 : memref<128x16xf32, #tpu.memory_space<hbm>>) target_semaphore(%run_scoped3A : memref<!tpu.dma_semaphore, #tpu.memory_space<semaphore_mem>>)
      %dma_wait3A_174 = arith.constant 0 : i32
      %dma_wait3A_175 = arith.constant 0 : i32
      %dma_wait3A_176 = tpu.memref_slice %arg6[%dma_wait3A_174, %dma_wait3A_175] : memref<128x16xf32, #tpu.memory_space<vmem>> -> memref<128x16xf32, #tpu.memory_space<vmem>>
      %dma_wait3A_177 = arith.constant 0 : i32
      %dma_wait3A_178 = tpu.memref_slice %arg5[%add3A_155, %dma_wait3A_177] : memref<20224x16xf32, #tpu.memory_space<hbm>> -> memref<128x16xf32, #tpu.memory_space<hbm>>
      %dma_wait3A_179 = arith.constant 0 : i32
      %dma_wait3A_180 = tpu.memref_slice %arg5[%add3A_155, %dma_wait3A_179] : memref<20224x16xf32, #tpu.memory_space<hbm>> -> memref<128x16xf32, #tpu.memory_space<hbm>>
      %dma_wait3A_181 = arith.constant 0 : i32
      %dma_wait3A_182 = arith.constant 0 : i32
      %dma_wait3A_183 = tpu.memref_slice %arg6[%dma_wait3A_181, %dma_wait3A_182] : memref<128x16xf32, #tpu.memory_space<vmem>> -> memref<128x16xf32, #tpu.memory_space<vmem>>
      tpu.wait_dma2 semaphore(%run_scoped3A : memref<!tpu.dma_semaphore, #tpu.memory_space<semaphore_mem>>) src(%dma_wait3A_183 : memref<128x16xf32, #tpu.memory_space<vmem>>) dst(%dma_wait3A_180 : memref<128x16xf32, #tpu.memory_space<hbm>>)
      tpu.yield
    }) : () -> ()
    %add3A_156 = arith.constant 384 : i32
    %add3A_157 = arith.addi %mul3A_2, %add3A_156 : i32
    "tpu.region"() ({
      %run_scoped3A = tpu.sem_alloc : memref<!tpu.dma_semaphore, #tpu.memory_space<semaphore_mem>>
      %dma_start3A_164 = arith.constant 0 : i32
      %dma_start3A_165 = arith.constant 0 : i32
      %dma_start3A_166 = tpu.memref_slice %arg6[%dma_start3A_164, %dma_start3A_165] : memref<128x16xf32, #tpu.memory_space<vmem>> -> memref<128x16xf32, #tpu.memory_space<vmem>>
      %dma_start3A_167 = arith.constant 0 : i32
      %dma_start3A_168 = tpu.memref_slice %arg13[%add3A_157, %dma_start3A_167] : memref<10112x16xf32, #tpu.memory_space<vmem_shared>> -> memref<128x16xf32, #tpu.memory_space<vmem_shared>>
      %dma_start3A_169 = arith.constant 0 : i32
      %dma_start3A_170 = arith.constant 0 : i32
      %dma_start3A_171 = tpu.memref_slice %arg6[%dma_start3A_169, %dma_start3A_170] : memref<128x16xf32, #tpu.memory_space<vmem>> -> memref<128x16xf32, #tpu.memory_space<vmem>>
      %dma_start3A_172 = arith.constant 0 : i32
      %dma_start3A_173 = tpu.memref_slice %arg13[%add3A_157, %dma_start3A_172] : memref<10112x16xf32, #tpu.memory_space<vmem_shared>> -> memref<128x16xf32, #tpu.memory_space<vmem_shared>>
      tpu.enqueue_dma source(%dma_start3A_173 : memref<128x16xf32, #tpu.memory_space<vmem_shared>>) target(%dma_start3A_171 : memref<128x16xf32, #tpu.memory_space<vmem>>) target_semaphore(%run_scoped3A : memref<!tpu.dma_semaphore, #tpu.memory_space<semaphore_mem>>)
      %dma_wait3A_174 = arith.constant 0 : i32
      %dma_wait3A_175 = arith.constant 0 : i32
      %dma_wait3A_176 = tpu.memref_slice %arg6[%dma_wait3A_174, %dma_wait3A_175] : memref<128x16xf32, #tpu.memory_space<vmem>> -> memref<128x16xf32, #tpu.memory_space<vmem>>
      %dma_wait3A_177 = arith.constant 0 : i32
      %dma_wait3A_178 = tpu.memref_slice %arg13[%add3A_157, %dma_wait3A_177] : memref<10112x16xf32, #tpu.memory_space<vmem_shared>> -> memref<128x16xf32, #tpu.memory_space<vmem_shared>>
      %dma_wait3A_179 = arith.constant 0 : i32
      %dma_wait3A_180 = arith.constant 0 : i32
      %dma_wait3A_181 = tpu.memref_slice %arg6[%dma_wait3A_179, %dma_wait3A_180] : memref<128x16xf32, #tpu.memory_space<vmem>> -> memref<128x16xf32, #tpu.memory_space<vmem>>
      %dma_wait3A_182 = arith.constant 0 : i32
      %dma_wait3A_183 = tpu.memref_slice %arg13[%add3A_157, %dma_wait3A_182] : memref<10112x16xf32, #tpu.memory_space<vmem_shared>> -> memref<128x16xf32, #tpu.memory_space<vmem_shared>>
      tpu.wait_dma2 semaphore(%run_scoped3A : memref<!tpu.dma_semaphore, #tpu.memory_space<semaphore_mem>>) src(%dma_wait3A_183 : memref<128x16xf32, #tpu.memory_space<vmem_shared>>) dst(%dma_wait3A_181 : memref<128x16xf32, #tpu.memory_space<vmem>>)
      tpu.yield
    }) : () -> ()
    %add3A_158 = arith.constant 384 : i32
    %add3A_159 = arith.addi %add3A_143, %add3A_158 : i32
    "tpu.region"() ({
      %run_scoped3A = tpu.sem_alloc : memref<!tpu.dma_semaphore, #tpu.memory_space<semaphore_mem>>
      %dma_start3A_164 = arith.constant 0 : i32
      %dma_start3A_165 = arith.constant 0 : i32
      %dma_start3A_166 = tpu.memref_slice %arg6[%dma_start3A_164, %dma_start3A_165] : memref<128x16xf32, #tpu.memory_space<vmem>> -> memref<128x16xf32, #tpu.memory_space<vmem>>
      %dma_start3A_167 = arith.constant 0 : i32
      %dma_start3A_168 = tpu.memref_slice %arg5[%add3A_159, %dma_start3A_167] : memref<20224x16xf32, #tpu.memory_space<hbm>> -> memref<128x16xf32, #tpu.memory_space<hbm>>
      %dma_start3A_169 = arith.constant 0 : i32
      %dma_start3A_170 = tpu.memref_slice %arg5[%add3A_159, %dma_start3A_169] : memref<20224x16xf32, #tpu.memory_space<hbm>> -> memref<128x16xf32, #tpu.memory_space<hbm>>
      %dma_start3A_171 = arith.constant 0 : i32
      %dma_start3A_172 = arith.constant 0 : i32
      %dma_start3A_173 = tpu.memref_slice %arg6[%dma_start3A_171, %dma_start3A_172] : memref<128x16xf32, #tpu.memory_space<vmem>> -> memref<128x16xf32, #tpu.memory_space<vmem>>
      tpu.enqueue_dma source(%dma_start3A_173 : memref<128x16xf32, #tpu.memory_space<vmem>>) target(%dma_start3A_170 : memref<128x16xf32, #tpu.memory_space<hbm>>) target_semaphore(%run_scoped3A : memref<!tpu.dma_semaphore, #tpu.memory_space<semaphore_mem>>)
      %dma_wait3A_174 = arith.constant 0 : i32
      %dma_wait3A_175 = arith.constant 0 : i32
      %dma_wait3A_176 = tpu.memref_slice %arg6[%dma_wait3A_174, %dma_wait3A_175] : memref<128x16xf32, #tpu.memory_space<vmem>> -> memref<128x16xf32, #tpu.memory_space<vmem>>
      %dma_wait3A_177 = arith.constant 0 : i32
      %dma_wait3A_178 = tpu.memref_slice %arg5[%add3A_159, %dma_wait3A_177] : memref<20224x16xf32, #tpu.memory_space<hbm>> -> memref<128x16xf32, #tpu.memory_space<hbm>>
      %dma_wait3A_179 = arith.constant 0 : i32
      %dma_wait3A_180 = tpu.memref_slice %arg5[%add3A_159, %dma_wait3A_179] : memref<20224x16xf32, #tpu.memory_space<hbm>> -> memref<128x16xf32, #tpu.memory_space<hbm>>
      %dma_wait3A_181 = arith.constant 0 : i32
      %dma_wait3A_182 = arith.constant 0 : i32
      %dma_wait3A_183 = tpu.memref_slice %arg6[%dma_wait3A_181, %dma_wait3A_182] : memref<128x16xf32, #tpu.memory_space<vmem>> -> memref<128x16xf32, #tpu.memory_space<vmem>>
      tpu.wait_dma2 semaphore(%run_scoped3A : memref<!tpu.dma_semaphore, #tpu.memory_space<semaphore_mem>>) src(%dma_wait3A_183 : memref<128x16xf32, #tpu.memory_space<vmem>>) dst(%dma_wait3A_180 : memref<128x16xf32, #tpu.memory_space<hbm>>)
      tpu.yield
    }) : () -> ()
    %add3A_160 = arith.constant 512 : i32
    %add3A_161 = arith.addi %mul3A_2, %add3A_160 : i32
    "tpu.region"() ({
      %run_scoped3A = tpu.sem_alloc : memref<!tpu.dma_semaphore, #tpu.memory_space<semaphore_mem>>
      %dma_start3A_164 = arith.constant 0 : i32
      %dma_start3A_165 = arith.constant 0 : i32
      %dma_start3A_166 = tpu.memref_slice %arg6[%dma_start3A_164, %dma_start3A_165] : memref<128x16xf32, #tpu.memory_space<vmem>> -> memref<120x16xf32, #tpu.memory_space<vmem>>
      %dma_start3A_167 = arith.constant 0 : i32
      %dma_start3A_168 = tpu.memref_slice %arg13[%add3A_161, %dma_start3A_167] : memref<10112x16xf32, #tpu.memory_space<vmem_shared>> -> memref<120x16xf32, #tpu.memory_space<vmem_shared>>
      %dma_start3A_169 = arith.constant 0 : i32
      %dma_start3A_170 = arith.constant 0 : i32
      %dma_start3A_171 = tpu.memref_slice %arg6[%dma_start3A_169, %dma_start3A_170] : memref<128x16xf32, #tpu.memory_space<vmem>> -> memref<120x16xf32, #tpu.memory_space<vmem>>
      %dma_start3A_172 = arith.constant 0 : i32
      %dma_start3A_173 = tpu.memref_slice %arg13[%add3A_161, %dma_start3A_172] : memref<10112x16xf32, #tpu.memory_space<vmem_shared>> -> memref<120x16xf32, #tpu.memory_space<vmem_shared>>
      tpu.enqueue_dma source(%dma_start3A_173 : memref<120x16xf32, #tpu.memory_space<vmem_shared>>) target(%dma_start3A_171 : memref<120x16xf32, #tpu.memory_space<vmem>>) target_semaphore(%run_scoped3A : memref<!tpu.dma_semaphore, #tpu.memory_space<semaphore_mem>>)
      %dma_wait3A_174 = arith.constant 0 : i32
      %dma_wait3A_175 = arith.constant 0 : i32
      %dma_wait3A_176 = tpu.memref_slice %arg6[%dma_wait3A_174, %dma_wait3A_175] : memref<128x16xf32, #tpu.memory_space<vmem>> -> memref<120x16xf32, #tpu.memory_space<vmem>>
      %dma_wait3A_177 = arith.constant 0 : i32
      %dma_wait3A_178 = tpu.memref_slice %arg13[%add3A_161, %dma_wait3A_177] : memref<10112x16xf32, #tpu.memory_space<vmem_shared>> -> memref<120x16xf32, #tpu.memory_space<vmem_shared>>
      %dma_wait3A_179 = arith.constant 0 : i32
      %dma_wait3A_180 = arith.constant 0 : i32
      %dma_wait3A_181 = tpu.memref_slice %arg6[%dma_wait3A_179, %dma_wait3A_180] : memref<128x16xf32, #tpu.memory_space<vmem>> -> memref<120x16xf32, #tpu.memory_space<vmem>>
      %dma_wait3A_182 = arith.constant 0 : i32
      %dma_wait3A_183 = tpu.memref_slice %arg13[%add3A_161, %dma_wait3A_182] : memref<10112x16xf32, #tpu.memory_space<vmem_shared>> -> memref<120x16xf32, #tpu.memory_space<vmem_shared>>
      tpu.wait_dma2 semaphore(%run_scoped3A : memref<!tpu.dma_semaphore, #tpu.memory_space<semaphore_mem>>) src(%dma_wait3A_183 : memref<120x16xf32, #tpu.memory_space<vmem_shared>>) dst(%dma_wait3A_181 : memref<120x16xf32, #tpu.memory_space<vmem>>)
      tpu.yield
    }) : () -> ()
    %add3A_162 = arith.constant 512 : i32
    %add3A_163 = arith.addi %add3A_143, %add3A_162 : i32
    "tpu.region"() ({
      %run_scoped3A = tpu.sem_alloc : memref<!tpu.dma_semaphore, #tpu.memory_space<semaphore_mem>>
      %dma_start3A_164 = arith.constant 0 : i32
      %dma_start3A_165 = arith.constant 0 : i32
      %dma_start3A_166 = tpu.memref_slice %arg6[%dma_start3A_164, %dma_start3A_165] : memref<128x16xf32, #tpu.memory_space<vmem>> -> memref<120x16xf32, #tpu.memory_space<vmem>>
      %dma_start3A_167 = arith.constant 0 : i32
      %dma_start3A_168 = tpu.memref_slice %arg5[%add3A_163, %dma_start3A_167] : memref<20224x16xf32, #tpu.memory_space<hbm>> -> memref<120x16xf32, #tpu.memory_space<hbm>>
      %dma_start3A_169 = arith.constant 0 : i32
      %dma_start3A_170 = tpu.memref_slice %arg5[%add3A_163, %dma_start3A_169] : memref<20224x16xf32, #tpu.memory_space<hbm>> -> memref<120x16xf32, #tpu.memory_space<hbm>>
      %dma_start3A_171 = arith.constant 0 : i32
      %dma_start3A_172 = arith.constant 0 : i32
      %dma_start3A_173 = tpu.memref_slice %arg6[%dma_start3A_171, %dma_start3A_172] : memref<128x16xf32, #tpu.memory_space<vmem>> -> memref<120x16xf32, #tpu.memory_space<vmem>>
      tpu.enqueue_dma source(%dma_start3A_173 : memref<120x16xf32, #tpu.memory_space<vmem>>) target(%dma_start3A_170 : memref<120x16xf32, #tpu.memory_space<hbm>>) target_semaphore(%run_scoped3A : memref<!tpu.dma_semaphore, #tpu.memory_space<semaphore_mem>>)
      %dma_wait3A_174 = arith.constant 0 : i32
      %dma_wait3A_175 = arith.constant 0 : i32
      %dma_wait3A_176 = tpu.memref_slice %arg6[%dma_wait3A_174, %dma_wait3A_175] : memref<128x16xf32, #tpu.memory_space<vmem>> -> memref<120x16xf32, #tpu.memory_space<vmem>>
      %dma_wait3A_177 = arith.constant 0 : i32
      %dma_wait3A_178 = tpu.memref_slice %arg5[%add3A_163, %dma_wait3A_177] : memref<20224x16xf32, #tpu.memory_space<hbm>> -> memref<120x16xf32, #tpu.memory_space<hbm>>
      %dma_wait3A_179 = arith.constant 0 : i32
      %dma_wait3A_180 = tpu.memref_slice %arg5[%add3A_163, %dma_wait3A_179] : memref<20224x16xf32, #tpu.memory_space<hbm>> -> memref<120x16xf32, #tpu.memory_space<hbm>>
      %dma_wait3A_181 = arith.constant 0 : i32
      %dma_wait3A_182 = arith.constant 0 : i32
      %dma_wait3A_183 = tpu.memref_slice %arg6[%dma_wait3A_181, %dma_wait3A_182] : memref<128x16xf32, #tpu.memory_space<vmem>> -> memref<120x16xf32, #tpu.memory_space<vmem>>
      tpu.wait_dma2 semaphore(%run_scoped3A : memref<!tpu.dma_semaphore, #tpu.memory_space<semaphore_mem>>) src(%dma_wait3A_183 : memref<120x16xf32, #tpu.memory_space<vmem>>) dst(%dma_wait3A_180 : memref<120x16xf32, #tpu.memory_space<hbm>>)
      tpu.yield
    }) : () -> ()
    return
  }
}

</mosaic_0001>

<sc_bundles>
// kernel: _sc_segment_sums.4.cloned.1.call-start
scs
__scs_entry_jumppad:
0x0: {  	(pc) =	sbr.rel $0x88, $3  }
0x1: {  	(tag) =	ssettag $0x0;
	lr =	simm.s32 $0x1  }
0x2: {  	[smem:$0x3F9B] =	sst lr;
	_ =	strace $0xD0000000  }
0x3: {  	_ = 	snop  }
0x4: {  	_ = 	snop  }
0x5: {  	_ = 	snop  }
0x6: {  	_ = 	snop  }
0x7: {  	_ = 	snop  }
__scs_overlays_trampoline_lowered:
0x8: {  	[smem:$0x3FAA] =	sst s0  }
0x9: {  	[smem:$0x3FAB] =	sst s1  }
0xa: {  	[smem:$0x3FAC] =	sst s2  }
0xb: {  	[smem:$0x3FAD] =	sst s3  }
0xc: {  	[smem:$0x3FAE] =	sst s4  }
0xd: {  	[smem:$0x3FAF] =	sst s5  }
0xe: {  	[smem:$0x3FB0] =	sst s6  }
0xf: {  	[smem:$0x3FB1] =	sst s7  }
0x10: {  	[smem:$0x3FB2] =	sst s8  }
0x11: {  	[smem:$0x3FB3] =	sst s9;
	s0 =	simm.s32 @!p0 $0x0  }
0x12: {  	s1 =	sld [smem:$0x3F99];
	s0 =	simm.s32 @p0 $0x1  }
0x13: {  	[smem:$0x3FB4] =	sst s0;
	s0 =	simm.s32 @!p1 $0x0  }
0x14: {  	s2 =	sld [smem:$0x3F98];
	s0 =	simm.s32 @p1 $0x1  }
0x15: {  	[smem:$0x3FB5] =	sst s0;
	s0 =	simm.s32 @!p2 $0x0  }
0x16: {  	s3 =	sld [smem:$0x3FDB];
	s0 =	simm.s32 @p2 $0x1  }
0x17: {  	s4 =	simm.s32 $0x1BF5;
	[smem:$0x3FB7] =	sst s0  }
0x18: {  	s0 =	sld [smem:$0x3F9A];
	_ =	swait.ge [sflag:s4], $0x0  }
0x19: {  	s7 =	sld [smem:$0x3F9B]  }
0x1a: {  	s8 =	sadd.s32 $0xFFFFE003, lr  }
0x1b: {  	s9 =	sadd.s32 $0xFFFFFEF7, lr;
	s5 =	simm.s32 $0xFFFFFFFF;
	p2 =	slt.u32 s8, $0xFFFFF086  }
0x1c: {  	p1 =	slt.u32 s9, $0xF7A;
	s5 =	simm.s32 @!p2 $0x0  }
0x1d: {  	s5 =	simm.s32 @p1 $0x1;
	p0 =	seq.s32 s7, s2  }
0x1e: {  	s7 =	smul.u32 @!p0 $0xF7A, s2;
	p2 =	seq.s32 @!p0 s5, $0x0  }
0x1f: {  	s9 =	smul.u32 $0xF7A, s1;
	s8 =	simm.s32 @!p0 $0x1BF5;
	p2 =	por !p2, p0  }
0x20: {  	[sflag:s8] =	ssyncset.s32 @!p0 $0xFFFFF086;
	s6 =	sadd.s32 @!p0 s3, s7;
	s7 =	simm.s32 @!p0 $0x108  }
0x21: {  	s3 =	sadd.s32 s3, s9;
	s6 =	sadd.s32 @!p0 $0x88, s6;
	s7 =	simm.s32 @p2 $0x1082  }
0x22: {  	[simem:s7], [sflag:s8] =	dma.local @!p0 [hbm:s6], $0xF7A  }
0x23: {  	s9 =	sor.u32 $0xD0000000, s2;
	s6 =	simm.s32 $0x108;
	_ =	swait.ge @!p0 [sflag:s8], $0x0  }
0x24: {  	s3 =	sadd.s32 $0x88, s3;
	s6 =	simm.s32 @!p1 $0x1082;
	[sflag:s4] =	ssyncset.s32 $0xFFFFF086  }
0x25: {  	[simem:s6], [sflag:s4] =	dma.local [hbm:s3], $0xF7A  }
0x26: {  	[smem:$0x3F9B] =	sst s1;
	(tag) =	ssettag s2;
	_ =	strace s9  }
0x27: {  	s1 =	sld [smem:$0x3FAB]  }
0x28: {  	s2 =	sld [smem:$0x3FAC]  }
0x29: {  	s4 =	sld [smem:$0x3FAE]  }
0x2a: {  	p0 =	seq.s32 s5, $0x0;
	s5 =	sld [smem:$0x3FAF]  }
0x2b: {  	s6 =	sld [smem:$0x3FB0]  }
0x2c: {  	s7 =	sld [smem:$0x3FB1]  }
0x2d: {  	s3 =	simm.s32 $0x108;
	s8 =	sld [smem:$0x3FB2]  }
0x2e: {  	s3 =	simm.s32 @!p0 $0x1082;
	s9 =	sld [smem:$0x3FB3]  }
0x2f: {  	lr =	sadd.s32 s0, s3;
	s0 =	sld [smem:$0x3FAA]  }
0x30: {  	s3 =	sld [smem:$0x3FAD]  }
0x31: {  	[smem:$0x3FB6] =	sst s10  }
0x32: {  	s10 =	sld [smem:$0x3FB4];
	_ =	sdelay $0x3  }
0x33: {  	p0 =	seq.s32 s10, $0x1;
	s10 =	sld [smem:$0x3FB6];
	_ =	sdelay $0x3  }
0x34: {  	[smem:$0x3FB6] =	sst s10  }
0x35: {  	s10 =	sld [smem:$0x3FB5];
	_ =	sdelay $0x3  }
0x36: {  	p1 =	seq.s32 s10, $0x1;
	s10 =	sld [smem:$0x3FB6];
	_ =	sdelay $0x3  }
0x37: {  	[smem:$0x3FB6] =	sst s10  }
0x38: {  	s10 =	sld [smem:$0x3FB7]  }
0x39: {  	_ = 	snop;
	(pc) =	sbr.ind lr, $3  }
0x3a: {  	_ = 	snop  }
0x3b: {  	_ = 	snop  }
0x3c: {  	p2 =	seq.s32 s10, $0x1;
	s10 =	sld [smem:$0x3FB6]  }
0x3d: {  	_ =	shalt  }
0x3e: {  	_ =	shalt  }
0x3f: {  	_ =	shalt  }
0x40: {  	_ =	shalt  }
0x41: {  	_ =	shalt  }
0x42: {  	_ =	shalt  }
0x43: {  	_ =	shalt  }
0x44: {  	_ =	shalt  }
0x45: {  	_ =	shalt  }
0x46: {  	_ =	shalt  }
0x47: {  	_ =	shalt  }
0x48: {  	_ =	shalt  }
0x49: {  	_ =	shalt  }
0x4a: {  	_ =	shalt  }
0x4b: {  	_ =	shalt  }
0x4c: {  	_ =	shalt  }
0x4d: {  	_ =	shalt  }
0x4e: {  	_ =	shalt  }
0x4f: {  	_ =	shalt  }
0x50: {  	_ =	shalt  }
0x51: {  	_ =	shalt  }
0x52: {  	_ =	shalt  }
0x53: {  	_ =	shalt  }
0x54: {  	_ =	shalt  }
0x55: {  	_ =	shalt  }
0x56: {  	_ =	shalt  }
0x57: {  	_ =	shalt  }
0x58: {  	_ =	shalt  }
0x59: {  	_ =	shalt  }
0x5a: {  	_ =	shalt  }
0x5b: {  	_ =	shalt  }
0x5c: {  	_ =	shalt  }
0x5d: {  	_ =	shalt  }
0x5e: {  	_ =	shalt  }
0x5f: {  	_ =	shalt  }
0x60: {  	_ =	shalt  }
0x61: {  	_ =	shalt  }
0x62: {  	_ =	shalt  }
0x63: {  	_ =	shalt  }
0x64: {  	_ =	shalt  }
0x65: {  	_ =	shalt  }
0x66: {  	_ =	shalt  }
0x67: {  	_ =	shalt  }
0x68: {  	_ =	shalt  }
0x69: {  	_ =	shalt  }
0x6a: {  	_ =	shalt  }
0x6b: {  	_ =	shalt  }
0x6c: {  	_ =	shalt  }
0x6d: {  	_ =	shalt  }
0x6e: {  	_ =	shalt  }
0x6f: {  	_ =	shalt  }
0x70: {  	_ =	shalt  }
0x71: {  	_ =	shalt  }
0x72: {  	_ =	shalt  }
0x73: {  	_ =	shalt  }
0x74: {  	_ =	shalt  }
0x75: {  	_ =	shalt  }
0x76: {  	_ =	shalt  }
0x77: {  	_ =	shalt  }
0x78: {  	_ =	shalt  }
0x79: {  	_ =	shalt  }
0x7a: {  	_ =	shalt  }
0x7b: {  	_ =	shalt  }
0x7c: {  	_ =	shalt  }
0x7d: {  	_ =	shalt  }
0x7e: {  	_ =	shalt  }
0x7f: {  	_ =	shalt  }
0x80: {  	_ =	shalt  }
0x81: {  	_ =	shalt  }
0x82: {  	_ =	shalt  }
0x83: {  	_ =	shalt  }
0x84: {  	_ =	shalt  }
0x85: {  	_ =	shalt  }
0x86: {  	_ =	shalt  }
0x87: {  	_ =	shalt  }
.Lfunc_end0:
.L_simem_size_0:
called_computation_lowered:
.L_overlay_start_0:
0x88: {  	s2 =	sld [smem:$0x3FD9]  }
0x89: {  	s3 =	sld [smem:$0x3FFE];
	_ =	sdelay $0x1  }
0x8a: {  	s1 =	srdreg.scid  }
0x8b: {  	s0 =	sand.u32 $0x1, s1  }
0x8c: {  	s16 =	sshll.u32 s0, $0xA;
	s2 =	sadd.s32 s3, s2  }
0x8d: {  	s2 =	sadd.s32 s2, s16  }
0x8e: {  	[smem:$0x3FC2] =	sst s2  }
0x8f: {  	_ = 	snop  }
0x90: {  	s5 =	sld [smem:$0x3FD0]  }
0x91: {  	s2 =	sld [smem:$0x3FC9]  }
0x92: {  	s17 =	sld [smem:$0x3FC8]  }
0x93: {  	s6 =	simm.s32 $0xB;
	s7 =	simm.s32 $0x10;
	s4 =	sld [smem:$0x3FC6]  }
0x94: {  	[smem:s7], [sflag:s6] =	dma.local [hbm:s5], $0x1  }
0x95: {  	_ =	swait.eq [sflag:s6], $0x1  }
0x96: {  	[sflag:s6] =	ssyncset.done $0x0  }
0x97: {  	[sflag:s6] =	ssyncadd.s32 $0xFFFFFFFF  }
0x98: {  	s18 =	sld [smem:$0x10];
	(tm) =	ssettm $0x1  }
0x99: {  	s19 =	sld [smem:$0x3FFB];
	_ =	sdelay $0x3  }
0x9a: {  	_ =	strace s19  }
0x9b: {  	s5 =	sld [smem:$0x3FFC];
	_ =	sdelay $0x3  }
0x9c: {  	_ =	strace s5  }
0x9d: {  	s5 =	sld [smem:$0x3FFD];
	_ =	sdelay $0x3  }
0x9e: {  	_ =	strace s5  }
0x9f: {  	_ =	strace $0x8FFFFFFF  }
0xa0: {  	s20 =	sld [smem:$0x3FDB];
	_ =	sdelay $0x1  }
0xa1: {  	s21 =	simm.s32 $_scs_section_size  }
0xa2: {  	s8 =	simm.s32 $_size__tile_overlayer_lowered;
	s9 =	simm.s32 $_tile_overlayer_lowered  }
0xa3: {  	s10 =	simm.s32 $0x1BFF;
	s22 =	sshll.u32 s9, $0x1;
	s7 =	sadd.s32 s21, s20  }
0xa4: {  	s23 =	simm.s32 $0x0;
	s8 =	sshll.u32 s8, $0x1;
	s9 =	sadd.s32 s22, s7  }
0xa5: {  	[timem:s23], [sflag:s10] =	dma.local [hbm:s9], s8  }
0xa6: {  	_ =	swait.ge [sflag:s10], s8  }
0xa7: {  	s8 =	ssub.s32 $0x0, s8;
	[sflag:s10] =	ssyncset.done $0x0  }
0xa8: {  	[sflag:s10] =	ssyncadd.s32 s8;
	_ =	sdelay $0x1  }
0xa9: {  	s24 =	simm.s32 $0x1B8B  }
0xaa: {  	_ =	swait.ge [sflag:s24], $0x1  }
0xab: {  	[sflag:s24] =	ssyncset.done $0x0  }
0xac: {  	[sflag:s24] =	ssyncadd.s32 $0xFFFFFFFF  }
0xad: {  	s8 =	sld [smem:$0x0]  }
0xae: {  	s9 =	sand.u32 $0xFFFFFFFE, s1  }
0xaf: {  	p0 =	sne.s32 s1, s9  }
0xb0: {  	s9 =	sshll.u32 @p0 s9, $0xE  }
0xb1: {  	s9 =	sadd.s32 @p0 $0x11B8D, s9;
	s10 =	sshll.u32 @p0 s8, $0x11  }
0xb2: {  	s9 =	sor.u32 @p0 s10, s9  }
0xb3: {  	[sflag:s9] =	ssyncadd.remote.s32 @p0 $0x1;
	_ =	sdelay $0x1  }
0xb4: {  	s9 =	simm.s32 @p0 $0x1B8D  }
0xb5: {  	_ =	swait.eq @p0 [sflag:s9], $0x1  }
0xb6: {  	[sflag:s9] =	ssyncadd.s32 @p0 $0xFFFFFFFF  }
0xb7: {  	s10 =	sshll.u32 @!p0 s1, $0xE  }
0xb8: {  	s10 =	sor.u32 @!p0 $0x4000, s10;
	s9 =	simm.s32 @!p0 $0x1B8D  }
0xb9: {  	s8 =	sshll.u32 @!p0 s8, $0x11;
	s10 =	sadd.s32 @!p0 $0x11B8D, s10;
	_ =	swait.eq @!p0 [sflag:s9], $0x1  }
0xba: {  	s8 =	sor.u32 @!p0 s8, s10;
	[sflag:s9] =	ssyncadd.s32 @!p0 $0xFFFFFFFF  }
0xbb: {  	s25 =	simm.s32 $0x1B8E;
	[sflag:s8] =	ssyncadd.remote.s32 @!p0 $0x1  }
0xbc: {  	s26 =	simm.s32 $execute0_lowered;
	[smem:$0x3FD2] =	sst s25  }
0xbd: {  	s8 =	sshll.u32 s26, $0x1;
	_ =	strace $0x80000049;
	[dreg:$0x1] =	wrdreg $0xFFFFFFFF  }
0xbe: {  	s28 =	simm.s32 $_size_execute0_lowered;
	s7 =	sadd.s32 s7, s8;
	[dreg:$0x0] =	wrdreg $0x0  }
0xbf: {  	s8 =	sshll.u32 s28, $0x1;
	[dreg:$0x2] =	wrdreg s7  }
0xc0: {  	[dreg:$0x3] =	wrdreg s8  }
0xc1: {  	[dreg:$0x4] =	wrdreg $0xC0  }
0xc2: {  	_ =	task [dreg:s23], $0x5FFFF  }
0xc3: {  	[dreg:$0x1] =	wrdreg $0xFFFFFFFF  }
0xc4: {  	[dreg:$0x0] =	wrdreg $0x60  }
0xc5: {  	[dreg:$0x2] =	wrdreg s2  }
0xc6: {  	[dreg:$0x3] =	wrdreg s17  }
0xc7: {  	[dreg:$0x4] =	wrdreg s4  }
0xc8: {  	[dreg:$0x5] =	wrdreg s18  }
0xc9: {  	[dreg:$0x6] =	wrdreg $0xC1800  }
0xca: {  	[dreg:$0x7] =	wrdreg $0x9  }
0xcb: {  	_ =	task.clear_ibuf [dreg:s23], $0x8FFFF;
	_ =	strace $0x90000049  }
0xcc: {  	s29 =	simm.s32 $0x9;
	_ =	strace $0x8000004B  }
0xcd: {  	_ =	swait.ge [sflag:s29], $0x1  }
0xce: {  	[sflag:s29] =	ssyncadd.s32 $0xFFFFFFFF  }
0xcf: {  	_ =	strace $0x9000004B  }
0xd0: {  	_ =	sfence  }
0xd1: {  	s30 =	sld [smem:$0x0];
	_ =	sdelay $0x2  }
0xd2: {  	s31 =	sshll.u32 s1, $0xD;
	s1 =	sshrl.u32 s1, $0x2  }
0xd3: {  	s3 =	sand.u32 $0x4000, s31;
	s1 =	sadd.s32 s1, s30  }
0xd4: {  	s0 =	sor.u32 s3, s0;
	s1 =	sshll.u32 s1, $0x11  }
0xd5: {  	s0 =	sor.u32 s1, s0  }
0xd6: {  	s0 =	sadd.s32 $0x8F2B, s0  }
0xd7: {  	[sflag:s0] =	ssyncadd.remote.s32 $0x1  }
0xd8: {  	_ =	sfence.sel $0xFFFF  }
0xd9: {  	[dreg:$0x0] =	wrdreg $0xFFFFFFFF;
	(pc) =	sbr.abs _section_cstart, $3  }
0xda: {  	[dreg:$0x1] =	wrdreg $0xFFFFFFFF  }
0xdb: {  	_ =	task.clear_ibuf [dreg:s23], $0x2FFFF;
	_ =	strace $0x9FFFFFFF  }
0xdc: {  	(tm) =	ssettm $0x7FFFFFFF  }
0xdd: {  	_ =	shalt  }
tec
execute0_lowered:
.L_overlay_start_1:
0x0: {  	(tag) =	ssettag $0x1  }
0x1: {  	s0 =	rddreg [dreg:$0x0]  }
0x2: {  	s1 =	rddreg [dreg:$0x1]  }
0x3: {  	s2 =	rddreg [dreg:$0x3]  }
0x4: {  	s3 =	rddreg [dreg:$0x4];
	s5 =	srdreg.scid  }
0x5: {  	s4 =	simm.s32 $0x0;
	s19 =	stileid.u32;
	s28 =	simm.s32 $0xC000  }
0x6: {  	s29 =	simm.s32 $0x4000;
	s30 =	simm.s32 $0xC080;
	s31 =	simm.s32 $0x8000  }
0x7: {  	s10 =	sand.u32 $0x1, s5;
	[smem:$0x7FF] =	sst s4;
	s6 =	smul.u32 $0x4F000, s19  }
0x8: {  	s13 =	smul.u32 $0x278, s19;
	s5 =	ssub.s32 $0x2, s10;
	_ =	strace $0x8000004A  }
0x9: {  	s22 =	sshll.u32 s10, $0x4;
	s18 =	smul.u32 $0x2780, s10;
	s7 =	sshrl.u32 s5, $0x1  }
0xa: {  	s6 =	sshrl.u32 s6, $0x2;
	s12 =	sor.u32 s19, s22;
	s22 =	sshll.u32 s10, $0x8  }
0xb: {  	s10 =	sshll.u32 s10, $0xF;
	s11 =	ssub.s32 s5, s7;
	s5 =	sadd.s32 s6, s3  }
0xc: {  	s14 =	sshll.u32 s12, $0xB;
	s15 =	sshll.u32 s12, $0x7;
	s16 =	sshll.u32 s12, $0x4  }
0xd: {  	s13 =	sadd.s32 s13, s18;
	p0 =	slt.u32 s12, $0x4;
	p1 =	sgt.u32 s12, $0x3  }
0xe: {  	s6 =	sadd.s32 $0x4000, s5;
	s7 =	sadd.s32 $0x8000, s5;
	s8 =	sadd.s32 $0xC000, s5  }
0xf: {  	s9 =	sadd.s32 $0x10000, s5;
	s17 =	sor.u32 $0x1000, s15;
	s14 =	sadd.s32 s0, s14  }
0x10: {  	s23 =	sadd.s32 s1, s16;
	s26 =	sor.u32 $0x2000, s15;
	[dreg:$0x6] =	wrdreg s14  }
0x11: {  	s13 =	sshll.u32 s13, $0x4;
	[dreg:$0x7] =	wrdreg s23;
	s24 =	sshll.u32 s17, $0x4  }
0x12: {  	s25 =	sshrl.u32 s17, $0x3;
	s15 =	sshll.u32 s26, $0x4;
	s13 =	sadd.s32 s2, s13  }
0x13: {  	s23 =	sshll.u32 s19, $0x4;
	s14 =	sadd.s32 s0, s24;
	[dreg:$0xa] =	wrdreg s13  }
0x14: {  	s2 =	simm.s32 $0x1;
	s16 =	sadd.s32 s0, s15;
	[dreg:$0x8] =	wrdreg s14  }
0x15: {  	s18 =	sadd.s32 $0x800, s13;
	s20 =	sadd.s32 $0x1000, s13;
	[dreg:$0xb] =	wrdreg s16  }
0x16: {  	s21 =	sadd.s32 $0x1800, s13;
	s0 =	sadd.s32 s10, s0;
	[dreg:$0xd] =	wrdreg s18  }
0x17: {  	s24 =	sshll.u32 s19, $0xB;
	s10 =	simm.s32 $0x2;
	[dreg:$0xe] =	wrdreg s20  }
0x18: {  	s15 =	simm.s32 $0x0;
	s14 =	sadd.s32 s1, s25;
	[dreg:$0xf] =	wrdreg s21  }
0x19: {  	s25 =	sadd.s32 $0x2000, s13;
	s0 =	sadd.s32 s24, s0;
	[dreg:$0x9] =	wrdreg s14  }
0x1a: {  	s18 =	sor.u32 $0x40, s12;
	s14 =	sshrl.u32 s26, $0x3;
	[dreg:$0x10] =	wrdreg s25  }
0x1b: {  	s26 =	smax.u32 s11, $0x1;
	s25 =	simm.s32 $0x7;
	s11 =	simm.s32 $0x3  }
0x1c: {  	s17 =	sadd.s32 s1, s14;
	s1 =	sadd.s32 s22, s1;
	[dreg:$0x11] =	wrdreg s26  }
0x1d: {  	s26 =	simm.s32 $0x4;
	[dreg:$0xc] =	wrdreg s17;
	s20 =	sadd.s32 s23, s1  }
0x1e: {  	s17 =	sadd.s32 $0x50000, s0;
	s0 =	simm.s32 $0xC100;
	s1 =	simm.s32 $0x80  }
.LBB2_1:
0x1f: {  	s12 =	rddreg [dreg:$0x2]  }
0x20: {  	[tilespmem:s4], [sflag:$0x7] =	stream.linear.gather [hbm4b:s12+s4], $0x4000, $0x38;
	[tilespmem:$0x1FD80] =	vst v63  }
0x21: {  	_ =	swait.ge [sflag:s25], $0x4000  }
0x22: {  	[sflag:s25] =	ssyncset.done $0x0  }
0x23: {  	[sflag:s25] =	ssyncadd.s32 $0xFFFFC000  }
0x24: {  	[spmem:s5] =	stream.linear.scatter [tilespmem:s4], [sflag:$0x4], $0x4000, $0x38;
	[tilespmem:$0x1FD80] =	vst v63  }
0x25: {  	_ = 	snop  }
0x26: {  	[spmem:s6] =	stream.linear.scatter [tilespmem:s4], [sflag:$0x4], $0x4000, $0x38;
	[tilespmem:$0x1FD80] =	vst v63  }
0x27: {  	_ = 	snop  }
0x28: {  	[spmem:s7] =	stream.linear.scatter [tilespmem:s4], [sflag:$0x4], $0x4000, $0x38;
	[tilespmem:$0x1FD80] =	vst v63  }
0x29: {  	_ = 	snop  }
0x2a: {  	[spmem:s8] =	stream.linear.scatter [tilespmem:s4], [sflag:$0x4], $0x4000, $0x38;
	[tilespmem:$0x1FD80] =	vst v63  }
0x2b: {  	_ = 	snop  }
0x2c: {  	[spmem:s9] =	stream.linear.scatter [tilespmem:s4], [sflag:$0x4], $0x3C00, $0x38;
	[tilespmem:$0x1FD80] =	vst v63  }
0x2d: {  	_ =	swait.ge [sflag:s26], $0x4000  }
0x2e: {  	[sflag:s26] =	ssyncset.done $0x0  }
0x2f: {  	[sflag:s26] =	ssyncadd.s32 $0xFFFFC000  }
0x30: {  	_ =	swait.ge [sflag:s26], $0x4000  }
0x31: {  	[sflag:s26] =	ssyncset.done $0x0  }
0x32: {  	[sflag:s26] =	ssyncadd.s32 $0xFFFFC000  }
0x33: {  	_ =	swait.ge [sflag:s26], $0x4000  }
0x34: {  	[sflag:s26] =	ssyncset.done $0x0  }
0x35: {  	[sflag:s26] =	ssyncadd.s32 $0xFFFFC000  }
0x36: {  	_ =	swait.ge [sflag:s26], $0x4000  }
0x37: {  	[sflag:s26] =	ssyncset.done $0x0  }
0x38: {  	[sflag:s26] =	ssyncadd.s32 $0xFFFFC000  }
0x39: {  	_ =	swait.ge [sflag:s26], $0x3C00  }
0x3a: {  	[sflag:s26] =	ssyncset.done $0x0  }
0x3b: {  	[sflag:s26] =	ssyncadd.s32 $0xFFFFC400  }
0x3c: {  	[bflag:$0x0] =	sbarrier.arrive $0xFFFF  }
0x3d: {  	s14 =	rddreg [dreg:$0x6]  }
0x3e: {  	[tilespmem:s4], [sflag:$0x1] =	stream.linear.gather [hbm4b:s14+s4], $0x4000, $0x38;
	[tilespmem:$0x1FD80] =	vst v63  }
0x3f: {  	s16 =	rddreg [dreg:$0x7]  }
0x40: {  	[tilespmem:s28], [sflag:$0x1] =	stream.linear.gather [hbm4b:s16+s4], $0x80, $0x38;
	[tilespmem:$0x1FD80] =	vst v63  }
0x41: {  	s19 =	rddreg [dreg:$0x8]  }
0x42: {  	[tilespmem:s29], [sflag:$0x2] =	stream.linear.gather [hbm4b:s19+s4], $0x4000, $0x38;
	[tilespmem:$0x1FD80] =	vst v63  }
0x43: {  	s21 =	rddreg [dreg:$0x9]  }
0x44: {  	[tilespmem:s30], [sflag:$0x2] =	stream.linear.gather [hbm4b:s21+s4], $0x80, $0x38;
	[tilespmem:$0x1FD80] =	vst v63  }
0x45: {  	s22 =	rddreg [dreg:$0xb]  }
0x46: {  	[tilespmem:s31], [sflag:$0x3] =	stream.linear.gather [hbm4b:s22+s4], $0x4000, $0x38;
	[tilespmem:$0x1FD80] =	vst v63  }
0x47: {  	s23 =	rddreg [dreg:$0xc]  }
0x48: {  	[tilespmem:s0], [sflag:$0x3] =	stream.linear.gather [hbm4b:s23+s4], $0x80, $0x38;
	[tilespmem:$0x1FD80] =	vst v63  }
0x49: {  	_ =	swait.ge [sflag:s2], $0x4000  }
0x4a: {  	[sflag:s2] =	ssyncset.done $0x0  }
0x4b: {  	[sflag:s2] =	ssyncadd.s32 $0xFFFFC000  }
0x4c: {  	s14 =	sadd.s32 $0xFFFFFFC0, s18;
	_ =	swait.ge [sflag:s2], $0x80  }
0x4d: {  	p2 =	sgt.u32 s14, $0x963;
	[sflag:s2] =	ssyncset.done $0x0  }
0x4e: {  	s14 =	simm.s32 @!p2 $0x4;
	[sflag:s2] =	ssyncadd.s32 $0xFFFFFF80  }
0x4f: {  	[spmem:s3] =	stream.indirect.scatter.add.f32 [tilespmem:s4], [sflag:$0x4], $0x80, s28, s1, $0xb8;
	[tilespmem:$0x1FD80] =	vst v63  }
0x50: {  	_ =	swait.ge @!p2 [sflag:s14], $0x4000  }
0x51: {  	s16 =	sadd.s32 @!p2 $0x0, s20;
	[sflag:s14] =	ssyncset.done @!p2 $0x0  }
0x52: {  	s19 =	sadd.s32 @!p2 $0xFFFE0000, s17;
	s21 =	simm.s32 @!p2 $0x0;
	[sflag:s14] =	ssyncadd.s32 @!p2 $0xFFFFC000  }
0x53: {  	[tilespmem:s21], [sflag:$0x1] =	stream.linear.gather @!p2 [hbm4b:s19+s21], $0x4000, $0x38;
	[tilespmem:$0x1FD80] =	vst v63  }
0x54: {  	s14 =	sadd.s32 @!p2 $0x600, s16;
	s16 =	simm.s32 @!p2 $0xC000  }
0x55: {  	[tilespmem:s16], [sflag:$0x1] =	stream.linear.gather @!p2 [hbm4b:s14+s21], $0x80, $0x38;
	[tilespmem:$0x1FD80] =	vst v63  }
0x56: {  	_ =	swait.ge [sflag:s10], $0x4000  }
0x57: {  	[sflag:s10] =	ssyncset.done $0x0  }
0x58: {  	[sflag:s10] =	ssyncadd.s32 $0xFFFFC000  }
0x59: {  	s24 =	sadd.s32 $0xFFFFFFE0, s18;
	_ =	swait.ge [sflag:s10], $0x80  }
0x5a: {  	p2 =	sgt.u32 s24, $0x963;
	[sflag:s10] =	ssyncset.done $0x0  }
0x5b: {  	s14 =	simm.s32 @!p2 $0x5;
	[sflag:s10] =	ssyncadd.s32 $0xFFFFFF80  }
0x5c: {  	[spmem:s3] =	stream.indirect.scatter.add.f32 [tilespmem:s29], [sflag:$0x5], $0x80, s30, s1, $0xb8;
	[tilespmem:$0x1FD80] =	vst v63  }
0x5d: {  	_ =	swait.ge @!p2 [sflag:s14], $0x4000  }
0x5e: {  	s16 =	sadd.s32 @!p2 $0x0, s20;
	s19 =	simm.s32 @!p2 $0x4000;
	[sflag:s14] =	ssyncset.done @!p2 $0x0  }
0x5f: {  	s21 =	sadd.s32 @!p2 $0xFFFF0000, s17;
	s22 =	simm.s32 @!p2 $0x0;
	[sflag:s14] =	ssyncadd.s32 @!p2 $0xFFFFC000  }
0x60: {  	[tilespmem:s19], [sflag:$0x2] =	stream.linear.gather @!p2 [hbm4b:s21+s22], $0x4000, $0x38;
	[tilespmem:$0x1FD80] =	vst v63  }
0x61: {  	s14 =	sadd.s32 @!p2 $0x800, s16;
	s16 =	simm.s32 @!p2 $0xC080  }
0x62: {  	[tilespmem:s16], [sflag:$0x2] =	stream.linear.gather @!p2 [hbm4b:s14+s22], $0x80, $0x38;
	[tilespmem:$0x1FD80] =	vst v63  }
0x63: {  	_ =	swait.ge [sflag:s11], $0x4000  }
0x64: {  	[sflag:s11] =	ssyncset.done $0x0  }
0x65: {  	[sflag:s11] =	ssyncadd.s32 $0xFFFFC000  }
0x66: {  	_ =	swait.ge [sflag:s11], $0x80  }
0x67: {  	p3 =	sgt.u32 s18, $0x963;
	[sflag:s11] =	ssyncset.done $0x0  }
0x68: {  	s14 =	simm.s32 @!p3 $0x6;
	[sflag:s11] =	ssyncadd.s32 $0xFFFFFF80  }
0x69: {  	[spmem:s3] =	stream.indirect.scatter.add.f32 [tilespmem:s31], [sflag:$0x6], $0x80, s0, s1, $0xb8;
	[tilespmem:$0x1FD80] =	vst v63  }
0x6a: {  	s23 =	smov.u32 s17;
	_ =	swait.ge @!p3 [sflag:s14], $0x4000  }
0x6b: {  	s24 =	smov.u32 s18;
	s21 =	simm.s32 @!p3 $0x0;
	[sflag:s14] =	ssyncset.done @!p3 $0x0  }
0x6c: {  	s16 =	simm.s32 @!p3 $0x8000;
	[sflag:s14] =	ssyncadd.s32 @!p3 $0xFFFFC000;
	s14 =	sadd.s32 @!p3 $0x0, s20  }
0x6d: {  	[tilespmem:s16], [sflag:$0x3] =	stream.linear.gather @!p3 [hbm4b:s17+s21], $0x4000, $0x38;
	[tilespmem:$0x1FD80] =	vst v63  }
0x6e: {  	s16 =	simm.s32 $0x600;
	s22 =	sadd.s32 @!p3 $0xA00, s14;
	s14 =	simm.s32 @!p3 $0xC100  }
.LBB2_2:
0x6f: {  	s23 =	sadd.s32 $0x30000, s23  }
0x70: {  	s24 =	sadd.s32 $0x60, s24;
	s19 =	smov.u32 s16;
	s16 =	sadd.s32 $0x600, s16  }
0x71: {  	[tilespmem:s14], [sflag:$0x3] =	stream.linear.gather @!p3 [hbm4b:s22+s21], $0x80, $0x38;
	[tilespmem:$0x1FD80] =	vst v63  }
0x72: {  	p2 =	sne.s32 s16, $0x9C00;
	_ =	swait.ge [sflag:s2], $0x4000  }
0x73: {  	[sflag:s2] =	ssyncset.done $0x0  }
0x74: {  	[sflag:s2] =	ssyncadd.s32 $0xFFFFC000  }
0x75: {  	_ =	swait.ge [sflag:s2], $0x80  }
0x76: {  	s14 =	sadd.s32 $0xFFFFFFC0, s24;
	[sflag:s2] =	ssyncset.done $0x0  }
0x77: {  	p3 =	sgt.u32 s14, $0x963;
	[sflag:s2] =	ssyncadd.s32 $0xFFFFFF80  }
0x78: {  	[spmem:s3] =	stream.indirect.scatter.add.f32 [tilespmem:s4], [sflag:$0x4], $0x80, s28, s1, $0xb8;
	[tilespmem:$0x1FD80] =	vst v63  }
0x79: {  	s14 =	simm.s32 @!p3 $0x4;
	s21 =	sadd.s32 @!p3 s19, s20  }
0x7a: {  	s21 =	sadd.s32 @!p3 $0x600, s21;
	_ =	swait.ge @!p3 [sflag:s14], $0x4000  }
0x7b: {  	s22 =	sadd.s32 @!p3 $0xFFFE0000, s23;
	s12 =	simm.s32 @!p3 $0x0;
	[sflag:s14] =	ssyncset.done @!p3 $0x0  }
0x7c: {  	[sflag:s14] =	ssyncadd.s32 @!p3 $0xFFFFC000;
	s14 =	simm.s32 @!p3 $0xC000  }
0x7d: {  	[tilespmem:s12], [sflag:$0x1] =	stream.linear.gather @!p3 [hbm4b:s22+s12], $0x4000, $0x38;
	[tilespmem:$0x1FD80] =	vst v63  }
0x7e: {  	_ = 	snop  }
0x7f: {  	[tilespmem:s14], [sflag:$0x1] =	stream.linear.gather @!p3 [hbm4b:s21+s12], $0x80, $0x38;
	[tilespmem:$0x1FD80] =	vst v63  }
0x80: {  	_ =	swait.ge [sflag:s10], $0x4000  }
0x81: {  	[sflag:s10] =	ssyncset.done $0x0  }
0x82: {  	[sflag:s10] =	ssyncadd.s32 $0xFFFFC000  }
0x83: {  	s12 =	sadd.s32 $0xFFFFFFE0, s24;
	_ =	swait.ge [sflag:s10], $0x80  }
0x84: {  	p3 =	sgt.u32 s12, $0x963;
	[sflag:s10] =	ssyncset.done $0x0  }
0x85: {  	s12 =	simm.s32 @!p3 $0x5;
	s14 =	sadd.s32 @!p3 s19, s20;
	[sflag:s10] =	ssyncadd.s32 $0xFFFFFF80  }
0x86: {  	[spmem:s3] =	stream.indirect.scatter.add.f32 [tilespmem:s29], [sflag:$0x5], $0x80, s30, s1, $0xb8;
	[tilespmem:$0x1FD80] =	vst v63  }
0x87: {  	s21 =	simm.s32 @!p3 $0x4000;
	s14 =	sadd.s32 @!p3 $0x800, s14;
	_ =	swait.ge @!p3 [sflag:s12], $0x4000  }
0x88: {  	s22 =	sadd.s32 @!p3 $0xFFFF0000, s23;
	s13 =	simm.s32 @!p3 $0x0;
	[sflag:s12] =	ssyncset.done @!p3 $0x0  }
0x89: {  	[sflag:s12] =	ssyncadd.s32 @!p3 $0xFFFFC000;
	s12 =	simm.s32 @!p3 $0xC080  }
0x8a: {  	[tilespmem:s21], [sflag:$0x2] =	stream.linear.gather @!p3 [hbm4b:s22+s13], $0x4000, $0x38;
	[tilespmem:$0x1FD80] =	vst v63  }
0x8b: {  	_ = 	snop  }
0x8c: {  	[tilespmem:s12], [sflag:$0x2] =	stream.linear.gather @!p3 [hbm4b:s14+s13], $0x80, $0x38;
	[tilespmem:$0x1FD80] =	vst v63  }
0x8d: {  	_ =	swait.ge [sflag:s11], $0x4000  }
0x8e: {  	[sflag:s11] =	ssyncset.done $0x0  }
0x8f: {  	[sflag:s11] =	ssyncadd.s32 $0xFFFFC000  }
0x90: {  	_ =	swait.ge [sflag:s11], $0x80  }
0x91: {  	p3 =	sgt.u32 s24, $0x963;
	[sflag:s11] =	ssyncset.done $0x0  }
0x92: {  	s12 =	simm.s32 @!p3 $0x6;
	s13 =	sadd.s32 @!p3 s19, s20;
	[sflag:s11] =	ssyncadd.s32 $0xFFFFFF80  }
0x93: {  	[spmem:s3] =	stream.indirect.scatter.add.f32 [tilespmem:s31], [sflag:$0x6], $0x80, s0, s1, $0xb8;
	[tilespmem:$0x1FD80] =	vst v63  }
.Ltmp0:
0x94: {  	_ = 	snop;
	(pc) =	sbr.rel @p2 .LBB2_2-.Ltmp0, $4  }
0x95: {  	s22 =	sadd.s32 @!p3 $0xA00, s13;
	_ =	swait.ge @!p3 [sflag:s12], $0x4000  }
0x96: {  	s21 =	simm.s32 @!p3 $0x0;
	s13 =	simm.s32 @!p3 $0x8000;
	[sflag:s12] =	ssyncset.done @!p3 $0x0  }
0x97: {  	s14 =	simm.s32 @!p3 $0xC100;
	[sflag:s12] =	ssyncadd.s32 @!p3 $0xFFFFC000  }
0x98: {  	[tilespmem:s13], [sflag:$0x3] =	stream.linear.gather @!p3 [hbm4b:s23+s21], $0x4000, $0x38;
	[tilespmem:$0x1FD80] =	vst v63  }
0x99: {  	[tilespmem:s14], [sflag:$0x3] =	stream.linear.gather @!p3 [hbm4b:s22+s21], $0x80, $0x38;
	[tilespmem:$0x1FD80] =	vst v63  }
0x9a: {  	s12 =	simm.s32 @!p0 $0x4  }
0x9b: {  	_ =	swait.ge @!p0 [sflag:s12], $0x4000  }
0x9c: {  	[sflag:s12] =	ssyncset.done @!p0 $0x0  }
0x9d: {  	s13 =	simm.s32 $0x5;
	[sflag:s12] =	ssyncadd.s32 @!p0 $0xFFFFC000  }
0x9e: {  	_ =	swait.ge [sflag:s13], $0x4000  }
0x9f: {  	[sflag:s13] =	ssyncset.done $0x0  }
0xa0: {  	s14 =	simm.s32 $0x6;
	[sflag:s13] =	ssyncadd.s32 $0xFFFFC000  }
0xa1: {  	_ =	swait.ge [sflag:s14], $0x4000  }
0xa2: {  	[sflag:s14] =	ssyncset.done $0x0  }
0xa3: {  	s12 =	simm.s32 @!p1 $0x1;
	[sflag:s14] =	ssyncadd.s32 $0xFFFFC000  }
0xa4: {  	_ =	swait.ge @!p1 [sflag:s12], $0x4000  }
0xa5: {  	[sflag:s12] =	ssyncset.done @!p1 $0x0  }
0xa6: {  	[sflag:s12] =	ssyncadd.s32 @!p1 $0xFFFFC000  }
0xa7: {  	_ =	swait.ge @!p1 [sflag:s12], $0x80  }
0xa8: {  	s13 =	simm.s32 @!p1 $0xC000;
	[sflag:s12] =	ssyncset.done @!p1 $0x0  }
0xa9: {  	s14 =	simm.s32 @!p1 $0x0;
	[sflag:s12] =	ssyncadd.s32 @!p1 $0xFFFFFF80;
	s12 =	simm.s32 @!p1 $0x80  }
0xaa: {  	[spmem:s3] =	stream.indirect.scatter.add.f32 @!p1 [tilespmem:s14], [sflag:$0x7], $0x80, s13, s12, $0xb8;
	[tilespmem:$0x1FD80] =	vst v63  }
0xab: {  	s12 =	simm.s32 @!p1 $0x7  }
0xac: {  	_ =	swait.ge @!p1 [sflag:s12], $0x4000  }
0xad: {  	[sflag:s12] =	ssyncset.done @!p1 $0x0  }
0xae: {  	[sflag:s12] =	ssyncadd.s32 @!p1 $0xFFFFC000  }
0xaf: {  	[bflag:$0x0] =	sbarrier.arrive $0xFFFF  }
0xb0: {  	[tilespmem:s4], [sflag:$0x7] =	stream.linear.gather [spmem:s5], $0x4000, $0x38;
	[tilespmem:$0x1FD80] =	vst v63  }
0xb1: {  	_ =	swait.ge [sflag:s25], $0x4000  }
0xb2: {  	[sflag:s25] =	ssyncset.done $0x0  }
0xb3: {  	s16 =	rddreg [dreg:$0xa];
	[sflag:s25] =	ssyncadd.s32 $0xFFFFC000  }
0xb4: {  	[hbm4b:s16+s4] =	stream.linear.scatter [tilespmem:s4], [sflag:$0x7], $0x4000, $0x38;
	[tilespmem:$0x1FD80] =	vst v63  }
0xb5: {  	_ =	swait.ge [sflag:s25], $0x4000  }
0xb6: {  	[sflag:s25] =	ssyncset.done $0x0  }
0xb7: {  	[sflag:s25] =	ssyncadd.s32 $0xFFFFC000  }
0xb8: {  	[tilespmem:s4], [sflag:$0x7] =	stream.linear.gather [spmem:s6], $0x4000, $0x38;
	[tilespmem:$0x1FD80] =	vst v63  }
0xb9: {  	_ =	swait.ge [sflag:s25], $0x4000  }
0xba: {  	[sflag:s25] =	ssyncset.done $0x0  }
0xbb: {  	s19 =	rddreg [dreg:$0xd];
	[sflag:s25] =	ssyncadd.s32 $0xFFFFC000  }
0xbc: {  	[hbm4b:s19+s4] =	stream.linear.scatter [tilespmem:s4], [sflag:$0x7], $0x4000, $0x38;
	[tilespmem:$0x1FD80] =	vst v63  }
0xbd: {  	_ =	swait.ge [sflag:s25], $0x4000  }
0xbe: {  	[sflag:s25] =	ssyncset.done $0x0  }
0xbf: {  	[sflag:s25] =	ssyncadd.s32 $0xFFFFC000  }
0xc0: {  	[tilespmem:s4], [sflag:$0x7] =	stream.linear.gather [spmem:s7], $0x4000, $0x38;
	[tilespmem:$0x1FD80] =	vst v63  }
0xc1: {  	_ =	swait.ge [sflag:s25], $0x4000  }
0xc2: {  	[sflag:s25] =	ssyncset.done $0x0  }
0xc3: {  	s21 =	rddreg [dreg:$0xe];
	[sflag:s25] =	ssyncadd.s32 $0xFFFFC000  }
0xc4: {  	[hbm4b:s21+s4] =	stream.linear.scatter [tilespmem:s4], [sflag:$0x7], $0x4000, $0x38;
	[tilespmem:$0x1FD80] =	vst v63  }
0xc5: {  	_ =	swait.ge [sflag:s25], $0x4000  }
0xc6: {  	[sflag:s25] =	ssyncset.done $0x0  }
0xc7: {  	[sflag:s25] =	ssyncadd.s32 $0xFFFFC000  }
0xc8: {  	[tilespmem:s4], [sflag:$0x7] =	stream.linear.gather [spmem:s8], $0x4000, $0x38;
	[tilespmem:$0x1FD80] =	vst v63  }
0xc9: {  	_ =	swait.ge [sflag:s25], $0x4000  }
0xca: {  	[sflag:s25] =	ssyncset.done $0x0  }
0xcb: {  	s22 =	rddreg [dreg:$0xf];
	[sflag:s25] =	ssyncadd.s32 $0xFFFFC000  }
0xcc: {  	[hbm4b:s22+s4] =	stream.linear.scatter [tilespmem:s4], [sflag:$0x7], $0x4000, $0x38;
	[tilespmem:$0x1FD80] =	vst v63  }
0xcd: {  	_ =	swait.ge [sflag:s25], $0x4000  }
0xce: {  	[sflag:s25] =	ssyncset.done $0x0  }
0xcf: {  	[sflag:s25] =	ssyncadd.s32 $0xFFFFC000  }
0xd0: {  	[tilespmem:s4], [sflag:$0x7] =	stream.linear.gather [spmem:s9], $0x3C00, $0x38;
	[tilespmem:$0x1FD80] =	vst v63  }
0xd1: {  	_ =	swait.ge [sflag:s25], $0x3C00  }
0xd2: {  	[sflag:s25] =	ssyncset.done $0x0  }
0xd3: {  	s23 =	rddreg [dreg:$0x10];
	[sflag:s25] =	ssyncadd.s32 $0xFFFFC400  }
0xd4: {  	[hbm4b:s23+s4] =	stream.linear.scatter [tilespmem:s4], [sflag:$0x7], $0x3C00, $0x38;
	[tilespmem:$0x1FD80] =	vst v63  }
0xd5: {  	_ =	swait.ge [sflag:s25], $0x3C00  }
0xd6: {  	s15 =	sadd.s32 $0x1, s15;
	s24 =	rddreg [dreg:$0x11]  }
0xd7: {  	p2 =	sne.s32 s15, s24  }
.Ltmp1:
0xd8: {  	_ = 	snop;
	(pc) =	sbr.rel @p2 .LBB2_1-.Ltmp1, $3  }
0xd9: {  	_ =	sdelay $0x1  }
0xda: {  	[sflag:s25] =	ssyncset.done $0x0  }
0xdb: {  	[sflag:s25] =	ssyncadd.s32 $0xFFFFC400  }
0xdc: {  	_ =	sfence.sel $0x180000  }
0xdd: {  	[bflag:$0x0] =	sbarrier.arrive $0xFFFF  }
0xde: {  	_ =	strace $0x9000004A  }
0xdf: {  	s0 =	stileid.u32;
	[bflag:$0x2] =	sbarrier.arrive $0xFFFF  }
0xe0: {  	p0 =	sne.s32 s0, $0x0;
	s0 =	rddreg [dreg:$0x5]  }
0xe1: {  	s0 =	sadd.s32 @!p0 $0x100000, s0  }
0xe2: {  	[sflag:s0] =	ssyncadd.tile.s32 @!p0 $0x1;
	_ =	shalt  }
.Lfunc_end2:
_tile_overlayer_lowered:
.L_overlay_start_2:
0xe3: {  	(tag) =	ssettag $0x2  }
0xe4: {  	s0 =	rddreg [dreg:$0x0];
	s2 =	stileid.u32  }
0xe5: {  	s1 =	rddreg [dreg:$0x1];
	p0 =	sne.s32 s2, $0x0  }
0xe6: {  	s3 =	rddreg [dreg:$0x2];
	[bflag:$0x3] =	sbarrier.arrive $0xFFFF;
	s2 =	simm.s32 @!p0 $0x1C07  }
0xe7: {  	[timem:s3], [sflag:s2] =	dma.local @!p0 [hbm:s0], s1  }
0xe8: {  	s0 =	simm.s32 @!p0 $0x7  }
0xe9: {  	_ =	swait.ge @!p0 [sflag:s0], s1  }
0xea: {  	s1 =	ssub.s32 @!p0 $0x0, s1;
	[sflag:s0] =	ssyncset.done @!p0 $0x0  }
0xeb: {  	[sflag:s0] =	ssyncadd.s32 @!p0 s1  }
0xec: {  	[bflag:$0x3] =	sbarrier.arrive $0xFFFF  }
0xed: {  	_ =	shalt  }

// kernel: _sc_segment_sums.7.cloned.1.call-start
scs
__scs_entry_jumppad:
0x0: {  	(pc) =	sbr.rel $0x88, $3  }
0x1: {  	(tag) =	ssettag $0x0;
	lr =	simm.s32 $0x1  }
0x2: {  	[smem:$0x3F9B] =	sst lr;
	_ =	strace $0xD0000000  }
0x3: {  	_ = 	snop  }
0x4: {  	_ = 	snop  }
0x5: {  	_ = 	snop  }
0x6: {  	_ = 	snop  }
0x7: {  	_ = 	snop  }
__scs_overlays_trampoline_lowered:
0x8: {  	[smem:$0x3FAA] =	sst s0  }
0x9: {  	[smem:$0x3FAB] =	sst s1  }
0xa: {  	[smem:$0x3FAC] =	sst s2  }
0xb: {  	[smem:$0x3FAD] =	sst s3  }
0xc: {  	[smem:$0x3FAE] =	sst s4  }
0xd: {  	[smem:$0x3FAF] =	sst s5  }
0xe: {  	[smem:$0x3FB0] =	sst s6  }
0xf: {  	[smem:$0x3FB1] =	sst s7  }
0x10: {  	[smem:$0x3FB2] =	sst s8  }
0x11: {  	[smem:$0x3FB3] =	sst s9;
	s0 =	simm.s32 @!p0 $0x0  }
0x12: {  	s1 =	sld [smem:$0x3F99];
	s0 =	simm.s32 @p0 $0x1  }
0x13: {  	[smem:$0x3FB4] =	sst s0;
	s0 =	simm.s32 @!p1 $0x0  }
0x14: {  	s2 =	sld [smem:$0x3F98];
	s0 =	simm.s32 @p1 $0x1  }
0x15: {  	[smem:$0x3FB5] =	sst s0;
	s0 =	simm.s32 @!p2 $0x0  }
0x16: {  	s3 =	sld [smem:$0x3FDB];
	s0 =	simm.s32 @p2 $0x1  }
0x17: {  	s4 =	simm.s32 $0x1BF5;
	[smem:$0x3FB7] =	sst s0  }
0x18: {  	s0 =	sld [smem:$0x3F9A];
	_ =	swait.ge [sflag:s4], $0x0  }
0x19: {  	s7 =	sld [smem:$0x3F9B]  }
0x1a: {  	s8 =	sadd.s32 $0xFFFFE003, lr  }
0x1b: {  	s9 =	sadd.s32 $0xFFFFFEF7, lr;
	s5 =	simm.s32 $0xFFFFFFFF;
	p2 =	slt.u32 s8, $0xFFFFF086  }
0x1c: {  	p1 =	slt.u32 s9, $0xF7A;
	s5 =	simm.s32 @!p2 $0x0  }
0x1d: {  	s5 =	simm.s32 @p1 $0x1;
	p0 =	seq.s32 s7, s2  }
0x1e: {  	s7 =	smul.u32 @!p0 $0xF7A, s2;
	p2 =	seq.s32 @!p0 s5, $0x0  }
0x1f: {  	s9 =	smul.u32 $0xF7A, s1;
	s8 =	simm.s32 @!p0 $0x1BF5;
	p2 =	por !p2, p0  }
0x20: {  	[sflag:s8] =	ssyncset.s32 @!p0 $0xFFFFF086;
	s6 =	sadd.s32 @!p0 s3, s7;
	s7 =	simm.s32 @!p0 $0x108  }
0x21: {  	s3 =	sadd.s32 s3, s9;
	s6 =	sadd.s32 @!p0 $0x88, s6;
	s7 =	simm.s32 @p2 $0x1082  }
0x22: {  	[simem:s7], [sflag:s8] =	dma.local @!p0 [hbm:s6], $0xF7A  }
0x23: {  	s9 =	sor.u32 $0xD0000000, s2;
	s6 =	simm.s32 $0x108;
	_ =	swait.ge @!p0 [sflag:s8], $0x0  }
0x24: {  	s3 =	sadd.s32 $0x88, s3;
	s6 =	simm.s32 @!p1 $0x1082;
	[sflag:s4] =	ssyncset.s32 $0xFFFFF086  }
0x25: {  	[simem:s6], [sflag:s4] =	dma.local [hbm:s3], $0xF7A  }
0x26: {  	[smem:$0x3F9B] =	sst s1;
	(tag) =	ssettag s2;
	_ =	strace s9  }
0x27: {  	s1 =	sld [smem:$0x3FAB]  }
0x28: {  	s2 =	sld [smem:$0x3FAC]  }
0x29: {  	s4 =	sld [smem:$0x3FAE]  }
0x2a: {  	p0 =	seq.s32 s5, $0x0;
	s5 =	sld [smem:$0x3FAF]  }
0x2b: {  	s6 =	sld [smem:$0x3FB0]  }
0x2c: {  	s7 =	sld [smem:$0x3FB1]  }
0x2d: {  	s3 =	simm.s32 $0x108;
	s8 =	sld [smem:$0x3FB2]  }
0x2e: {  	s3 =	simm.s32 @!p0 $0x1082;
	s9 =	sld [smem:$0x3FB3]  }
0x2f: {  	lr =	sadd.s32 s0, s3;
	s0 =	sld [smem:$0x3FAA]  }
0x30: {  	s3 =	sld [smem:$0x3FAD]  }
0x31: {  	[smem:$0x3FB6] =	sst s10  }
0x32: {  	s10 =	sld [smem:$0x3FB4];
	_ =	sdelay $0x3  }
0x33: {  	p0 =	seq.s32 s10, $0x1;
	s10 =	sld [smem:$0x3FB6];
	_ =	sdelay $0x3  }
0x34: {  	[smem:$0x3FB6] =	sst s10  }
0x35: {  	s10 =	sld [smem:$0x3FB5];
	_ =	sdelay $0x3  }
0x36: {  	p1 =	seq.s32 s10, $0x1;
	s10 =	sld [smem:$0x3FB6];
	_ =	sdelay $0x3  }
0x37: {  	[smem:$0x3FB6] =	sst s10  }
0x38: {  	s10 =	sld [smem:$0x3FB7]  }
0x39: {  	_ = 	snop;
	(pc) =	sbr.ind lr, $3  }
0x3a: {  	_ = 	snop  }
0x3b: {  	_ = 	snop  }
0x3c: {  	p2 =	seq.s32 s10, $0x1;
	s10 =	sld [smem:$0x3FB6]  }
0x3d: {  	_ =	shalt  }
0x3e: {  	_ =	shalt  }
0x3f: {  	_ =	shalt  }
0x40: {  	_ =	shalt  }
0x41: {  	_ =	shalt  }
0x42: {  	_ =	shalt  }
0x43: {  	_ =	shalt  }
0x44: {  	_ =	shalt  }
0x45: {  	_ =	shalt  }
0x46: {  	_ =	shalt  }
0x47: {  	_ =	shalt  }
0x48: {  	_ =	shalt  }
0x49: {  	_ =	shalt  }
0x4a: {  	_ =	shalt  }
0x4b: {  	_ =	shalt  }
0x4c: {  	_ =	shalt  }
0x4d: {  	_ =	shalt  }
0x4e: {  	_ =	shalt  }
0x4f: {  	_ =	shalt  }
0x50: {  	_ =	shalt  }
0x51: {  	_ =	shalt  }
0x52: {  	_ =	shalt  }
0x53: {  	_ =	shalt  }
0x54: {  	_ =	shalt  }
0x55: {  	_ =	shalt  }
0x56: {  	_ =	shalt  }
0x57: {  	_ =	shalt  }
0x58: {  	_ =	shalt  }
0x59: {  	_ =	shalt  }
0x5a: {  	_ =	shalt  }
0x5b: {  	_ =	shalt  }
0x5c: {  	_ =	shalt  }
0x5d: {  	_ =	shalt  }
0x5e: {  	_ =	shalt  }
0x5f: {  	_ =	shalt  }
0x60: {  	_ =	shalt  }
0x61: {  	_ =	shalt  }
0x62: {  	_ =	shalt  }
0x63: {  	_ =	shalt  }
0x64: {  	_ =	shalt  }
0x65: {  	_ =	shalt  }
0x66: {  	_ =	shalt  }
0x67: {  	_ =	shalt  }
0x68: {  	_ =	shalt  }
0x69: {  	_ =	shalt  }
0x6a: {  	_ =	shalt  }
0x6b: {  	_ =	shalt  }
0x6c: {  	_ =	shalt  }
0x6d: {  	_ =	shalt  }
0x6e: {  	_ =	shalt  }
0x6f: {  	_ =	shalt  }
0x70: {  	_ =	shalt  }
0x71: {  	_ =	shalt  }
0x72: {  	_ =	shalt  }
0x73: {  	_ =	shalt  }
0x74: {  	_ =	shalt  }
0x75: {  	_ =	shalt  }
0x76: {  	_ =	shalt  }
0x77: {  	_ =	shalt  }
0x78: {  	_ =	shalt  }
0x79: {  	_ =	shalt  }
0x7a: {  	_ =	shalt  }
0x7b: {  	_ =	shalt  }
0x7c: {  	_ =	shalt  }
0x7d: {  	_ =	shalt  }
0x7e: {  	_ =	shalt  }
0x7f: {  	_ =	shalt  }
0x80: {  	_ =	shalt  }
0x81: {  	_ =	shalt  }
0x82: {  	_ =	shalt  }
0x83: {  	_ =	shalt  }
0x84: {  	_ =	shalt  }
0x85: {  	_ =	shalt  }
0x86: {  	_ =	shalt  }
0x87: {  	_ =	shalt  }
.Lfunc_end0:
.L_simem_size_0:
called_computation.1_lowered:
.L_overlay_start_0:
0x88: {  	s2 =	sld [smem:$0x3FD9]  }
0x89: {  	s3 =	sld [smem:$0x3FFE];
	_ =	sdelay $0x1  }
0x8a: {  	s1 =	srdreg.scid  }
0x8b: {  	s0 =	sand.u32 $0x1, s1  }
0x8c: {  	s14 =	sshll.u32 s0, $0xA;
	s2 =	sadd.s32 s3, s2  }
0x8d: {  	s2 =	sadd.s32 s2, s14  }
0x8e: {  	[smem:$0x3FC2] =	sst s2  }
0x8f: {  	_ = 	snop  }
0x90: {  	s2 =	sld [smem:$0x3FD0];
	_ =	sdelay $0x2  }
0x91: {  	s4 =	simm.s32 $0xB;
	s5 =	simm.s32 $0x10;
	s15 =	sld [smem:$0x3FC7]  }
0x92: {  	[smem:s5], [sflag:s4] =	dma.local [hbm:s2], $0x1  }
0x93: {  	_ =	swait.eq [sflag:s4], $0x1  }
0x94: {  	[sflag:s4] =	ssyncset.done $0x0  }
0x95: {  	[sflag:s4] =	ssyncadd.s32 $0xFFFFFFFF  }
0x96: {  	s16 =	sld [smem:$0x11];
	(tm) =	ssettm $0x1  }
0x97: {  	s17 =	sld [smem:$0x3FFB];
	_ =	sdelay $0x3  }
0x98: {  	_ =	strace s17  }
0x99: {  	s4 =	sld [smem:$0x3FFC];
	_ =	sdelay $0x3  }
0x9a: {  	_ =	strace s4  }
0x9b: {  	s4 =	sld [smem:$0x3FFD];
	_ =	sdelay $0x3  }
0x9c: {  	_ =	strace s4  }
0x9d: {  	_ =	strace $0x8FFFFFFF  }
0x9e: {  	s18 =	sld [smem:$0x3FDB];
	_ =	sdelay $0x1  }
0x9f: {  	s19 =	simm.s32 $_scs_section_size  }
0xa0: {  	s6 =	simm.s32 $_size__tile_overlayer_lowered;
	s7 =	simm.s32 $_tile_overlayer_lowered  }
0xa1: {  	s22 =	simm.s32 $0x1BFF;
	s21 =	sshll.u32 s7, $0x1;
	s4 =	sadd.s32 s19, s18  }
0xa2: {  	s8 =	simm.s32 $0x0;
	s20 =	sshll.u32 s6, $0x1;
	s6 =	sadd.s32 s21, s4  }
0xa3: {  	[timem:s8], [sflag:s22] =	dma.local [hbm:s6], s20  }
0xa4: {  	_ =	swait.ge [sflag:s22], s20  }
0xa5: {  	s5 =	ssub.s32 $0x0, s20;
	[sflag:s22] =	ssyncset.done $0x0  }
0xa6: {  	[sflag:s22] =	ssyncadd.s32 s5;
	_ =	sdelay $0x1  }
0xa7: {  	s23 =	simm.s32 $0x1B8B  }
0xa8: {  	_ =	swait.ge [sflag:s23], $0x1  }
0xa9: {  	[sflag:s23] =	ssyncset.done $0x0  }
0xaa: {  	s25 =	simm.s32 $0x1B8E;
	s24 =	sld [smem:$0x3FFE];
	[sflag:s23] =	ssyncadd.s32 $0xFFFFFFFF  }
0xab: {  	s26 =	simm.s32 $execute0_lowered;
	[smem:$0x3FD2] =	sst s25  }
0xac: {  	s6 =	sshll.u32 s26, $0x1;
	_ =	strace $0x80000046;
	[dreg:$0x1] =	wrdreg $0xFFFFFFFF  }
0xad: {  	s28 =	simm.s32 $_size_execute0_lowered;
	s4 =	sadd.s32 s4, s6;
	[dreg:$0x0] =	wrdreg $0x0  }
0xae: {  	s6 =	sshll.u32 s28, $0x1;
	[dreg:$0x2] =	wrdreg s4  }
0xaf: {  	[dreg:$0x3] =	wrdreg s6  }
0xb0: {  	[dreg:$0x4] =	wrdreg $0xC0  }
0xb1: {  	_ =	task [dreg:s8], $0x5FFFF  }
0xb2: {  	[dreg:$0x1] =	wrdreg $0xFFFFFFFF  }
0xb3: {  	[dreg:$0x0] =	wrdreg $0x60  }
0xb4: {  	[dreg:$0x2] =	wrdreg s15  }
0xb5: {  	[dreg:$0x3] =	wrdreg s16  }
0xb6: {  	[dreg:$0x4] =	wrdreg s24  }
0xb7: {  	[dreg:$0x5] =	wrdreg $0x48000  }
0xb8: {  	[dreg:$0x6] =	wrdreg $0xA  }
0xb9: {  	_ =	task.clear_ibuf [dreg:s8], $0x7FFFF;
	_ =	strace $0x90000046  }
0xba: {  	s29 =	simm.s32 $0xA;
	_ =	strace $0x80000048  }
0xbb: {  	_ =	swait.ge [sflag:s29], $0x1  }
0xbc: {  	[sflag:s29] =	ssyncadd.s32 $0xFFFFFFFF  }
0xbd: {  	_ =	strace $0x90000048  }
0xbe: {  	_ =	sfence  }
0xbf: {  	s30 =	sld [smem:$0x0];
	_ =	sdelay $0x2  }
0xc0: {  	s31 =	sshll.u32 s1, $0xD;
	s1 =	sshrl.u32 s1, $0x2  }
0xc1: {  	s3 =	sand.u32 $0x4000, s31;
	s1 =	sadd.s32 s1, s30  }
0xc2: {  	s0 =	sor.u32 s3, s0;
	s1 =	sshll.u32 s1, $0x11  }
0xc3: {  	s0 =	sor.u32 s1, s0  }
0xc4: {  	s0 =	sadd.s32 $0x8F2B, s0  }
0xc5: {  	[sflag:s0] =	ssyncadd.remote.s32 $0x1  }
0xc6: {  	_ =	sfence.sel $0xFFFF  }
0xc7: {  	[dreg:$0x0] =	wrdreg $0xFFFFFFFF;
	(pc) =	sbr.abs _section_cstart, $3  }
0xc8: {  	[dreg:$0x1] =	wrdreg $0xFFFFFFFF  }
0xc9: {  	_ =	task.clear_ibuf [dreg:s8], $0x2FFFF;
	_ =	strace $0x9FFFFFFF  }
0xca: {  	(tm) =	ssettm $0x7FFFFFFF  }
0xcb: {  	_ =	shalt  }
tec
execute0_lowered:
.L_overlay_start_1:
0x0: {  	(tag) =	ssettag $0x1  }
0x1: {  	s0 =	rddreg [dreg:$0x0]  }
0x2: {  	s1 =	rddreg [dreg:$0x2];
	s2 =	srdreg.scid  }
0x3: {  	s8 =	stileid.u32;
	s3 =	rddreg [dreg:$0x3]  }
0x4: {  	s4 =	simm.s32 $0x0;
	s28 =	simm.s32 $0x4100;
	s29 =	simm.s32 $0x4180  }
0x5: {  	s30 =	simm.s32 $0x4200;
	s31 =	simm.s32 $0x4280;
	s12 =	simm.s32 $0x4500  }
0x6: {  	s13 =	simm.s32 $0x4580;
	s14 =	simm.s32 $0x4600;
	s15 =	simm.s32 $0x4680  }
0x7: {  	s16 =	simm.s32 $0x4700;
	s2 =	sand.u32 $0x1, s2;
	s5 =	smul.u32 $0x278, s8  }
0x8: {  	[smem:$0x7FF] =	sst s4;
	s18 =	smul.u32 $0x4F000, s8;
	s10 =	sshll.u32 s8, $0x7  }
0x9: {  	s6 =	smul.u32 $0x2780, s2;
	s19 =	ssub.s32 $0x2, s2;
	s2 =	sshll.u32 s2, $0xB  }
0xa: {  	s7 =	sadd.s32 $0x800, s1;
	_ =	strace $0x80000047;
	s21 =	sor.u32 s10, s2  }
0xb: {  	[dreg:$0x5] =	wrdreg s7;
	s5 =	sadd.s32 s5, s6;
	s7 =	sadd.s32 s0, s21  }
0xc: {  	s6 =	sshrl.u32 s18, $0x2;
	[dreg:$0x9] =	wrdreg s7;
	s7 =	sadd.s32 $0x1000, s7  }
0xd: {  	s17 =	simm.s32 $0x4;
	s9 =	sadd.s32 s6, s3;
	[dreg:$0xb] =	wrdreg s7  }
0xe: {  	s20 =	sshrl.u32 s19, $0x1;
	s7 =	simm.s32 $0x0;
	[dreg:$0x13] =	wrdreg s9  }
0xf: {  	s0 =	sadd.s32 s2, s0;
	s8 =	sadd.s32 $0x4000, s9;
	[dreg:$0x12] =	wrdreg s7  }
0x10: {  	s21 =	simm.s32 $0x3;
	s11 =	sadd.s32 $0x8000, s9;
	[dreg:$0x6] =	wrdreg s8  }
0x11: {  	s5 =	sshll.u32 s5, $0x4;
	s6 =	sadd.s32 $0xC000, s9;
	[dreg:$0x7] =	wrdreg s11  }
0x12: {  	s1 =	sadd.s32 s5, s1;
	s18 =	sadd.s32 $0x10000, s9;
	[dreg:$0x8] =	wrdreg s6  }
0x13: {  	s2 =	simm.s32 $0x4300;
	s22 =	sadd.s32 $0x1000, s1;
	[dreg:$0xa] =	wrdreg s18  }
0x14: {  	s5 =	ssub.s32 s19, s20;
	s23 =	sadd.s32 $0x1800, s1;
	[dreg:$0xc] =	wrdreg s22  }
0x15: {  	s19 =	sadd.s32 s10, s0;
	s24 =	sadd.s32 $0x2000, s1;
	[dreg:$0xd] =	wrdreg s23  }
0x16: {  	s20 =	simm.s32 $0x5;
	s25 =	sadd.s32 $0x2800, s1;
	[dreg:$0xe] =	wrdreg s24  }
.Ltmp0:
0x17: {  	s1 =	sadd.s32 $0x3000, s1;
	[dreg:$0xf] =	wrdreg s25;
	(pc) =	sbr.rel .LBB2_1-.Ltmp0, $4  }
0x18: {  	s0 =	simm.s32 $0x4380;
	s26 =	smax.u32 s5, $0x1;
	[dreg:$0x10] =	wrdreg s1  }
0x19: {  	s10 =	simm.s32 $0x4780;
	s5 =	simm.s32 $0x4480;
	[dreg:$0x11] =	wrdreg s26  }
0x1a: {  	s22 =	simm.s32 $0x4000;
	s23 =	simm.s32 $0x4400;
	s24 =	simm.s32 $0x1  }
0x1b: {  	s25 =	simm.s32 $0x80;
	s26 =	simm.s32 $0x4080;
	s1 =	simm.s32 $0x2  }
.LBB2_4:
0x1c: {  	[bflag:$0x0] =	sbarrier.arrive $0xFFFF  }
0x1d: {  	[tilespmem:s4], [sflag:$0x5] =	stream.linear.gather [spmem:s6], $0x4000, $0x38;
	[tilespmem:$0x6F80] =	vst v63  }
0x1e: {  	_ =	swait.ge [sflag:s20], $0x4000  }
0x1f: {  	[sflag:s20] =	ssyncset.done $0x0  }
0x20: {  	s11 =	rddreg [dreg:$0xc];
	[sflag:s20] =	ssyncadd.s32 $0xFFFFC000  }
0x21: {  	[hbm4b:s11+s4] =	stream.linear.scatter [tilespmem:s4], [sflag:$0x5], $0x4000, $0x38;
	[tilespmem:$0x6F80] =	vst v63  }
0x22: {  	_ =	swait.ge [sflag:s20], $0x4000  }
0x23: {  	[sflag:s20] =	ssyncset.done $0x0  }
0x24: {  	s8 =	rddreg [dreg:$0x6];
	[sflag:s20] =	ssyncadd.s32 $0xFFFFC000  }
0x25: {  	[tilespmem:s4], [sflag:$0x5] =	stream.linear.gather [spmem:s8], $0x4000, $0x38;
	[tilespmem:$0x6F80] =	vst v63  }
0x26: {  	_ =	swait.ge [sflag:s20], $0x4000  }
0x27: {  	[sflag:s20] =	ssyncset.done $0x0  }
0x28: {  	s18 =	rddreg [dreg:$0xd];
	[sflag:s20] =	ssyncadd.s32 $0xFFFFC000  }
0x29: {  	[hbm4b:s18+s4] =	stream.linear.scatter [tilespmem:s4], [sflag:$0x5], $0x4000, $0x38;
	[tilespmem:$0x6F80] =	vst v63  }
0x2a: {  	_ =	swait.ge [sflag:s20], $0x4000  }
0x2b: {  	[sflag:s20] =	ssyncset.done $0x0  }
0x2c: {  	s11 =	rddreg [dreg:$0x7];
	[sflag:s20] =	ssyncadd.s32 $0xFFFFC000  }
0x2d: {  	[tilespmem:s4], [sflag:$0x5] =	stream.linear.gather [spmem:s11], $0x4000, $0x38;
	[tilespmem:$0x6F80] =	vst v63  }
0x2e: {  	_ =	swait.ge [sflag:s20], $0x4000  }
0x2f: {  	[sflag:s20] =	ssyncset.done $0x0  }
0x30: {  	s7 =	rddreg [dreg:$0xe];
	[sflag:s20] =	ssyncadd.s32 $0xFFFFC000  }
0x31: {  	[hbm4b:s7+s4] =	stream.linear.scatter [tilespmem:s4], [sflag:$0x5], $0x4000, $0x38;
	[tilespmem:$0x6F80] =	vst v63  }
0x32: {  	_ =	swait.ge [sflag:s20], $0x4000  }
0x33: {  	[sflag:s20] =	ssyncset.done $0x0  }
0x34: {  	s6 =	rddreg [dreg:$0x8];
	[sflag:s20] =	ssyncadd.s32 $0xFFFFC000  }
0x35: {  	[tilespmem:s4], [sflag:$0x5] =	stream.linear.gather [spmem:s6], $0x4000, $0x38;
	[tilespmem:$0x6F80] =	vst v63  }
0x36: {  	_ =	swait.ge [sflag:s20], $0x4000  }
0x37: {  	[sflag:s20] =	ssyncset.done $0x0  }
0x38: {  	s7 =	rddreg [dreg:$0xf];
	[sflag:s20] =	ssyncadd.s32 $0xFFFFC000  }
0x39: {  	[hbm4b:s7+s4] =	stream.linear.scatter [tilespmem:s4], [sflag:$0x5], $0x4000, $0x38;
	[tilespmem:$0x6F80] =	vst v63  }
0x3a: {  	_ =	swait.ge [sflag:s20], $0x4000  }
0x3b: {  	[sflag:s20] =	ssyncset.done $0x0  }
0x3c: {  	s18 =	rddreg [dreg:$0xa];
	[sflag:s20] =	ssyncadd.s32 $0xFFFFC000  }
0x3d: {  	[tilespmem:s4], [sflag:$0x5] =	stream.linear.gather [spmem:s18], $0x3C00, $0x38;
	[tilespmem:$0x6F80] =	vst v63  }
0x3e: {  	_ =	swait.ge [sflag:s20], $0x3C00  }
0x3f: {  	[sflag:s20] =	ssyncset.done $0x0  }
0x40: {  	s9 =	rddreg [dreg:$0x10];
	[sflag:s20] =	ssyncadd.s32 $0xFFFFC400  }
0x41: {  	[hbm4b:s9+s4] =	stream.linear.scatter [tilespmem:s4], [sflag:$0x5], $0x3C00, $0x38;
	[tilespmem:$0x6F80] =	vst v63  }
0x42: {  	_ =	swait.ge [sflag:s20], $0x3C00  }
0x43: {  	s9 =	rddreg [dreg:$0x12]  }
0x44: {  	s7 =	rddreg [dreg:$0x11];
	s9 =	sadd.s32 $0x1, s9  }
0x45: {  	p0 =	sne.s32 s9, s7  }
.Ltmp1:
0x46: {  	_ = 	snop;
	(pc) =	sbr.rel @!p0 .LBB2_5-.Ltmp1, $3  }
0x47: {  	_ =	sdelay $0x1  }
0x48: {  	[sflag:s20] =	ssyncset.done $0x0;
	[dreg:$0x12] =	wrdreg s9  }
0x49: {  	[sflag:s20] =	ssyncadd.s32 $0xFFFFC400;
	s9 =	rddreg [dreg:$0x13]  }
.LBB2_1:
0x4a: {  	s7 =	rddreg [dreg:$0x1]  }
0x4b: {  	[tilespmem:s4], [sflag:$0x5] =	stream.linear.gather [hbm4b:s7+s4], $0x4000, $0x38;
	[tilespmem:$0x6F80] =	vst v63  }
0x4c: {  	_ =	swait.ge [sflag:s20], $0x4000  }
0x4d: {  	[sflag:s20] =	ssyncset.done $0x0  }
0x4e: {  	[sflag:s20] =	ssyncadd.s32 $0xFFFFC000  }
0x4f: {  	[spmem:s9] =	stream.linear.scatter [tilespmem:s4], [sflag:$0x3], $0x4000, $0x38;
	[tilespmem:$0x6F80] =	vst v63  }
0x50: {  	_ = 	snop  }
0x51: {  	[spmem:s8] =	stream.linear.scatter [tilespmem:s4], [sflag:$0x3], $0x4000, $0x38;
	[tilespmem:$0x6F80] =	vst v63  }
0x52: {  	_ = 	snop  }
0x53: {  	[spmem:s11] =	stream.linear.scatter [tilespmem:s4], [sflag:$0x3], $0x4000, $0x38;
	[tilespmem:$0x6F80] =	vst v63  }
0x54: {  	s7 =	smov.u32 s6  }
0x55: {  	[spmem:s7] =	stream.linear.scatter [tilespmem:s4], [sflag:$0x3], $0x4000, $0x38;
	[tilespmem:$0x6F80] =	vst v63  }
0x56: {  	_ = 	snop  }
0x57: {  	[spmem:s18] =	stream.linear.scatter [tilespmem:s4], [sflag:$0x3], $0x3C00, $0x38;
	[tilespmem:$0x6F80] =	vst v63  }
0x58: {  	_ =	swait.ge [sflag:s21], $0x4000  }
0x59: {  	[sflag:s21] =	ssyncset.done $0x0  }
0x5a: {  	[sflag:s21] =	ssyncadd.s32 $0xFFFFC000  }
0x5b: {  	_ =	swait.ge [sflag:s21], $0x4000  }
0x5c: {  	[sflag:s21] =	ssyncset.done $0x0  }
0x5d: {  	[sflag:s21] =	ssyncadd.s32 $0xFFFFC000  }
0x5e: {  	_ =	swait.ge [sflag:s21], $0x4000  }
0x5f: {  	[sflag:s21] =	ssyncset.done $0x0  }
0x60: {  	[sflag:s21] =	ssyncadd.s32 $0xFFFFC000  }
0x61: {  	_ =	swait.ge [sflag:s21], $0x4000  }
0x62: {  	[sflag:s21] =	ssyncset.done $0x0  }
0x63: {  	[sflag:s21] =	ssyncadd.s32 $0xFFFFC000  }
0x64: {  	_ =	swait.ge [sflag:s21], $0x3C00  }
0x65: {  	[sflag:s21] =	ssyncset.done $0x0  }
0x66: {  	s6 =	smov.u32 s9;
	s9 =	rddreg [dreg:$0x5];
	[sflag:s21] =	ssyncadd.s32 $0xFFFFC400  }
0x67: {  	[tilespmem:s4], [sflag:$0x5] =	stream.linear.gather [hbm4b:s9+s4], $0x4000, $0x38;
	[tilespmem:$0x6F80] =	vst v63  }
0x68: {  	_ =	swait.ge [sflag:s20], $0x4000  }
0x69: {  	[sflag:s20] =	ssyncset.done $0x0  }
0x6a: {  	[sflag:s20] =	ssyncadd.s32 $0xFFFFC000  }
0x6b: {  	[bflag:$0x0] =	sbarrier.arrive $0xFFFF  }
0x6c: {  	s11 =	rddreg [dreg:$0x9]  }
0x6d: {  	[tilespmem:s22], [sflag:$0x1] =	stream.linear.gather [hbm4b:s11+s4], $0x400, $0x38;
	[tilespmem:$0x6F80] =	vst v63  }
0x6e: {  	s7 =	simm.s32 $0xFFFF8000;
	s18 =	rddreg [dreg:$0xb]  }
0x6f: {  	[tilespmem:s23], [sflag:$0x2] =	stream.linear.gather [hbm4b:s18+s4], $0x400, $0x38;
	[tilespmem:$0x6F80] =	vst v63  }
.LBB2_2:
0x70: {  	_ =	swait.ge [sflag:s24], $0x400  }
0x71: {  	[sflag:s24] =	ssyncset.done $0x0  }
0x72: {  	[sflag:s24] =	ssyncadd.s32 $0xFFFFFC00  }
0x73: {  	[spmem:s3] =	stream.indirect.scatter.add.f32 [tilespmem:s4], [sflag:$0x3], $0x10, s22, s25, $0xb8;
	[tilespmem:$0x6F80] =	vst v63  }
0x74: {  	_ = 	snop  }
0x75: {  	[spmem:s3] =	stream.indirect.scatter.add.f32 [tilespmem:s4], [sflag:$0x3], $0x10, s26, s25, $0xb8;
	[tilespmem:$0x6F80] =	vst v63  }
0x76: {  	_ = 	snop  }
0x77: {  	[spmem:s3] =	stream.indirect.scatter.add.f32 [tilespmem:s4], [sflag:$0x3], $0x10, s28, s25, $0xb8;
	[tilespmem:$0x6F80] =	vst v63  }
0x78: {  	_ = 	snop  }
0x79: {  	[spmem:s3] =	stream.indirect.scatter.add.f32 [tilespmem:s4], [sflag:$0x3], $0x10, s29, s25, $0xb8;
	[tilespmem:$0x6F80] =	vst v63  }
0x7a: {  	_ = 	snop  }
0x7b: {  	[spmem:s3] =	stream.indirect.scatter.add.f32 [tilespmem:s4], [sflag:$0x3], $0x10, s30, s25, $0xb8;
	[tilespmem:$0x6F80] =	vst v63  }
0x7c: {  	_ = 	snop  }
0x7d: {  	[spmem:s3] =	stream.indirect.scatter.add.f32 [tilespmem:s4], [sflag:$0x3], $0x10, s31, s25, $0xb8;
	[tilespmem:$0x6F80] =	vst v63  }
0x7e: {  	_ = 	snop  }
0x7f: {  	[spmem:s3] =	stream.indirect.scatter.add.f32 [tilespmem:s4], [sflag:$0x3], $0x10, s2, s25, $0xb8;
	[tilespmem:$0x6F80] =	vst v63  }
0x80: {  	_ = 	snop  }
0x81: {  	[spmem:s3] =	stream.indirect.scatter.add.f32 [tilespmem:s4], [sflag:$0x3], $0x10, s0, s25, $0xb8;
	[tilespmem:$0x6F80] =	vst v63  }
0x82: {  	_ =	swait.ge [sflag:s21], $0x800  }
0x83: {  	[sflag:s21] =	ssyncset.done $0x0  }
0x84: {  	[sflag:s21] =	ssyncadd.s32 $0xFFFFF800  }
0x85: {  	_ =	swait.ge [sflag:s21], $0x800  }
0x86: {  	[sflag:s21] =	ssyncset.done $0x0  }
0x87: {  	[sflag:s21] =	ssyncadd.s32 $0xFFFFF800  }
0x88: {  	_ =	swait.ge [sflag:s21], $0x800  }
0x89: {  	[sflag:s21] =	ssyncset.done $0x0  }
0x8a: {  	[sflag:s21] =	ssyncadd.s32 $0xFFFFF800  }
0x8b: {  	_ =	swait.ge [sflag:s21], $0x800  }
0x8c: {  	[sflag:s21] =	ssyncset.done $0x0  }
0x8d: {  	[sflag:s21] =	ssyncadd.s32 $0xFFFFF800  }
0x8e: {  	_ =	swait.ge [sflag:s21], $0x800  }
0x8f: {  	[sflag:s21] =	ssyncset.done $0x0  }
0x90: {  	[sflag:s21] =	ssyncadd.s32 $0xFFFFF800  }
0x91: {  	_ =	swait.ge [sflag:s21], $0x800  }
0x92: {  	[sflag:s21] =	ssyncset.done $0x0  }
0x93: {  	[sflag:s21] =	ssyncadd.s32 $0xFFFFF800  }
0x94: {  	_ =	swait.ge [sflag:s21], $0x800  }
0x95: {  	[sflag:s21] =	ssyncset.done $0x0  }
0x96: {  	[sflag:s21] =	ssyncadd.s32 $0xFFFFF800  }
0x97: {  	p0 =	seq.s32 s7, $0x0;
	_ =	swait.ge [sflag:s21], $0x800  }
0x98: {  	s8 =	sadd.s32 @!p0 s7, s19;
	s9 =	simm.s32 @!p0 $0x0;
	[sflag:s21] =	ssyncset.done $0x0  }
0x99: {  	s11 =	simm.s32 @!p0 $0x4000;
	s8 =	sadd.s32 @!p0 $0xA000, s8;
	[sflag:s21] =	ssyncadd.s32 $0xFFFFF800  }
0x9a: {  	[tilespmem:s11], [sflag:$0x1] =	stream.linear.gather @!p0 [hbm4b:s8+s9], $0x400, $0x38;
	[tilespmem:$0x6F80] =	vst v63  }
0x9b: {  	_ =	swait.ge [sflag:s1], $0x400  }
0x9c: {  	[sflag:s1] =	ssyncset.done $0x0  }
0x9d: {  	[sflag:s1] =	ssyncadd.s32 $0xFFFFFC00  }
0x9e: {  	[spmem:s3] =	stream.indirect.scatter.add.f32 [tilespmem:s4], [sflag:$0x4], $0x10, s23, s25, $0xb8;
	[tilespmem:$0x6F80] =	vst v63  }
0x9f: {  	_ = 	snop  }
0xa0: {  	[spmem:s3] =	stream.indirect.scatter.add.f32 [tilespmem:s4], [sflag:$0x4], $0x10, s5, s25, $0xb8;
	[tilespmem:$0x6F80] =	vst v63  }
0xa1: {  	_ = 	snop  }
0xa2: {  	[spmem:s3] =	stream.indirect.scatter.add.f32 [tilespmem:s4], [sflag:$0x4], $0x10, s12, s25, $0xb8;
	[tilespmem:$0x6F80] =	vst v63  }
0xa3: {  	_ = 	snop  }
0xa4: {  	[spmem:s3] =	stream.indirect.scatter.add.f32 [tilespmem:s4], [sflag:$0x4], $0x10, s13, s25, $0xb8;
	[tilespmem:$0x6F80] =	vst v63  }
0xa5: {  	_ = 	snop  }
0xa6: {  	[spmem:s3] =	stream.indirect.scatter.add.f32 [tilespmem:s4], [sflag:$0x4], $0x10, s14, s25, $0xb8;
	[tilespmem:$0x6F80] =	vst v63  }
0xa7: {  	_ = 	snop  }
0xa8: {  	[spmem:s3] =	stream.indirect.scatter.add.f32 [tilespmem:s4], [sflag:$0x4], $0x10, s15, s25, $0xb8;
	[tilespmem:$0x6F80] =	vst v63  }
0xa9: {  	_ = 	snop  }
0xaa: {  	[spmem:s3] =	stream.indirect.scatter.add.f32 [tilespmem:s4], [sflag:$0x4], $0x10, s16, s25, $0xb8;
	[tilespmem:$0x6F80] =	vst v63  }
0xab: {  	_ = 	snop  }
0xac: {  	[spmem:s3] =	stream.indirect.scatter.add.f32 [tilespmem:s4], [sflag:$0x4], $0x10, s10, s25, $0xb8;
	[tilespmem:$0x6F80] =	vst v63  }
0xad: {  	_ =	swait.ge [sflag:s17], $0x800  }
0xae: {  	[sflag:s17] =	ssyncset.done $0x0  }
0xaf: {  	[sflag:s17] =	ssyncadd.s32 $0xFFFFF800  }
0xb0: {  	_ =	swait.ge [sflag:s17], $0x800  }
0xb1: {  	[sflag:s17] =	ssyncset.done $0x0  }
0xb2: {  	[sflag:s17] =	ssyncadd.s32 $0xFFFFF800  }
0xb3: {  	_ =	swait.ge [sflag:s17], $0x800  }
0xb4: {  	[sflag:s17] =	ssyncset.done $0x0  }
0xb5: {  	[sflag:s17] =	ssyncadd.s32 $0xFFFFF800  }
0xb6: {  	_ =	swait.ge [sflag:s17], $0x800  }
0xb7: {  	[sflag:s17] =	ssyncset.done $0x0  }
0xb8: {  	[sflag:s17] =	ssyncadd.s32 $0xFFFFF800  }
0xb9: {  	_ =	swait.ge [sflag:s17], $0x800  }
0xba: {  	[sflag:s17] =	ssyncset.done $0x0  }
0xbb: {  	[sflag:s17] =	ssyncadd.s32 $0xFFFFF800  }
0xbc: {  	_ =	swait.ge [sflag:s17], $0x800  }
0xbd: {  	[sflag:s17] =	ssyncset.done $0x0  }
0xbe: {  	[sflag:s17] =	ssyncadd.s32 $0xFFFFF800  }
0xbf: {  	_ =	swait.ge [sflag:s17], $0x800  }
.Ltmp2:
0xc0: {  	[sflag:s17] =	ssyncset.done $0x0;
	(pc) =	sbr.rel @p0 .LBB2_4-.Ltmp2, $4  }
0xc1: {  	[sflag:s17] =	ssyncadd.s32 $0xFFFFF800  }
0xc2: {  	_ =	swait.ge [sflag:s17], $0x800  }
0xc3: {  	[sflag:s17] =	ssyncset.done $0x0  }
0xc4: {  	[sflag:s17] =	ssyncadd.s32 $0xFFFFF800  }
.Ltmp3:
0xc5: {  	(pc) =	sbr.rel .LBB2_2-.Ltmp3, $4  }
0xc6: {  	_ = 	snop  }
0xc7: {  	s8 =	sadd.s32 s7, s19  }
0xc8: {  	s7 =	sadd.s32 $0x2000, s7;
	s8 =	sadd.s32 $0xB000, s8  }
0xc9: {  	[tilespmem:s23], [sflag:$0x2] =	stream.linear.gather [hbm4b:s8+s4], $0x400, $0x38;
	[tilespmem:$0x6F80] =	vst v63  }
.LBB2_5:
0xca: {  	_ =	sfence.sel $0x180000  }
0xcb: {  	[bflag:$0x0] =	sbarrier.arrive $0xFFFF  }
0xcc: {  	_ =	strace $0x90000047  }
0xcd: {  	s0 =	stileid.u32;
	[bflag:$0x2] =	sbarrier.arrive $0xFFFF  }
0xce: {  	p0 =	sne.s32 s0, $0x0;
	s0 =	rddreg [dreg:$0x4]  }
0xcf: {  	s0 =	sadd.s32 @!p0 $0x100000, s0  }
0xd0: {  	[sflag:s0] =	ssyncadd.tile.s32 @!p0 $0x1;
	_ =	shalt  }
.Lfunc_end2:
_tile_overlayer_lowered:
.L_overlay_start_2:
0xd1: {  	(tag) =	ssettag $0x2  }
0xd2: {  	s0 =	rddreg [dreg:$0x0];
	s2 =	stileid.u32  }
0xd3: {  	s1 =	rddreg [dreg:$0x1];
	p0 =	sne.s32 s2, $0x0  }
0xd4: {  	s3 =	rddreg [dreg:$0x2];
	[bflag:$0x3] =	sbarrier.arrive $0xFFFF;
	s2 =	simm.s32 @!p0 $0x1C05  }
0xd5: {  	[timem:s3], [sflag:s2] =	dma.local @!p0 [hbm:s0], s1  }
0xd6: {  	s0 =	simm.s32 @!p0 $0x5  }
0xd7: {  	_ =	swait.ge @!p0 [sflag:s0], s1  }
0xd8: {  	s1 =	ssub.s32 @!p0 $0x0, s1;
	[sflag:s0] =	ssyncset.done @!p0 $0x0  }
0xd9: {  	[sflag:s0] =	ssyncadd.s32 @!p0 s1  }
0xda: {  	[bflag:$0x3] =	sbarrier.arrive $0xFFFF  }
0xdb: {  	_ =	shalt  }

</sc_bundles>
